<compile_context>
chip_gen: v7x
topology: tpu7x:2x2x1
jax: 0.10.2.dev20260603
libtpu: 0.0.44.dev20260713+nightly
codegen_flags: <defaults>
</compile_context>

<pallas_src>
import functools

import jax
import jax.numpy as jnp
import ml_dtypes
import numpy as np
from jax import lax
from jax.experimental import pallas as pl
from jax.experimental.pallas import tpu as pltpu
from jax.experimental.pallas import tpu_sc as plsc

N_NODES = 10000
N_EDGES = 160000
F = 16
N_GRAPHS = 64

NC = 2
NS = 16
NW = NC * NS
EDGES_PER_TILE = N_EDGES // NW
NODE_ROWS_PER_TILE = N_NODES // NS
SCATTER_CHUNK = 1000
NROWS = N_NODES // 8

_MESH = plsc.VectorSubcoreMesh(core_axis_name="c", subcore_axis_name="s")
_SC_PARAMS = pltpu.CompilerParams(use_tc_tiling_on_sc=False)

_REP_H = np.kron(np.eye(F), np.ones((1, F)))
_REP_X = np.kron(np.ones((1, F)), np.eye(F))
_RBIG = np.kron(np.eye(8), _REP_H).astype(ml_dtypes.bfloat16)
_TBIG = np.kron(np.eye(8), _REP_X).astype(ml_dtypes.bfloat16)
_EYE8 = np.eye(8, dtype=np.float32)


def _leaky(v):
    return jnp.where(v >= 0, v, 0.01 * v)


@functools.partial(
    pl.kernel,
    mesh=_MESH,
    out_type=jax.ShapeDtypeStruct((N_EDGES, F), jnp.float32),
    scratch_types=[
        pltpu.VMEM((EDGES_PER_TILE,), jnp.int32),
        pltpu.VMEM((EDGES_PER_TILE, F), jnp.float32),
        pltpu.SemaphoreType.DMA,
    ],
    compiler_params=_SC_PARAMS,
)
def _sc_gather_rows(table_hbm, idx_hbm, out_hbm, idx_v, rows_v, sem):
    wid = lax.axis_index("s") * NC + lax.axis_index("c")
    base = wid * EDGES_PER_TILE
    pltpu.sync_copy(idx_hbm.at[pl.ds(base, EDGES_PER_TILE)], idx_v)
    pltpu.async_copy(table_hbm.at[idx_v], rows_v, sem).wait()
    pltpu.sync_copy(rows_v, out_hbm.at[pl.ds(base, EDGES_PER_TILE)])


@functools.partial(
    pl.kernel,
    mesh=_MESH,
    out_type=jax.ShapeDtypeStruct((NC, N_NODES, F), jnp.float32),
    scratch_types=[
        pltpu.VMEM((SCATTER_CHUNK, F), jnp.float32),
        pltpu.VMEM((SCATTER_CHUNK,), jnp.int32),
        pltpu.VMEM((NODE_ROWS_PER_TILE, F), jnp.float32),
        pltpu.VMEM_SHARED((N_NODES, F), jnp.float32),
    ],
    compiler_params=_SC_PARAMS,
)
def _sc_count(dst_hbm, out_hbm, ones_v, idx_v, row_v, acc):
    c = lax.axis_index("c")
    s = lax.axis_index("s")
    base = (c * NS + s) * EDGES_PER_TILE
    rows = pl.ds(s * NODE_ROWS_PER_TILE, NODE_ROWS_PER_TILE)

    def _fill_zero(i, carry):
        row_v[i, :] = jnp.zeros((16,), jnp.float32)
        return carry

    lax.fori_loop(0, NODE_ROWS_PER_TILE, _fill_zero, 0)
    pltpu.sync_copy(row_v, acc.at[rows])

    def _fill_ones(i, carry):
        ones_v[i, :] = jnp.ones((16,), jnp.float32)
        return carry

    lax.fori_loop(0, SCATTER_CHUNK, _fill_ones, 0)
    plsc.subcore_barrier()
    for ch in range(EDGES_PER_TILE // SCATTER_CHUNK):
        off = base + ch * SCATTER_CHUNK
        pltpu.sync_copy(dst_hbm.at[pl.ds(off, SCATTER_CHUNK)], idx_v)
        pltpu.sync_copy(ones_v, acc.at[idx_v], add=True)
    plsc.subcore_barrier()
    pltpu.sync_copy(acc.at[rows], row_v)
    pltpu.sync_copy(row_v, out_hbm.at[c, rows])


def _make_sc_scatter(with_counts):
    nchunks = EDGES_PER_TILE // SCATTER_CHUNK
    n_out = 2 if with_counts else 1
    out_type = tuple(
        jax.ShapeDtypeStruct((NC, N_NODES, F), jnp.float32)
        for _ in range(n_out)
    )
    scratch = [
        pltpu.VMEM((SCATTER_CHUNK, F), jnp.float32),
        pltpu.VMEM((SCATTER_CHUNK,), jnp.int32),
        pltpu.VMEM((NODE_ROWS_PER_TILE, F), jnp.float32),
        pltpu.VMEM_SHARED((N_NODES, F), jnp.float32),
    ]
    if with_counts:
        scratch += [
            pltpu.VMEM((SCATTER_CHUNK, F), jnp.float32),
            pltpu.VMEM_SHARED((N_NODES, F), jnp.float32),
        ]

    @functools.partial(
        pl.kernel,
        mesh=_MESH,
        out_type=out_type,
        scratch_types=scratch,
        compiler_params=_SC_PARAMS,
    )
    def _scatter(msg_hbm, dst_hbm, *refs):
        if with_counts:
            out_hbm, cnt_hbm, msg_v, idx_v, row_v, acc, ones_v, acc_c = refs
        else:
            out_hbm, msg_v, idx_v, row_v, acc = refs
        c = lax.axis_index("c")
        s = lax.axis_index("s")
        base = (c * NS + s) * EDGES_PER_TILE
        rows = pl.ds(s * NODE_ROWS_PER_TILE, NODE_ROWS_PER_TILE)

        def _fill_zero(i, carry):
            row_v[i, :] = jnp.zeros((16,), jnp.float32)
            return carry

        lax.fori_loop(0, NODE_ROWS_PER_TILE, _fill_zero, 0)
        pltpu.sync_copy(row_v, acc.at[rows])
        if with_counts:
            pltpu.sync_copy(row_v, acc_c.at[rows])

            def _fill_ones(i, carry):
                ones_v[i, :] = jnp.ones((16,), jnp.float32)
                return carry

            lax.fori_loop(0, SCATTER_CHUNK, _fill_ones, 0)
        plsc.subcore_barrier()
        for ch in range(nchunks):
            off = base + ch * SCATTER_CHUNK
            pltpu.sync_copy(msg_hbm.at[pl.ds(off, SCATTER_CHUNK)], msg_v)
            pltpu.sync_copy(dst_hbm.at[pl.ds(off, SCATTER_CHUNK)], idx_v)
            pltpu.sync_copy(msg_v, acc.at[idx_v], add=True)
            if with_counts:
                pltpu.sync_copy(ones_v, acc_c.at[idx_v], add=True)
        plsc.subcore_barrier()
        pltpu.sync_copy(acc.at[rows], row_v)
        pltpu.sync_copy(row_v, out_hbm.at[c, rows])
        if with_counts:
            pltpu.sync_copy(acc_c.at[rows], row_v)
            pltpu.sync_copy(row_v, cnt_hbm.at[c, rows])

    return _scatter


_sc_scatter_plain = _make_sc_scatter(False)


_EDGE_BLOCK = 6400
_EB8 = _EDGE_BLOCK // 8


def _msg_body(ea_ref, xs_ref, w1b_ref, b1t_ref, rbig_ref, tbig_ref,
              foldw_ref, out_ref):
    h8 = _leaky(jnp.dot(ea_ref[...].astype(jnp.bfloat16), w1b_ref[...],
                        preferred_element_type=jnp.float32) + b1t_ref[...])
    xs8 = xs_ref[...].astype(jnp.bfloat16)
    a = jnp.dot(h8.astype(jnp.bfloat16), rbig_ref[...],
                preferred_element_type=jnp.float32).astype(jnp.bfloat16)
    b = jnp.dot(xs8, tbig_ref[...],
                preferred_element_type=jnp.float32).astype(jnp.bfloat16)
    zaug = jnp.concatenate([a * b, xs8], axis=1)
    out_ref[...] = jnp.dot(zaug, foldw_ref[...],
                           preferred_element_type=jnp.float32)


def _tc_messages(ea32, xs128, W1b, b1t, foldw):
    grid = N_EDGES // _EDGE_BLOCK
    full = lambda i: (0, 0)
    return pl.pallas_call(
        _msg_body,
        grid=(grid,),
        in_specs=[
            pl.BlockSpec((_EB8, 32), lambda i: (i, 0)),
            pl.BlockSpec((_EB8, 128), lambda i: (i, 0)),
            pl.BlockSpec((32, 128), full),
            pl.BlockSpec((1, 128), full),
            pl.BlockSpec((128, 2048), full),
            pl.BlockSpec((128, 2048), full),
            pl.BlockSpec((2176, 128), full),
        ],
        out_specs=pl.BlockSpec((_EB8, 128), lambda i: (i, 0)),
        out_shape=jax.ShapeDtypeStruct((N_EDGES // 8, 128), jnp.float32),
    )(ea32, xs128, W1b, b1t, _RBIG, _TBIG, foldw)


def _fold16(v128):
    t = v128[:, 0:F]
    for j in range(1, 8):
        t = t + v128[:, j * F:(j + 1) * F]
    return t


def _tile8(v16):
    return jnp.concatenate([v16] * 8, axis=1)


def _bn_stats(a128):
    m = _tile8(_fold16(jnp.sum(a128, axis=0, keepdims=True)) / N_NODES)
    d = a128 - m
    v = _tile8(_fold16(jnp.sum(d * d, axis=0, keepdims=True)) / N_NODES)
    return m, v


def _bn1_body(p_ref, pc_ref, bias_ref, g_ref, b_ref, h_ref, cnt_ref):
    p = p_ref[...]
    pc = pc_ref[...]
    s = p[:NROWS] + p[NROWS:]
    cnt = jnp.maximum(pc[:NROWS] + pc[NROWS:], 1.0)
    a = _leaky(s / cnt + bias_ref[...])
    m, v = _bn_stats(a)
    h_ref[...] = g_ref[...] * (a - m) * lax.rsqrt(v + 1e-5) + b_ref[...]
    cnt_ref[...] = cnt


def _tc_bn1(p128, pc128, bias_t, gamma_t, beta_t):
    return pl.pallas_call(
        _bn1_body,
        out_shape=(
            jax.ShapeDtypeStruct((NROWS, 128), jnp.float32),
            jax.ShapeDtypeStruct((NROWS, 128), jnp.float32),
        ),
    )(p128, pc128, bias_t, gamma_t, beta_t)


def _final_body(p_ref, cnt_ref, bias_ref, g_ref, b_ref, batch8_ref, gf_ref,
                w1_ref, b1_ref, w2_ref, b2_ref, out_ref):
    p = p_ref[...]
    s = p[:NROWS] + p[NROWS:]
    a = _leaky(s / cnt_ref[...] + bias_ref[...])
    m, v = _bn_stats(a)
    h = g_ref[...] * (a - m) * lax.rsqrt(v + 1e-5) + b_ref[...]
    gid = lax.broadcasted_iota(jnp.int32, (N_GRAPHS, NROWS), 0)
    psum = jnp.zeros((N_GRAPHS, F), jnp.float32)
    gcnt = jnp.zeros((N_GRAPHS, 1), jnp.float32)
    for j in range(8):
        oh = (batch8_ref[j:j + 1, :] == gid).astype(jnp.float32)
        psum = psum + jnp.dot(oh, h[:, j * F:(j + 1) * F],
                              preferred_element_type=jnp.float32)
        gcnt = gcnt + jnp.sum(oh, axis=1, keepdims=True)
    pooled = psum / jnp.maximum(gcnt, 1.0)
    g = jnp.concatenate([pooled, gf_ref[...]], axis=1)
    g = _leaky(jnp.dot(g, w1_ref[...], preferred_element_type=jnp.float32)
               + b1_ref[...])
    g = _leaky(jnp.dot(g, w2_ref[...], preferred_element_type=jnp.float32)
               + b2_ref[...])
    out_ref[...] = g


def _tc_final(p128, cnt128, bias_t, gamma_t, beta_t, batch8, gf,
              lin1_W, lin1_b, lin2_W, lin2_b):
    return pl.pallas_call(
        _final_body,
        out_shape=jax.ShapeDtypeStruct((N_GRAPHS, 32), jnp.float32),
    )(p128, cnt128, bias_t, gamma_t, beta_t, batch8, gf,
      lin1_W, lin1_b.reshape(1, 64), lin2_W, lin2_b.reshape(1, 32))


def kernel(x, edge_index, edge_attr, graph_features, batch,
           enn1_W1, enn1_b1, enn1_W2, enn1_b2, conv1_bias, bn1_gamma, bn1_beta,
           enn2_W1, enn2_b1, enn2_W2, enn2_b2, conv2_bias, bn2_gamma, bn2_beta,
           lin1_W, lin1_b, lin2_W, lin2_b):
    src = edge_index[0]
    dst = edge_index[1]
    ea32 = edge_attr.reshape(N_EDGES // 8, 32)
    eye8 = jnp.asarray(_EYE8)
    W1b1 = jnp.kron(eye8, enn1_W1).astype(jnp.bfloat16)
    W1b2 = jnp.kron(eye8, enn2_W1).astype(jnp.bfloat16)
    b1t1 = jnp.tile(enn1_b1, 8).reshape(1, 128)
    b1t2 = jnp.tile(enn2_b1, 8).reshape(1, 128)
    def _foldw(W2, b2):
        W2m = W2.reshape(F, F, F).reshape(F * F, F)
        b2r = b2.reshape(F, F)
        return jnp.concatenate(
            [jnp.kron(eye8, W2m), jnp.kron(eye8, b2r)],
            axis=0).astype(jnp.bfloat16)

    foldw1 = _foldw(enn1_W2, enn1_b2)
    foldw2 = _foldw(enn2_W2, enn2_b2)
    bias1_t = jnp.tile(conv1_bias, 8).reshape(1, 128)
    bias2_t = jnp.tile(conv2_bias, 8).reshape(1, 128)
    g1_t = jnp.tile(bn1_gamma, 8).reshape(1, 128)
    b1_t = jnp.tile(bn1_beta, 8).reshape(1, 128)
    g2_t = jnp.tile(bn2_gamma, 8).reshape(1, 128)
    b2_t = jnp.tile(bn2_beta, 8).reshape(1, 128)
    batch8 = batch.reshape(NROWS, 8).T

    part1c = _sc_count(dst)
    xs1 = _sc_gather_rows(x, src)
    msg1 = _tc_messages(ea32, xs1.reshape(N_EDGES // 8, 128),
                        W1b1, b1t1, foldw1)
    (part1,) = _sc_scatter_plain(msg1.reshape(N_EDGES, F), dst)
    h1_128, cnt128 = _tc_bn1(part1.reshape(NC * NROWS, 128),
                             part1c.reshape(NC * NROWS, 128),
                             bias1_t, g1_t, b1_t)

    xs2 = _sc_gather_rows(h1_128.reshape(N_NODES, F), src)
    msg2 = _tc_messages(ea32, xs2.reshape(N_EDGES // 8, 128),
                        W1b2, b1t2, foldw2)
    (part2,) = _sc_scatter_plain(msg2.reshape(N_EDGES, F), dst)

    return _tc_final(part2.reshape(NC * NROWS, 128), cnt128,
                     bias2_t, g2_t, b2_t, batch8, graph_features,
                     lin1_W, lin1_b, lin2_W, lin2_b)

# --- scband reference (transcript-rebuilt; emitter-appended) ---
"""Pipeline reference for scband-enn-55783035240977 (READ-ONLY COPY).

The authoritative reference and input builder live on the scoring server;
editing this copy changes nothing except your own understanding.
"""

import jax, jax.numpy as jnp
import numpy as np

N_NODES = 10000
N_EDGES = 160000
D_FEAT = 16
D_EDGE = 4
N_GRAPHS = 64
EXTRA = 8
NN_INNER = 16  # 2 ** num_edge_feat


def _leaky(v):
    return jnp.where(v >= 0, v, 0.01 * v)


def _init(k, shape, fan_in):
    return jax.random.uniform(k, shape, jnp.float32, -1.0, 1.0) / np.sqrt(fan_in)


def setup_inputs(seed: int = 0):
    key = jax.random.key(seed)
    ks = jax.random.split(key, 32)
    inp = {}
    inp["x"] = jax.random.normal(ks[0], (N_NODES, D_FEAT), dtype=jnp.float32)
    inp["edge_index"] = jax.random.randint(ks[1], (2, N_EDGES), 0, N_NODES)
    inp["edge_attr"] = jax.random.uniform(ks[2], (N_EDGES, D_EDGE), dtype=jnp.float32)
    inp["graph_features"] = jax.random.normal(ks[3], (N_GRAPHS, EXTRA), dtype=jnp.float32)
    inp["batch"] = jnp.sort(jax.random.randint(ks[4], (N_NODES,), 0, N_GRAPHS))
    # NNConv block 1 (in=16 -> out=16), edge MLP: Linear(4,16) -> LeakyReLU -> Linear(16, 16*16)
    inp["enn1_W1"] = _init(ks[5], (D_EDGE, NN_INNER), D_EDGE)
    inp["enn1_b1"] = jnp.zeros((NN_INNER,), jnp.float32)
    inp["enn1_W2"] = _init(ks[6], (NN_INNER, 16 * 16), NN_INNER)
    inp["enn1_b2"] = jnp.zeros((16 * 16,), jnp.float32)
    inp["conv1_bias"] = jnp.zeros((16,), jnp.float32)
    inp["bn1_gamma"] = jnp.ones((16,), jnp.float32)
    inp["bn1_beta"] = jnp.zeros((16,), jnp.float32)
    # NNConv block 2 (in=16 -> out=16)
    inp["enn2_W1"] = _init(ks[7], (D_EDGE, NN_INNER), D_EDGE)
    inp["enn2_b1"] = jnp.zeros((NN_INNER,), jnp.float32)
    inp["enn2_W2"] = _init(ks[8], (NN_INNER, 16 * 16), NN_INNER)
    inp["enn2_b2"] = jnp.zeros((16 * 16,), jnp.float32)
    inp["conv2_bias"] = jnp.zeros((16,), jnp.float32)
    inp["bn2_gamma"] = jnp.ones((16,), jnp.float32)
    inp["bn2_beta"] = jnp.zeros((16,), jnp.float32)
    # graph-level head MLP: Linear(16+8, 64) -> LeakyReLU -> Linear(64, 32) -> LeakyReLU
    inp["lin1_W"] = _init(ks[9], (16 + EXTRA, 64), 16 + EXTRA)
    inp["lin1_b"] = jnp.zeros((64,), jnp.float32)
    inp["lin2_W"] = _init(ks[10], (64, 32), 64)
    inp["lin2_b"] = jnp.zeros((32,), jnp.float32)
    return inp


def _nnconv(x, src, dst, ea, W1, b1, W2, b2, bias, out_ch):
    # edge-conditioned conv (PyG NNConv, aggr='mean', root_weight=False)
    h = _leaky(ea @ W1 + b1)
    w = (h @ W2 + b2).reshape(ea.shape[0], x.shape[1], out_ch)
    msg = jnp.einsum('ei,eio->eo', x[src], w)
    s = jax.ops.segment_sum(msg, dst, num_segments=N_NODES)
    cnt = jax.ops.segment_sum(jnp.ones((dst.shape[0],), msg.dtype), dst, num_segments=N_NODES)
    return s / jnp.maximum(cnt, 1.0)[:, None] + bias


def _bn(x, g, b):
    # BatchNorm1d in training mode: batch statistics, biased variance
    m = jnp.mean(x, axis=0)
    v = jnp.var(x, axis=0)
    return g * (x - m) / jnp.sqrt(v + 1e-5) + b


def reference(x, edge_index, edge_attr, graph_features, batch,
              enn1_W1, enn1_b1, enn1_W2, enn1_b2, conv1_bias, bn1_gamma, bn1_beta,
              enn2_W1, enn2_b1, enn2_W2, enn2_b2, conv2_bias, bn2_gamma, bn2_beta,
              lin1_W, lin1_b, lin2_W, lin2_b):
    src, dst = edge_index[0], edge_index[1]
    h = _nnconv(x, src, dst, edge_attr, enn1_W1, enn1_b1, enn1_W2, enn1_b2, conv1_bias, 16)
    h = _leaky(h)
    h = _bn(h, bn1_gamma, bn1_beta)
    h = _nnconv(h, src, dst, edge_attr, enn2_W1, enn2_b1, enn2_W2, enn2_b2, conv2_bias, 16)
    h = _leaky(h)
    h = _bn(h, bn2_gamma, bn2_beta)
    # scatter_mean over batch (graph readout) then concat graph features
    s = jax.ops.segment_sum(h, batch, num_segments=N_GRAPHS)
    cnt = jax.ops.segment_sum(jnp.ones((batch.shape[0],), h.dtype), batch, num_segments=N_GRAPHS)
    pooled = s / jnp.maximum(cnt, 1.0)[:, None]
    g = jnp.concatenate([pooled, graph_features], axis=1)
    g = _leaky(g @ lin1_W + lin1_b)
    g = _leaky(g @ lin2_W + lin2_b)
    return g

if __name__ == "__main__":
    import jax
    _d = setup_inputs()
    print(jax.jit(kernel)(*tuple(_d.values())))

</pallas_src>

<mosaic_0001>
#map = affine_map<(d0, d1) -> (0, 0)>
#map1 = affine_map<(d0, d1) -> (0)>
#map2 = affine_map<(d0, d1) -> (0, 0, 0)>
module attributes {stable_mosaic.version = 14 : i64} {
  func.func @_scatter(%arg0: i32, %arg1: i32, %arg2: memref<160000x16xf32, #tpu.memory_space<hbm>>, %arg3: memref<160000xi32, #tpu.memory_space<hbm>>, %arg4: memref<2x10000x16xf32, #tpu.memory_space<hbm>>, %arg5: memref<1000x16xf32, #tpu.memory_space<vmem>>, %arg6: memref<1000xi32, #tpu.memory_space<vmem>>, %arg7: memref<625x16xf32, #tpu.memory_space<vmem>>, %arg8: memref<10000x16xf32, #tpu.memory_space<vmem_shared>>) attributes {dimension_semantics = [#tpu.dimension_semantics<core_parallel>, #tpu.dimension_semantics<subcore_parallel>], iteration_bounds = array<i64: 2, 16>, scalar_prefetch = 0 : i64, scratch_operands = 4 : i64, tpu.core_type = #tpu.core_type<sc_vector_subcore>, window_params = [{transform_indices = #map}, {transform_indices = #map1}, {transform_indices = #map2}]} {
    %mul3A = arith.constant 16 : i32
    %mul3A_0 = arith.muli %arg0, %mul3A : i32
    %add3A = arith.addi %mul3A_0, %arg1 : i32
    %mul3A_1 = arith.constant 5000 : i32
    %mul3A_2 = arith.muli %add3A, %mul3A_1 : i32
    %mul3A_3 = arith.constant 625 : i32
    %mul3A_4 = arith.muli %arg1, %mul3A_3 : i32
    %scan3A = arith.constant 0 : i32
    %scan3A_5 = arith.constant 0 : i32
    %scan3A_6 = arith.constant 625 : i32
    %scan3A_7 = arith.addi %scan3A_5, %scan3A_6 : i32
    %scan3A_8 = arith.constant 1 : i32
    scf.for %scan3A_21 = %scan3A_5 to %scan3A_7 step %scan3A_8  : i32 {
      %broadcast_in_dim3A = arith.constant 0.000000e+00 : f32
      %broadcast_in_dim3A_22 = vector.broadcast %broadcast_in_dim3A : f32 to vector<16xf32>
      %swap3A = arith.index_cast %scan3A_21 : i32 to index
      %swap3A_23 = arith.constant 0 : index
      %swap3A_24 = tpu.vector_load %arg7[%swap3A, %swap3A_23] {strides = array<i32>} : memref<625x16xf32, #tpu.memory_space<vmem>>, vector<1x16xf32>,
      %swap3A_25 = vector.shape_cast %swap3A_24 : vector<1x16xf32> to vector<16xf32>
      %swap3A_26 = vector.shape_cast %broadcast_in_dim3A_22 : vector<16xf32> to vector<1x16xf32>
      tpu.vector_store %arg7[%swap3A, %swap3A_23], %swap3A_26 {strides = array<i32>} : memref<625x16xf32, #tpu.memory_space<vmem>>, vector<1x16xf32>,
    }
    %scan3A_9 = arith.constant 625 : i32
    "tpu.region"() ({
      %run_scoped3A = tpu.sem_alloc : memref<!tpu.dma_semaphore, #tpu.memory_space<semaphore_mem>>
      %dma_start3A = arith.constant 0 : i32
      %dma_start3A_21 = tpu.memref_slice %arg8[%mul3A_4, %dma_start3A] : memref<10000x16xf32, #tpu.memory_space<vmem_shared>> -> memref<625x16xf32, #tpu.memory_space<vmem_shared>>
      %dma_start3A_22 = arith.constant 0 : i32
      %dma_start3A_23 = tpu.memref_slice %arg8[%mul3A_4, %dma_start3A_22] : memref<10000x16xf32, #tpu.memory_space<vmem_shared>> -> memref<625x16xf32, #tpu.memory_space<vmem_shared>>
      tpu.enqueue_dma source(%arg7 : memref<625x16xf32, #tpu.memory_space<vmem>>) target(%dma_start3A_23 : memref<625x16xf32, #tpu.memory_space<vmem_shared>>) target_semaphore(%run_scoped3A : memref<!tpu.dma_semaphore, #tpu.memory_space<semaphore_mem>>)
      %dma_wait3A = arith.constant 0 : i32
      %dma_wait3A_24 = tpu.memref_slice %arg8[%mul3A_4, %dma_wait3A] : memref<10000x16xf32, #tpu.memory_space<vmem_shared>> -> memref<625x16xf32, #tpu.memory_space<vmem_shared>>
      %dma_wait3A_25 = arith.constant 0 : i32
      %dma_wait3A_26 = tpu.memref_slice %arg8[%mul3A_4, %dma_wait3A_25] : memref<10000x16xf32, #tpu.memory_space<vmem_shared>> -> memref<625x16xf32, #tpu.memory_space<vmem_shared>>
      tpu.wait_dma2 semaphore(%run_scoped3A : memref<!tpu.dma_semaphore, #tpu.memory_space<semaphore_mem>>) src(%arg7 : memref<625x16xf32, #tpu.memory_space<vmem>>) dst(%dma_wait3A_26 : memref<625x16xf32, #tpu.memory_space<vmem_shared>>)
      tpu.yield
    }) : () -> ()
    %barrier3A = arith.constant 0 : index
    tpu.barrier barrier_id(%barrier3A)
    %add3A_10 = arith.constant 0 : i32
    %add3A_11 = arith.addi %mul3A_2, %add3A_10 : i32
    "tpu.region"() ({
      %run_scoped3A = tpu.sem_alloc : memref<!tpu.dma_semaphore, #tpu.memory_space<semaphore_mem>>
      %dma_start3A = arith.constant 0 : i32
      %dma_start3A_21 = tpu.memref_slice %arg2[%add3A_11, %dma_start3A] : memref<160000x16xf32, #tpu.memory_space<hbm>> -> memref<1000x16xf32, #tpu.memory_space<hbm>>
      %dma_start3A_22 = arith.constant 0 : i32
      %dma_start3A_23 = tpu.memref_slice %arg2[%add3A_11, %dma_start3A_22] : memref<160000x16xf32, #tpu.memory_space<hbm>> -> memref<1000x16xf32, #tpu.memory_space<hbm>>
      tpu.enqueue_dma source(%dma_start3A_23 : memref<1000x16xf32, #tpu.memory_space<hbm>>) target(%arg5 : memref<1000x16xf32, #tpu.memory_space<vmem>>) target_semaphore(%run_scoped3A : memref<!tpu.dma_semaphore, #tpu.memory_space<semaphore_mem>>)
      %dma_wait3A = arith.constant 0 : i32
      %dma_wait3A_24 = tpu.memref_slice %arg2[%add3A_11, %dma_wait3A] : memref<160000x16xf32, #tpu.memory_space<hbm>> -> memref<1000x16xf32, #tpu.memory_space<hbm>>
      %dma_wait3A_25 = arith.constant 0 : i32
      %dma_wait3A_26 = tpu.memref_slice %arg2[%add3A_11, %dma_wait3A_25] : memref<160000x16xf32, #tpu.memory_space<hbm>> -> memref<1000x16xf32, #tpu.memory_space<hbm>>
      tpu.wait_dma2 semaphore(%run_scoped3A : memref<!tpu.dma_semaphore, #tpu.memory_space<semaphore_mem>>) src(%dma_wait3A_26 : memref<1000x16xf32, #tpu.memory_space<hbm>>) dst(%arg5 : memref<1000x16xf32, #tpu.memory_space<vmem>>)
      tpu.yield
    }) : () -> ()
    "tpu.region"() ({
      %run_scoped3A = tpu.sem_alloc : memref<!tpu.dma_semaphore, #tpu.memory_space<semaphore_mem>>
      %dma_start3A = tpu.memref_slice %arg3[%add3A_11] : memref<160000xi32, #tpu.memory_space<hbm>> -> memref<1000xi32, #tpu.memory_space<hbm>>
      %dma_start3A_21 = tpu.memref_slice %arg3[%add3A_11] : memref<160000xi32, #tpu.memory_space<hbm>> -> memref<1000xi32, #tpu.memory_space<hbm>>
      tpu.enqueue_dma source(%dma_start3A_21 : memref<1000xi32, #tpu.memory_space<hbm>>) target(%arg6 : memref<1000xi32, #tpu.memory_space<vmem>>) target_semaphore(%run_scoped3A : memref<!tpu.dma_semaphore, #tpu.memory_space<semaphore_mem>>)
      %dma_wait3A = tpu.memref_slice %arg3[%add3A_11] : memref<160000xi32, #tpu.memory_space<hbm>> -> memref<1000xi32, #tpu.memory_space<hbm>>
      %dma_wait3A_22 = tpu.memref_slice %arg3[%add3A_11] : memref<160000xi32, #tpu.memory_space<hbm>> -> memref<1000xi32, #tpu.memory_space<hbm>>
      tpu.wait_dma2 semaphore(%run_scoped3A : memref<!tpu.dma_semaphore, #tpu.memory_space<semaphore_mem>>) src(%dma_wait3A_22 : memref<1000xi32, #tpu.memory_space<hbm>>) dst(%arg6 : memref<1000xi32, #tpu.memory_space<vmem>>)
      tpu.yield
    }) : () -> ()
    "tpu.region"() ({
      %run_scoped3A = tpu.sem_alloc : memref<!tpu.dma_semaphore, #tpu.memory_space<semaphore_mem>>
      %dma_start3A = arith.constant 0 : i32
      %dma_start3A_21 = arith.constant 0 : i32
      %dma_start3A_22 = tpu.memref_slice %arg8[%dma_start3A, %dma_start3A_21] : memref<10000x16xf32, #tpu.memory_space<vmem_shared>> -> memref<10000x16xf32, #tpu.memory_space<vmem_shared>>
      tpu.enqueue_indirect_dma source(%arg5 : memref<1000x16xf32, #tpu.memory_space<vmem>>) target(%dma_start3A_22 : memref<10000x16xf32, #tpu.memory_space<vmem_shared>>) offsets(%arg6 : memref<1000xi32, #tpu.memory_space<vmem>>) semaphore(%run_scoped3A : memref<!tpu.dma_semaphore, #tpu.memory_space<semaphore_mem>>) {add = true}
      %dma_wait3A = arith.constant 0 : i32
      %dma_wait3A_23 = arith.constant 0 : i32
      %dma_wait3A_24 = tpu.memref_slice %arg8[%dma_wait3A, %dma_wait3A_23] : memref<10000x16xf32, #tpu.memory_space<vmem_shared>> -> memref<10000x16xf32, #tpu.memory_space<vmem_shared>>
      tpu.wait_indirect_dma semaphore(%run_scoped3A : memref<!tpu.dma_semaphore, #tpu.memory_space<semaphore_mem>>) src(%arg5 : memref<1000x16xf32, #tpu.memory_space<vmem>>) dst(%dma_wait3A_24 : memref<10000x16xf32, #tpu.memory_space<vmem_shared>>)
      tpu.yield
    }) : () -> ()
    %add3A_12 = arith.constant 1000 : i32
    %add3A_13 = arith.addi %mul3A_2, %add3A_12 : i32
    "tpu.region"() ({
      %run_scoped3A = tpu.sem_alloc : memref<!tpu.dma_semaphore, #tpu.memory_space<semaphore_mem>>
      %dma_start3A = arith.constant 0 : i32
      %dma_start3A_21 = tpu.memref_slice %arg2[%add3A_13, %dma_start3A] : memref<160000x16xf32, #tpu.memory_space<hbm>> -> memref<1000x16xf32, #tpu.memory_space<hbm>>
      %dma_start3A_22 = arith.constant 0 : i32
      %dma_start3A_23 = tpu.memref_slice %arg2[%add3A_13, %dma_start3A_22] : memref<160000x16xf32, #tpu.memory_space<hbm>> -> memref<1000x16xf32, #tpu.memory_space<hbm>>
      tpu.enqueue_dma source(%dma_start3A_23 : memref<1000x16xf32, #tpu.memory_space<hbm>>) target(%arg5 : memref<1000x16xf32, #tpu.memory_space<vmem>>) target_semaphore(%run_scoped3A : memref<!tpu.dma_semaphore, #tpu.memory_space<semaphore_mem>>)
      %dma_wait3A = arith.constant 0 : i32
      %dma_wait3A_24 = tpu.memref_slice %arg2[%add3A_13, %dma_wait3A] : memref<160000x16xf32, #tpu.memory_space<hbm>> -> memref<1000x16xf32, #tpu.memory_space<hbm>>
      %dma_wait3A_25 = arith.constant 0 : i32
      %dma_wait3A_26 = tpu.memref_slice %arg2[%add3A_13, %dma_wait3A_25] : memref<160000x16xf32, #tpu.memory_space<hbm>> -> memref<1000x16xf32, #tpu.memory_space<hbm>>
      tpu.wait_dma2 semaphore(%run_scoped3A : memref<!tpu.dma_semaphore, #tpu.memory_space<semaphore_mem>>) src(%dma_wait3A_26 : memref<1000x16xf32, #tpu.memory_space<hbm>>) dst(%arg5 : memref<1000x16xf32, #tpu.memory_space<vmem>>)
      tpu.yield
    }) : () -> ()
    "tpu.region"() ({
      %run_scoped3A = tpu.sem_alloc : memref<!tpu.dma_semaphore, #tpu.memory_space<semaphore_mem>>
      %dma_start3A = tpu.memref_slice %arg3[%add3A_13] : memref<160000xi32, #tpu.memory_space<hbm>> -> memref<1000xi32, #tpu.memory_space<hbm>>
      %dma_start3A_21 = tpu.memref_slice %arg3[%add3A_13] : memref<160000xi32, #tpu.memory_space<hbm>> -> memref<1000xi32, #tpu.memory_space<hbm>>
      tpu.enqueue_dma source(%dma_start3A_21 : memref<1000xi32, #tpu.memory_space<hbm>>) target(%arg6 : memref<1000xi32, #tpu.memory_space<vmem>>) target_semaphore(%run_scoped3A : memref<!tpu.dma_semaphore, #tpu.memory_space<semaphore_mem>>)
      %dma_wait3A = tpu.memref_slice %arg3[%add3A_13] : memref<160000xi32, #tpu.memory_space<hbm>> -> memref<1000xi32, #tpu.memory_space<hbm>>
      %dma_wait3A_22 = tpu.memref_slice %arg3[%add3A_13] : memref<160000xi32, #tpu.memory_space<hbm>> -> memref<1000xi32, #tpu.memory_space<hbm>>
      tpu.wait_dma2 semaphore(%run_scoped3A : memref<!tpu.dma_semaphore, #tpu.memory_space<semaphore_mem>>) src(%dma_wait3A_22 : memref<1000xi32, #tpu.memory_space<hbm>>) dst(%arg6 : memref<1000xi32, #tpu.memory_space<vmem>>)
      tpu.yield
    }) : () -> ()
    "tpu.region"() ({
      %run_scoped3A = tpu.sem_alloc : memref<!tpu.dma_semaphore, #tpu.memory_space<semaphore_mem>>
      %dma_start3A = arith.constant 0 : i32
      %dma_start3A_21 = arith.constant 0 : i32
      %dma_start3A_22 = tpu.memref_slice %arg8[%dma_start3A, %dma_start3A_21] : memref<10000x16xf32, #tpu.memory_space<vmem_shared>> -> memref<10000x16xf32, #tpu.memory_space<vmem_shared>>
      tpu.enqueue_indirect_dma source(%arg5 : memref<1000x16xf32, #tpu.memory_space<vmem>>) target(%dma_start3A_22 : memref<10000x16xf32, #tpu.memory_space<vmem_shared>>) offsets(%arg6 : memref<1000xi32, #tpu.memory_space<vmem>>) semaphore(%run_scoped3A : memref<!tpu.dma_semaphore, #tpu.memory_space<semaphore_mem>>) {add = true}
      %dma_wait3A = arith.constant 0 : i32
      %dma_wait3A_23 = arith.constant 0 : i32
      %dma_wait3A_24 = tpu.memref_slice %arg8[%dma_wait3A, %dma_wait3A_23] : memref<10000x16xf32, #tpu.memory_space<vmem_shared>> -> memref<10000x16xf32, #tpu.memory_space<vmem_shared>>
      tpu.wait_indirect_dma semaphore(%run_scoped3A : memref<!tpu.dma_semaphore, #tpu.memory_space<semaphore_mem>>) src(%arg5 : memref<1000x16xf32, #tpu.memory_space<vmem>>) dst(%dma_wait3A_24 : memref<10000x16xf32, #tpu.memory_space<vmem_shared>>)
      tpu.yield
    }) : () -> ()
    %add3A_14 = arith.constant 2000 : i32
    %add3A_15 = arith.addi %mul3A_2, %add3A_14 : i32
    "tpu.region"() ({
      %run_scoped3A = tpu.sem_alloc : memref<!tpu.dma_semaphore, #tpu.memory_space<semaphore_mem>>
      %dma_start3A = arith.constant 0 : i32
      %dma_start3A_21 = tpu.memref_slice %arg2[%add3A_15, %dma_start3A] : memref<160000x16xf32, #tpu.memory_space<hbm>> -> memref<1000x16xf32, #tpu.memory_space<hbm>>
      %dma_start3A_22 = arith.constant 0 : i32
      %dma_start3A_23 = tpu.memref_slice %arg2[%add3A_15, %dma_start3A_22] : memref<160000x16xf32, #tpu.memory_space<hbm>> -> memref<1000x16xf32, #tpu.memory_space<hbm>>
      tpu.enqueue_dma source(%dma_start3A_23 : memref<1000x16xf32, #tpu.memory_space<hbm>>) target(%arg5 : memref<1000x16xf32, #tpu.memory_space<vmem>>) target_semaphore(%run_scoped3A : memref<!tpu.dma_semaphore, #tpu.memory_space<semaphore_mem>>)
      %dma_wait3A = arith.constant 0 : i32
      %dma_wait3A_24 = tpu.memref_slice %arg2[%add3A_15, %dma_wait3A] : memref<160000x16xf32, #tpu.memory_space<hbm>> -> memref<1000x16xf32, #tpu.memory_space<hbm>>
      %dma_wait3A_25 = arith.constant 0 : i32
      %dma_wait3A_26 = tpu.memref_slice %arg2[%add3A_15, %dma_wait3A_25] : memref<160000x16xf32, #tpu.memory_space<hbm>> -> memref<1000x16xf32, #tpu.memory_space<hbm>>
      tpu.wait_dma2 semaphore(%run_scoped3A : memref<!tpu.dma_semaphore, #tpu.memory_space<semaphore_mem>>) src(%dma_wait3A_26 : memref<1000x16xf32, #tpu.memory_space<hbm>>) dst(%arg5 : memref<1000x16xf32, #tpu.memory_space<vmem>>)
      tpu.yield
    }) : () -> ()
    "tpu.region"() ({
      %run_scoped3A = tpu.sem_alloc : memref<!tpu.dma_semaphore, #tpu.memory_space<semaphore_mem>>
      %dma_start3A = tpu.memref_slice %arg3[%add3A_15] : memref<160000xi32, #tpu.memory_space<hbm>> -> memref<1000xi32, #tpu.memory_space<hbm>>
      %dma_start3A_21 = tpu.memref_slice %arg3[%add3A_15] : memref<160000xi32, #tpu.memory_space<hbm>> -> memref<1000xi32, #tpu.memory_space<hbm>>
      tpu.enqueue_dma source(%dma_start3A_21 : memref<1000xi32, #tpu.memory_space<hbm>>) target(%arg6 : memref<1000xi32, #tpu.memory_space<vmem>>) target_semaphore(%run_scoped3A : memref<!tpu.dma_semaphore, #tpu.memory_space<semaphore_mem>>)
      %dma_wait3A = tpu.memref_slice %arg3[%add3A_15] : memref<160000xi32, #tpu.memory_space<hbm>> -> memref<1000xi32, #tpu.memory_space<hbm>>
      %dma_wait3A_22 = tpu.memref_slice %arg3[%add3A_15] : memref<160000xi32, #tpu.memory_space<hbm>> -> memref<1000xi32, #tpu.memory_space<hbm>>
      tpu.wait_dma2 semaphore(%run_scoped3A : memref<!tpu.dma_semaphore, #tpu.memory_space<semaphore_mem>>) src(%dma_wait3A_22 : memref<1000xi32, #tpu.memory_space<hbm>>) dst(%arg6 : memref<1000xi32, #tpu.memory_space<vmem>>)
      tpu.yield
    }) : () -> ()
    "tpu.region"() ({
      %run_scoped3A = tpu.sem_alloc : memref<!tpu.dma_semaphore, #tpu.memory_space<semaphore_mem>>
      %dma_start3A = arith.constant 0 : i32
      %dma_start3A_21 = arith.constant 0 : i32
      %dma_start3A_22 = tpu.memref_slice %arg8[%dma_start3A, %dma_start3A_21] : memref<10000x16xf32, #tpu.memory_space<vmem_shared>> -> memref<10000x16xf32, #tpu.memory_space<vmem_shared>>
      tpu.enqueue_indirect_dma source(%arg5 : memref<1000x16xf32, #tpu.memory_space<vmem>>) target(%dma_start3A_22 : memref<10000x16xf32, #tpu.memory_space<vmem_shared>>) offsets(%arg6 : memref<1000xi32, #tpu.memory_space<vmem>>) semaphore(%run_scoped3A : memref<!tpu.dma_semaphore, #tpu.memory_space<semaphore_mem>>) {add = true}
      %dma_wait3A = arith.constant 0 : i32
      %dma_wait3A_23 = arith.constant 0 : i32
      %dma_wait3A_24 = tpu.memref_slice %arg8[%dma_wait3A, %dma_wait3A_23] : memref<10000x16xf32, #tpu.memory_space<vmem_shared>> -> memref<10000x16xf32, #tpu.memory_space<vmem_shared>>
      tpu.wait_indirect_dma semaphore(%run_scoped3A : memref<!tpu.dma_semaphore, #tpu.memory_space<semaphore_mem>>) src(%arg5 : memref<1000x16xf32, #tpu.memory_space<vmem>>) dst(%dma_wait3A_24 : memref<10000x16xf32, #tpu.memory_space<vmem_shared>>)
      tpu.yield
    }) : () -> ()
    %add3A_16 = arith.constant 3000 : i32
    %add3A_17 = arith.addi %mul3A_2, %add3A_16 : i32
    "tpu.region"() ({
      %run_scoped3A = tpu.sem_alloc : memref<!tpu.dma_semaphore, #tpu.memory_space<semaphore_mem>>
      %dma_start3A = arith.constant 0 : i32
      %dma_start3A_21 = tpu.memref_slice %arg2[%add3A_17, %dma_start3A] : memref<160000x16xf32, #tpu.memory_space<hbm>> -> memref<1000x16xf32, #tpu.memory_space<hbm>>
      %dma_start3A_22 = arith.constant 0 : i32
      %dma_start3A_23 = tpu.memref_slice %arg2[%add3A_17, %dma_start3A_22] : memref<160000x16xf32, #tpu.memory_space<hbm>> -> memref<1000x16xf32, #tpu.memory_space<hbm>>
      tpu.enqueue_dma source(%dma_start3A_23 : memref<1000x16xf32, #tpu.memory_space<hbm>>) target(%arg5 : memref<1000x16xf32, #tpu.memory_space<vmem>>) target_semaphore(%run_scoped3A : memref<!tpu.dma_semaphore, #tpu.memory_space<semaphore_mem>>)
      %dma_wait3A = arith.constant 0 : i32
      %dma_wait3A_24 = tpu.memref_slice %arg2[%add3A_17, %dma_wait3A] : memref<160000x16xf32, #tpu.memory_space<hbm>> -> memref<1000x16xf32, #tpu.memory_space<hbm>>
      %dma_wait3A_25 = arith.constant 0 : i32
      %dma_wait3A_26 = tpu.memref_slice %arg2[%add3A_17, %dma_wait3A_25] : memref<160000x16xf32, #tpu.memory_space<hbm>> -> memref<1000x16xf32, #tpu.memory_space<hbm>>
      tpu.wait_dma2 semaphore(%run_scoped3A : memref<!tpu.dma_semaphore, #tpu.memory_space<semaphore_mem>>) src(%dma_wait3A_26 : memref<1000x16xf32, #tpu.memory_space<hbm>>) dst(%arg5 : memref<1000x16xf32, #tpu.memory_space<vmem>>)
      tpu.yield
    }) : () -> ()
    "tpu.region"() ({
      %run_scoped3A = tpu.sem_alloc : memref<!tpu.dma_semaphore, #tpu.memory_space<semaphore_mem>>
      %dma_start3A = tpu.memref_slice %arg3[%add3A_17] : memref<160000xi32, #tpu.memory_space<hbm>> -> memref<1000xi32, #tpu.memory_space<hbm>>
      %dma_start3A_21 = tpu.memref_slice %arg3[%add3A_17] : memref<160000xi32, #tpu.memory_space<hbm>> -> memref<1000xi32, #tpu.memory_space<hbm>>
      tpu.enqueue_dma source(%dma_start3A_21 : memref<1000xi32, #tpu.memory_space<hbm>>) target(%arg6 : memref<1000xi32, #tpu.memory_space<vmem>>) target_semaphore(%run_scoped3A : memref<!tpu.dma_semaphore, #tpu.memory_space<semaphore_mem>>)
      %dma_wait3A = tpu.memref_slice %arg3[%add3A_17] : memref<160000xi32, #tpu.memory_space<hbm>> -> memref<1000xi32, #tpu.memory_space<hbm>>
      %dma_wait3A_22 = tpu.memref_slice %arg3[%add3A_17] : memref<160000xi32, #tpu.memory_space<hbm>> -> memref<1000xi32, #tpu.memory_space<hbm>>
      tpu.wait_dma2 semaphore(%run_scoped3A : memref<!tpu.dma_semaphore, #tpu.memory_space<semaphore_mem>>) src(%dma_wait3A_22 : memref<1000xi32, #tpu.memory_space<hbm>>) dst(%arg6 : memref<1000xi32, #tpu.memory_space<vmem>>)
      tpu.yield
    }) : () -> ()
    "tpu.region"() ({
      %run_scoped3A = tpu.sem_alloc : memref<!tpu.dma_semaphore, #tpu.memory_space<semaphore_mem>>
      %dma_start3A = arith.constant 0 : i32
      %dma_start3A_21 = arith.constant 0 : i32
      %dma_start3A_22 = tpu.memref_slice %arg8[%dma_start3A, %dma_start3A_21] : memref<10000x16xf32, #tpu.memory_space<vmem_shared>> -> memref<10000x16xf32, #tpu.memory_space<vmem_shared>>
      tpu.enqueue_indirect_dma source(%arg5 : memref<1000x16xf32, #tpu.memory_space<vmem>>) target(%dma_start3A_22 : memref<10000x16xf32, #tpu.memory_space<vmem_shared>>) offsets(%arg6 : memref<1000xi32, #tpu.memory_space<vmem>>) semaphore(%run_scoped3A : memref<!tpu.dma_semaphore, #tpu.memory_space<semaphore_mem>>) {add = true}
      %dma_wait3A = arith.constant 0 : i32
      %dma_wait3A_23 = arith.constant 0 : i32
      %dma_wait3A_24 = tpu.memref_slice %arg8[%dma_wait3A, %dma_wait3A_23] : memref<10000x16xf32, #tpu.memory_space<vmem_shared>> -> memref<10000x16xf32, #tpu.memory_space<vmem_shared>>
      tpu.wait_indirect_dma semaphore(%run_scoped3A : memref<!tpu.dma_semaphore, #tpu.memory_space<semaphore_mem>>) src(%arg5 : memref<1000x16xf32, #tpu.memory_space<vmem>>) dst(%dma_wait3A_24 : memref<10000x16xf32, #tpu.memory_space<vmem_shared>>)
      tpu.yield
    }) : () -> ()
    %add3A_18 = arith.constant 4000 : i32
    %add3A_19 = arith.addi %mul3A_2, %add3A_18 : i32
    "tpu.region"() ({
      %run_scoped3A = tpu.sem_alloc : memref<!tpu.dma_semaphore, #tpu.memory_space<semaphore_mem>>
      %dma_start3A = arith.constant 0 : i32
      %dma_start3A_21 = tpu.memref_slice %arg2[%add3A_19, %dma_start3A] : memref<160000x16xf32, #tpu.memory_space<hbm>> -> memref<1000x16xf32, #tpu.memory_space<hbm>>
      %dma_start3A_22 = arith.constant 0 : i32
      %dma_start3A_23 = tpu.memref_slice %arg2[%add3A_19, %dma_start3A_22] : memref<160000x16xf32, #tpu.memory_space<hbm>> -> memref<1000x16xf32, #tpu.memory_space<hbm>>
      tpu.enqueue_dma source(%dma_start3A_23 : memref<1000x16xf32, #tpu.memory_space<hbm>>) target(%arg5 : memref<1000x16xf32, #tpu.memory_space<vmem>>) target_semaphore(%run_scoped3A : memref<!tpu.dma_semaphore, #tpu.memory_space<semaphore_mem>>)
      %dma_wait3A = arith.constant 0 : i32
      %dma_wait3A_24 = tpu.memref_slice %arg2[%add3A_19, %dma_wait3A] : memref<160000x16xf32, #tpu.memory_space<hbm>> -> memref<1000x16xf32, #tpu.memory_space<hbm>>
      %dma_wait3A_25 = arith.constant 0 : i32
      %dma_wait3A_26 = tpu.memref_slice %arg2[%add3A_19, %dma_wait3A_25] : memref<160000x16xf32, #tpu.memory_space<hbm>> -> memref<1000x16xf32, #tpu.memory_space<hbm>>
      tpu.wait_dma2 semaphore(%run_scoped3A : memref<!tpu.dma_semaphore, #tpu.memory_space<semaphore_mem>>) src(%dma_wait3A_26 : memref<1000x16xf32, #tpu.memory_space<hbm>>) dst(%arg5 : memref<1000x16xf32, #tpu.memory_space<vmem>>)
      tpu.yield
    }) : () -> ()
    "tpu.region"() ({
      %run_scoped3A = tpu.sem_alloc : memref<!tpu.dma_semaphore, #tpu.memory_space<semaphore_mem>>
      %dma_start3A = tpu.memref_slice %arg3[%add3A_19] : memref<160000xi32, #tpu.memory_space<hbm>> -> memref<1000xi32, #tpu.memory_space<hbm>>
      %dma_start3A_21 = tpu.memref_slice %arg3[%add3A_19] : memref<160000xi32, #tpu.memory_space<hbm>> -> memref<1000xi32, #tpu.memory_space<hbm>>
      tpu.enqueue_dma source(%dma_start3A_21 : memref<1000xi32, #tpu.memory_space<hbm>>) target(%arg6 : memref<1000xi32, #tpu.memory_space<vmem>>) target_semaphore(%run_scoped3A : memref<!tpu.dma_semaphore, #tpu.memory_space<semaphore_mem>>)
      %dma_wait3A = tpu.memref_slice %arg3[%add3A_19] : memref<160000xi32, #tpu.memory_space<hbm>> -> memref<1000xi32, #tpu.memory_space<hbm>>
      %dma_wait3A_22 = tpu.memref_slice %arg3[%add3A_19] : memref<160000xi32, #tpu.memory_space<hbm>> -> memref<1000xi32, #tpu.memory_space<hbm>>
      tpu.wait_dma2 semaphore(%run_scoped3A : memref<!tpu.dma_semaphore, #tpu.memory_space<semaphore_mem>>) src(%dma_wait3A_22 : memref<1000xi32, #tpu.memory_space<hbm>>) dst(%arg6 : memref<1000xi32, #tpu.memory_space<vmem>>)
      tpu.yield
    }) : () -> ()
    "tpu.region"() ({
      %run_scoped3A = tpu.sem_alloc : memref<!tpu.dma_semaphore, #tpu.memory_space<semaphore_mem>>
      %dma_start3A = arith.constant 0 : i32
      %dma_start3A_21 = arith.constant 0 : i32
      %dma_start3A_22 = tpu.memref_slice %arg8[%dma_start3A, %dma_start3A_21] : memref<10000x16xf32, #tpu.memory_space<vmem_shared>> -> memref<10000x16xf32, #tpu.memory_space<vmem_shared>>
      tpu.enqueue_indirect_dma source(%arg5 : memref<1000x16xf32, #tpu.memory_space<vmem>>) target(%dma_start3A_22 : memref<10000x16xf32, #tpu.memory_space<vmem_shared>>) offsets(%arg6 : memref<1000xi32, #tpu.memory_space<vmem>>) semaphore(%run_scoped3A : memref<!tpu.dma_semaphore, #tpu.memory_space<semaphore_mem>>) {add = true}
      %dma_wait3A = arith.constant 0 : i32
      %dma_wait3A_23 = arith.constant 0 : i32
      %dma_wait3A_24 = tpu.memref_slice %arg8[%dma_wait3A, %dma_wait3A_23] : memref<10000x16xf32, #tpu.memory_space<vmem_shared>> -> memref<10000x16xf32, #tpu.memory_space<vmem_shared>>
      tpu.wait_indirect_dma semaphore(%run_scoped3A : memref<!tpu.dma_semaphore, #tpu.memory_space<semaphore_mem>>) src(%arg5 : memref<1000x16xf32, #tpu.memory_space<vmem>>) dst(%dma_wait3A_24 : memref<10000x16xf32, #tpu.memory_space<vmem_shared>>)
      tpu.yield
    }) : () -> ()
    %barrier3A_20 = arith.constant 0 : index
    tpu.barrier barrier_id(%barrier3A_20)
    "tpu.region"() ({
      %run_scoped3A = tpu.sem_alloc : memref<!tpu.dma_semaphore, #tpu.memory_space<semaphore_mem>>
      %dma_start3A = arith.constant 0 : i32
      %dma_start3A_21 = tpu.memref_slice %arg8[%mul3A_4, %dma_start3A] : memref<10000x16xf32, #tpu.memory_space<vmem_shared>> -> memref<625x16xf32, #tpu.memory_space<vmem_shared>>
      %dma_start3A_22 = arith.constant 0 : i32
      %dma_start3A_23 = tpu.memref_slice %arg8[%mul3A_4, %dma_start3A_22] : memref<10000x16xf32, #tpu.memory_space<vmem_shared>> -> memref<625x16xf32, #tpu.memory_space<vmem_shared>>
      tpu.enqueue_dma source(%dma_start3A_23 : memref<625x16xf32, #tpu.memory_space<vmem_shared>>) target(%arg7 : memref<625x16xf32, #tpu.memory_space<vmem>>) target_semaphore(%run_scoped3A : memref<!tpu.dma_semaphore, #tpu.memory_space<semaphore_mem>>)
      %dma_wait3A = arith.constant 0 : i32
      %dma_wait3A_24 = tpu.memref_slice %arg8[%mul3A_4, %dma_wait3A] : memref<10000x16xf32, #tpu.memory_space<vmem_shared>> -> memref<625x16xf32, #tpu.memory_space<vmem_shared>>
      %dma_wait3A_25 = arith.constant 0 : i32
      %dma_wait3A_26 = tpu.memref_slice %arg8[%mul3A_4, %dma_wait3A_25] : memref<10000x16xf32, #tpu.memory_space<vmem_shared>> -> memref<625x16xf32, #tpu.memory_space<vmem_shared>>
      tpu.wait_dma2 semaphore(%run_scoped3A : memref<!tpu.dma_semaphore, #tpu.memory_space<semaphore_mem>>) src(%dma_wait3A_26 : memref<625x16xf32, #tpu.memory_space<vmem_shared>>) dst(%arg7 : memref<625x16xf32, #tpu.memory_space<vmem>>)
      tpu.yield
    }) : () -> ()
    "tpu.region"() ({
      %run_scoped3A = tpu.sem_alloc : memref<!tpu.dma_semaphore, #tpu.memory_space<semaphore_mem>>
      %dma_start3A = arith.constant 0 : i32
      %dma_start3A_21 = tpu.memref_slice %arg4[%arg0, %mul3A_4, %dma_start3A] : memref<2x10000x16xf32, #tpu.memory_space<hbm>> -> memref<1x625x16xf32, #tpu.memory_space<hbm>>
      %dma_start3A_22 = tpu.memref_squeeze %dma_start3A_21 : memref<1x625x16xf32, #tpu.memory_space<hbm>> -> memref<625x16xf32, #tpu.memory_space<hbm>>
      %dma_start3A_23 = arith.constant 0 : i32
      %dma_start3A_24 = tpu.memref_slice %arg4[%arg0, %mul3A_4, %dma_start3A_23] : memref<2x10000x16xf32, #tpu.memory_space<hbm>> -> memref<1x625x16xf32, #tpu.memory_space<hbm>>
      %dma_start3A_25 = tpu.memref_squeeze %dma_start3A_24 : memref<1x625x16xf32, #tpu.memory_space<hbm>> -> memref<625x16xf32, #tpu.memory_space<hbm>>
      tpu.enqueue_dma source(%arg7 : memref<625x16xf32, #tpu.memory_space<vmem>>) target(%dma_start3A_25 : memref<625x16xf32, #tpu.memory_space<hbm>>) target_semaphore(%run_scoped3A : memref<!tpu.dma_semaphore, #tpu.memory_space<semaphore_mem>>)
      %dma_wait3A = arith.constant 0 : i32
      %dma_wait3A_26 = tpu.memref_slice %arg4[%arg0, %mul3A_4, %dma_wait3A] : memref<2x10000x16xf32, #tpu.memory_space<hbm>> -> memref<1x625x16xf32, #tpu.memory_space<hbm>>
      %dma_wait3A_27 = tpu.memref_squeeze %dma_wait3A_26 : memref<1x625x16xf32, #tpu.memory_space<hbm>> -> memref<625x16xf32, #tpu.memory_space<hbm>>
      %dma_wait3A_28 = arith.constant 0 : i32
      %dma_wait3A_29 = tpu.memref_slice %arg4[%arg0, %mul3A_4, %dma_wait3A_28] : memref<2x10000x16xf32, #tpu.memory_space<hbm>> -> memref<1x625x16xf32, #tpu.memory_space<hbm>>
      %dma_wait3A_30 = tpu.memref_squeeze %dma_wait3A_29 : memref<1x625x16xf32, #tpu.memory_space<hbm>> -> memref<625x16xf32, #tpu.memory_space<hbm>>
      tpu.wait_dma2 semaphore(%run_scoped3A : memref<!tpu.dma_semaphore, #tpu.memory_space<semaphore_mem>>) src(%arg7 : memref<625x16xf32, #tpu.memory_space<vmem>>) dst(%dma_wait3A_30 : memref<625x16xf32, #tpu.memory_space<hbm>>)
      tpu.yield
    }) : () -> ()
    return
  }
}

#map = affine_map<(d0, d1) -> (0, 0)>
#map1 = affine_map<(d0, d1) -> (0)>
module attributes {stable_mosaic.version = 14 : i64} {
  func.func @_sc_gather_rows(%arg0: i32, %arg1: i32, %arg2: memref<10000x16xf32, #tpu.memory_space<hbm>>, %arg3: memref<160000xi32, #tpu.memory_space<hbm>>, %arg4: memref<160000x16xf32, #tpu.memory_space<hbm>>, %arg5: memref<5000xi32, #tpu.memory_space<vmem>>, %arg6: memref<5000x16xf32, #tpu.memory_space<vmem>>, %arg7: memref<!tpu.dma_semaphore, #tpu.memory_space<semaphore_mem>>) attributes {dimension_semantics = [#tpu.dimension_semantics<core_parallel>, #tpu.dimension_semantics<subcore_parallel>], iteration_bounds = array<i64: 2, 16>, scalar_prefetch = 0 : i64, scratch_operands = 3 : i64, tpu.core_type = #tpu.core_type<sc_vector_subcore>, window_params = [{transform_indices = #map}, {transform_indices = #map1}, {transform_indices = #map}]} {
    %mul3A = arith.constant 2 : i32
    %mul3A_0 = arith.muli %arg1, %mul3A : i32
    %add3A = arith.addi %mul3A_0, %arg0 : i32
    %mul3A_1 = arith.constant 5000 : i32
    %mul3A_2 = arith.muli %add3A, %mul3A_1 : i32
    "tpu.region"() ({
      %run_scoped3A = tpu.sem_alloc : memref<!tpu.dma_semaphore, #tpu.memory_space<semaphore_mem>>
      %dma_start3A_7 = tpu.memref_slice %arg3[%mul3A_2] : memref<160000xi32, #tpu.memory_space<hbm>> -> memref<5000xi32, #tpu.memory_space<hbm>>
      %dma_start3A_8 = tpu.memref_slice %arg3[%mul3A_2] : memref<160000xi32, #tpu.memory_space<hbm>> -> memref<5000xi32, #tpu.memory_space<hbm>>
      tpu.enqueue_dma source(%dma_start3A_8 : memref<5000xi32, #tpu.memory_space<hbm>>) target(%arg5 : memref<5000xi32, #tpu.memory_space<vmem>>) target_semaphore(%run_scoped3A : memref<!tpu.dma_semaphore, #tpu.memory_space<semaphore_mem>>)
      %dma_wait3A_9 = tpu.memref_slice %arg3[%mul3A_2] : memref<160000xi32, #tpu.memory_space<hbm>> -> memref<5000xi32, #tpu.memory_space<hbm>>
      %dma_wait3A_10 = tpu.memref_slice %arg3[%mul3A_2] : memref<160000xi32, #tpu.memory_space<hbm>> -> memref<5000xi32, #tpu.memory_space<hbm>>
      tpu.wait_dma2 semaphore(%run_scoped3A : memref<!tpu.dma_semaphore, #tpu.memory_space<semaphore_mem>>) src(%dma_wait3A_10 : memref<5000xi32, #tpu.memory_space<hbm>>) dst(%arg5 : memref<5000xi32, #tpu.memory_space<vmem>>)
      tpu.yield
    }) : () -> ()
    %dma_start3A = arith.constant 0 : i32
    %dma_start3A_3 = arith.constant 0 : i32
    %dma_start3A_4 = tpu.memref_slice %arg2[%dma_start3A, %dma_start3A_3] : memref<10000x16xf32, #tpu.memory_space<hbm>> -> memref<10000x16xf32, #tpu.memory_space<hbm>>
    tpu.enqueue_indirect_dma source(%dma_start3A_4 : memref<10000x16xf32, #tpu.memory_space<hbm>>) target(%arg6 : memref<5000x16xf32, #tpu.memory_space<vmem>>) offsets(%arg5 : memref<5000xi32, #tpu.memory_space<vmem>>) semaphore(%arg7 : memref<!tpu.dma_semaphore, #tpu.memory_space<semaphore_mem>>)
    %dma_wait3A = arith.constant 0 : i32
    %dma_wait3A_5 = arith.constant 0 : i32
    %dma_wait3A_6 = tpu.memref_slice %arg2[%dma_wait3A, %dma_wait3A_5] : memref<10000x16xf32, #tpu.memory_space<hbm>> -> memref<10000x16xf32, #tpu.memory_space<hbm>>
    tpu.wait_indirect_dma semaphore(%arg7 : memref<!tpu.dma_semaphore, #tpu.memory_space<semaphore_mem>>) src(%dma_wait3A_6 : memref<10000x16xf32, #tpu.memory_space<hbm>>) dst(%arg6 : memref<5000x16xf32, #tpu.memory_space<vmem>>)
    "tpu.region"() ({
      %run_scoped3A = tpu.sem_alloc : memref<!tpu.dma_semaphore, #tpu.memory_space<semaphore_mem>>
      %dma_start3A_7 = arith.constant 0 : i32
      %dma_start3A_8 = tpu.memref_slice %arg4[%mul3A_2, %dma_start3A_7] : memref<160000x16xf32, #tpu.memory_space<hbm>> -> memref<5000x16xf32, #tpu.memory_space<hbm>>
      %dma_start3A_9 = arith.constant 0 : i32
      %dma_start3A_10 = tpu.memref_slice %arg4[%mul3A_2, %dma_start3A_9] : memref<160000x16xf32, #tpu.memory_space<hbm>> -> memref<5000x16xf32, #tpu.memory_space<hbm>>
      tpu.enqueue_dma source(%arg6 : memref<5000x16xf32, #tpu.memory_space<vmem>>) target(%dma_start3A_10 : memref<5000x16xf32, #tpu.memory_space<hbm>>) target_semaphore(%run_scoped3A : memref<!tpu.dma_semaphore, #tpu.memory_space<semaphore_mem>>)
      %dma_wait3A_11 = arith.constant 0 : i32
      %dma_wait3A_12 = tpu.memref_slice %arg4[%mul3A_2, %dma_wait3A_11] : memref<160000x16xf32, #tpu.memory_space<hbm>> -> memref<5000x16xf32, #tpu.memory_space<hbm>>
      %dma_wait3A_13 = arith.constant 0 : i32
      %dma_wait3A_14 = tpu.memref_slice %arg4[%mul3A_2, %dma_wait3A_13] : memref<160000x16xf32, #tpu.memory_space<hbm>> -> memref<5000x16xf32, #tpu.memory_space<hbm>>
      tpu.wait_dma2 semaphore(%run_scoped3A : memref<!tpu.dma_semaphore, #tpu.memory_space<semaphore_mem>>) src(%arg6 : memref<5000x16xf32, #tpu.memory_space<vmem>>) dst(%dma_wait3A_14 : memref<5000x16xf32, #tpu.memory_space<hbm>>)
      tpu.yield
    }) : () -> ()
    return
  }
}

#map = affine_map<(d0, d1) -> (0)>
#map1 = affine_map<(d0, d1) -> (0, 0, 0)>
module attributes {stable_mosaic.version = 14 : i64} {
  func.func @_sc_count(%arg0: i32, %arg1: i32, %arg2: memref<160000xi32, #tpu.memory_space<hbm>>, %arg3: memref<2x10000x16xf32, #tpu.memory_space<hbm>>, %arg4: memref<1000x16xf32, #tpu.memory_space<vmem>>, %arg5: memref<1000xi32, #tpu.memory_space<vmem>>, %arg6: memref<625x16xf32, #tpu.memory_space<vmem>>, %arg7: memref<10000x16xf32, #tpu.memory_space<vmem_shared>>) attributes {dimension_semantics = [#tpu.dimension_semantics<core_parallel>, #tpu.dimension_semantics<subcore_parallel>], iteration_bounds = array<i64: 2, 16>, scalar_prefetch = 0 : i64, scratch_operands = 4 : i64, tpu.core_type = #tpu.core_type<sc_vector_subcore>, window_params = [{transform_indices = #map}, {transform_indices = #map1}]} {
    %mul3A = arith.constant 16 : i32
    %mul3A_0 = arith.muli %arg0, %mul3A : i32
    %add3A = arith.addi %mul3A_0, %arg1 : i32
    %mul3A_1 = arith.constant 5000 : i32
    %mul3A_2 = arith.muli %add3A, %mul3A_1 : i32
    %mul3A_3 = arith.constant 625 : i32
    %mul3A_4 = arith.muli %arg1, %mul3A_3 : i32
    %scan3A = arith.constant 0 : i32
    %scan3A_5 = arith.constant 0 : i32
    %scan3A_6 = arith.constant 625 : i32
    %scan3A_7 = arith.addi %scan3A_5, %scan3A_6 : i32
    %scan3A_8 = arith.constant 1 : i32
    scf.for %scan3A_27 = %scan3A_5 to %scan3A_7 step %scan3A_8  : i32 {
      %broadcast_in_dim3A = arith.constant 0.000000e+00 : f32
      %broadcast_in_dim3A_28 = vector.broadcast %broadcast_in_dim3A : f32 to vector<16xf32>
      %swap3A = arith.index_cast %scan3A_27 : i32 to index
      %swap3A_29 = arith.constant 0 : index
      %swap3A_30 = tpu.vector_load %arg6[%swap3A, %swap3A_29] {strides = array<i32>} : memref<625x16xf32, #tpu.memory_space<vmem>>, vector<1x16xf32>,
      %swap3A_31 = vector.shape_cast %swap3A_30 : vector<1x16xf32> to vector<16xf32>
      %swap3A_32 = vector.shape_cast %broadcast_in_dim3A_28 : vector<16xf32> to vector<1x16xf32>
      tpu.vector_store %arg6[%swap3A, %swap3A_29], %swap3A_32 {strides = array<i32>} : memref<625x16xf32, #tpu.memory_space<vmem>>, vector<1x16xf32>,
    }
    %scan3A_9 = arith.constant 625 : i32
    "tpu.region"() ({
      %run_scoped3A = tpu.sem_alloc : memref<!tpu.dma_semaphore, #tpu.memory_space<semaphore_mem>>
      %dma_start3A = arith.constant 0 : i32
      %dma_start3A_27 = tpu.memref_slice %arg7[%mul3A_4, %dma_start3A] : memref<10000x16xf32, #tpu.memory_space<vmem_shared>> -> memref<625x16xf32, #tpu.memory_space<vmem_shared>>
      %dma_start3A_28 = arith.constant 0 : i32
      %dma_start3A_29 = tpu.memref_slice %arg7[%mul3A_4, %dma_start3A_28] : memref<10000x16xf32, #tpu.memory_space<vmem_shared>> -> memref<625x16xf32, #tpu.memory_space<vmem_shared>>
      tpu.enqueue_dma source(%arg6 : memref<625x16xf32, #tpu.memory_space<vmem>>) target(%dma_start3A_29 : memref<625x16xf32, #tpu.memory_space<vmem_shared>>) target_semaphore(%run_scoped3A : memref<!tpu.dma_semaphore, #tpu.memory_space<semaphore_mem>>)
      %dma_wait3A = arith.constant 0 : i32
      %dma_wait3A_30 = tpu.memref_slice %arg7[%mul3A_4, %dma_wait3A] : memref<10000x16xf32, #tpu.memory_space<vmem_shared>> -> memref<625x16xf32, #tpu.memory_space<vmem_shared>>
      %dma_wait3A_31 = arith.constant 0 : i32
      %dma_wait3A_32 = tpu.memref_slice %arg7[%mul3A_4, %dma_wait3A_31] : memref<10000x16xf32, #tpu.memory_space<vmem_shared>> -> memref<625x16xf32, #tpu.memory_space<vmem_shared>>
      tpu.wait_dma2 semaphore(%run_scoped3A : memref<!tpu.dma_semaphore, #tpu.memory_space<semaphore_mem>>) src(%arg6 : memref<625x16xf32, #tpu.memory_space<vmem>>) dst(%dma_wait3A_32 : memref<625x16xf32, #tpu.memory_space<vmem_shared>>)
      tpu.yield
    }) : () -> ()
    %scan3A_10 = arith.constant 0 : i32
    %scan3A_11 = arith.constant 0 : i32
    %scan3A_12 = arith.constant 1000 : i32
    %scan3A_13 = arith.addi %scan3A_11, %scan3A_12 : i32
    %scan3A_14 = arith.constant 1 : i32
    scf.for %scan3A_27 = %scan3A_11 to %scan3A_13 step %scan3A_14  : i32 {
      %broadcast_in_dim3A = arith.constant 1.000000e+00 : f32
      %broadcast_in_dim3A_28 = vector.broadcast %broadcast_in_dim3A : f32 to vector<16xf32>
      %swap3A = arith.index_cast %scan3A_27 : i32 to index
      %swap3A_29 = arith.constant 0 : index
      %swap3A_30 = tpu.vector_load %arg4[%swap3A, %swap3A_29] {strides = array<i32>} : memref<1000x16xf32, #tpu.memory_space<vmem>>, vector<1x16xf32>,
      %swap3A_31 = vector.shape_cast %swap3A_30 : vector<1x16xf32> to vector<16xf32>
      %swap3A_32 = vector.shape_cast %broadcast_in_dim3A_28 : vector<16xf32> to vector<1x16xf32>
      tpu.vector_store %arg4[%swap3A, %swap3A_29], %swap3A_32 {strides = array<i32>} : memref<1000x16xf32, #tpu.memory_space<vmem>>, vector<1x16xf32>,
    }
    %scan3A_15 = arith.constant 1000 : i32
    %barrier3A = arith.constant 0 : index
    tpu.barrier barrier_id(%barrier3A)
    %add3A_16 = arith.constant 0 : i32
    %add3A_17 = arith.addi %mul3A_2, %add3A_16 : i32
    "tpu.region"() ({
      %run_scoped3A = tpu.sem_alloc : memref<!tpu.dma_semaphore, #tpu.memory_space<semaphore_mem>>
      %dma_start3A = tpu.memref_slice %arg2[%add3A_17] : memref<160000xi32, #tpu.memory_space<hbm>> -> memref<1000xi32, #tpu.memory_space<hbm>>
      %dma_start3A_27 = tpu.memref_slice %arg2[%add3A_17] : memref<160000xi32, #tpu.memory_space<hbm>> -> memref<1000xi32, #tpu.memory_space<hbm>>
      tpu.enqueue_dma source(%dma_start3A_27 : memref<1000xi32, #tpu.memory_space<hbm>>) target(%arg5 : memref<1000xi32, #tpu.memory_space<vmem>>) target_semaphore(%run_scoped3A : memref<!tpu.dma_semaphore, #tpu.memory_space<semaphore_mem>>)
      %dma_wait3A = tpu.memref_slice %arg2[%add3A_17] : memref<160000xi32, #tpu.memory_space<hbm>> -> memref<1000xi32, #tpu.memory_space<hbm>>
      %dma_wait3A_28 = tpu.memref_slice %arg2[%add3A_17] : memref<160000xi32, #tpu.memory_space<hbm>> -> memref<1000xi32, #tpu.memory_space<hbm>>
      tpu.wait_dma2 semaphore(%run_scoped3A : memref<!tpu.dma_semaphore, #tpu.memory_space<semaphore_mem>>) src(%dma_wait3A_28 : memref<1000xi32, #tpu.memory_space<hbm>>) dst(%arg5 : memref<1000xi32, #tpu.memory_space<vmem>>)
      tpu.yield
    }) : () -> ()
    "tpu.region"() ({
      %run_scoped3A = tpu.sem_alloc : memref<!tpu.dma_semaphore, #tpu.memory_space<semaphore_mem>>
      %dma_start3A = arith.constant 0 : i32
      %dma_start3A_27 = arith.constant 0 : i32
      %dma_start3A_28 = tpu.memref_slice %arg7[%dma_start3A, %dma_start3A_27] : memref<10000x16xf32, #tpu.memory_space<vmem_shared>> -> memref<10000x16xf32, #tpu.memory_space<vmem_shared>>
      tpu.enqueue_indirect_dma source(%arg4 : memref<1000x16xf32, #tpu.memory_space<vmem>>) target(%dma_start3A_28 : memref<10000x16xf32, #tpu.memory_space<vmem_shared>>) offsets(%arg5 : memref<1000xi32, #tpu.memory_space<vmem>>) semaphore(%run_scoped3A : memref<!tpu.dma_semaphore, #tpu.memory_space<semaphore_mem>>) {add = true}
      %dma_wait3A = arith.constant 0 : i32
      %dma_wait3A_29 = arith.constant 0 : i32
      %dma_wait3A_30 = tpu.memref_slice %arg7[%dma_wait3A, %dma_wait3A_29] : memref<10000x16xf32, #tpu.memory_space<vmem_shared>> -> memref<10000x16xf32, #tpu.memory_space<vmem_shared>>
      tpu.wait_indirect_dma semaphore(%run_scoped3A : memref<!tpu.dma_semaphore, #tpu.memory_space<semaphore_mem>>) src(%arg4 : memref<1000x16xf32, #tpu.memory_space<vmem>>) dst(%dma_wait3A_30 : memref<10000x16xf32, #tpu.memory_space<vmem_shared>>)
      tpu.yield
    }) : () -> ()
    %add3A_18 = arith.constant 1000 : i32
    %add3A_19 = arith.addi %mul3A_2, %add3A_18 : i32
    "tpu.region"() ({
      %run_scoped3A = tpu.sem_alloc : memref<!tpu.dma_semaphore, #tpu.memory_space<semaphore_mem>>
      %dma_start3A = tpu.memref_slice %arg2[%add3A_19] : memref<160000xi32, #tpu.memory_space<hbm>> -> memref<1000xi32, #tpu.memory_space<hbm>>
      %dma_start3A_27 = tpu.memref_slice %arg2[%add3A_19] : memref<160000xi32, #tpu.memory_space<hbm>> -> memref<1000xi32, #tpu.memory_space<hbm>>
      tpu.enqueue_dma source(%dma_start3A_27 : memref<1000xi32, #tpu.memory_space<hbm>>) target(%arg5 : memref<1000xi32, #tpu.memory_space<vmem>>) target_semaphore(%run_scoped3A : memref<!tpu.dma_semaphore, #tpu.memory_space<semaphore_mem>>)
      %dma_wait3A = tpu.memref_slice %arg2[%add3A_19] : memref<160000xi32, #tpu.memory_space<hbm>> -> memref<1000xi32, #tpu.memory_space<hbm>>
      %dma_wait3A_28 = tpu.memref_slice %arg2[%add3A_19] : memref<160000xi32, #tpu.memory_space<hbm>> -> memref<1000xi32, #tpu.memory_space<hbm>>
      tpu.wait_dma2 semaphore(%run_scoped3A : memref<!tpu.dma_semaphore, #tpu.memory_space<semaphore_mem>>) src(%dma_wait3A_28 : memref<1000xi32, #tpu.memory_space<hbm>>) dst(%arg5 : memref<1000xi32, #tpu.memory_space<vmem>>)
      tpu.yield
    }) : () -> ()
    "tpu.region"() ({
      %run_scoped3A = tpu.sem_alloc : memref<!tpu.dma_semaphore, #tpu.memory_space<semaphore_mem>>
      %dma_start3A = arith.constant 0 : i32
      %dma_start3A_27 = arith.constant 0 : i32
      %dma_start3A_28 = tpu.memref_slice %arg7[%dma_start3A, %dma_start3A_27] : memref<10000x16xf32, #tpu.memory_space<vmem_shared>> -> memref<10000x16xf32, #tpu.memory_space<vmem_shared>>
      tpu.enqueue_indirect_dma source(%arg4 : memref<1000x16xf32, #tpu.memory_space<vmem>>) target(%dma_start3A_28 : memref<10000x16xf32, #tpu.memory_space<vmem_shared>>) offsets(%arg5 : memref<1000xi32, #tpu.memory_space<vmem>>) semaphore(%run_scoped3A : memref<!tpu.dma_semaphore, #tpu.memory_space<semaphore_mem>>) {add = true}
      %dma_wait3A = arith.constant 0 : i32
      %dma_wait3A_29 = arith.constant 0 : i32
      %dma_wait3A_30 = tpu.memref_slice %arg7[%dma_wait3A, %dma_wait3A_29] : memref<10000x16xf32, #tpu.memory_space<vmem_shared>> -> memref<10000x16xf32, #tpu.memory_space<vmem_shared>>
      tpu.wait_indirect_dma semaphore(%run_scoped3A : memref<!tpu.dma_semaphore, #tpu.memory_space<semaphore_mem>>) src(%arg4 : memref<1000x16xf32, #tpu.memory_space<vmem>>) dst(%dma_wait3A_30 : memref<10000x16xf32, #tpu.memory_space<vmem_shared>>)
      tpu.yield
    }) : () -> ()
    %add3A_20 = arith.constant 2000 : i32
    %add3A_21 = arith.addi %mul3A_2, %add3A_20 : i32
    "tpu.region"() ({
      %run_scoped3A = tpu.sem_alloc : memref<!tpu.dma_semaphore, #tpu.memory_space<semaphore_mem>>
      %dma_start3A = tpu.memref_slice %arg2[%add3A_21] : memref<160000xi32, #tpu.memory_space<hbm>> -> memref<1000xi32, #tpu.memory_space<hbm>>
      %dma_start3A_27 = tpu.memref_slice %arg2[%add3A_21] : memref<160000xi32, #tpu.memory_space<hbm>> -> memref<1000xi32, #tpu.memory_space<hbm>>
      tpu.enqueue_dma source(%dma_start3A_27 : memref<1000xi32, #tpu.memory_space<hbm>>) target(%arg5 : memref<1000xi32, #tpu.memory_space<vmem>>) target_semaphore(%run_scoped3A : memref<!tpu.dma_semaphore, #tpu.memory_space<semaphore_mem>>)
      %dma_wait3A = tpu.memref_slice %arg2[%add3A_21] : memref<160000xi32, #tpu.memory_space<hbm>> -> memref<1000xi32, #tpu.memory_space<hbm>>
      %dma_wait3A_28 = tpu.memref_slice %arg2[%add3A_21] : memref<160000xi32, #tpu.memory_space<hbm>> -> memref<1000xi32, #tpu.memory_space<hbm>>
      tpu.wait_dma2 semaphore(%run_scoped3A : memref<!tpu.dma_semaphore, #tpu.memory_space<semaphore_mem>>) src(%dma_wait3A_28 : memref<1000xi32, #tpu.memory_space<hbm>>) dst(%arg5 : memref<1000xi32, #tpu.memory_space<vmem>>)
      tpu.yield
    }) : () -> ()
    "tpu.region"() ({
      %run_scoped3A = tpu.sem_alloc : memref<!tpu.dma_semaphore, #tpu.memory_space<semaphore_mem>>
      %dma_start3A = arith.constant 0 : i32
      %dma_start3A_27 = arith.constant 0 : i32
      %dma_start3A_28 = tpu.memref_slice %arg7[%dma_start3A, %dma_start3A_27] : memref<10000x16xf32, #tpu.memory_space<vmem_shared>> -> memref<10000x16xf32, #tpu.memory_space<vmem_shared>>
      tpu.enqueue_indirect_dma source(%arg4 : memref<1000x16xf32, #tpu.memory_space<vmem>>) target(%dma_start3A_28 : memref<10000x16xf32, #tpu.memory_space<vmem_shared>>) offsets(%arg5 : memref<1000xi32, #tpu.memory_space<vmem>>) semaphore(%run_scoped3A : memref<!tpu.dma_semaphore, #tpu.memory_space<semaphore_mem>>) {add = true}
      %dma_wait3A = arith.constant 0 : i32
      %dma_wait3A_29 = arith.constant 0 : i32
      %dma_wait3A_30 = tpu.memref_slice %arg7[%dma_wait3A, %dma_wait3A_29] : memref<10000x16xf32, #tpu.memory_space<vmem_shared>> -> memref<10000x16xf32, #tpu.memory_space<vmem_shared>>
      tpu.wait_indirect_dma semaphore(%run_scoped3A : memref<!tpu.dma_semaphore, #tpu.memory_space<semaphore_mem>>) src(%arg4 : memref<1000x16xf32, #tpu.memory_space<vmem>>) dst(%dma_wait3A_30 : memref<10000x16xf32, #tpu.memory_space<vmem_shared>>)
      tpu.yield
    }) : () -> ()
    %add3A_22 = arith.constant 3000 : i32
    %add3A_23 = arith.addi %mul3A_2, %add3A_22 : i32
    "tpu.region"() ({
      %run_scoped3A = tpu.sem_alloc : memref<!tpu.dma_semaphore, #tpu.memory_space<semaphore_mem>>
      %dma_start3A = tpu.memref_slice %arg2[%add3A_23] : memref<160000xi32, #tpu.memory_space<hbm>> -> memref<1000xi32, #tpu.memory_space<hbm>>
      %dma_start3A_27 = tpu.memref_slice %arg2[%add3A_23] : memref<160000xi32, #tpu.memory_space<hbm>> -> memref<1000xi32, #tpu.memory_space<hbm>>
      tpu.enqueue_dma source(%dma_start3A_27 : memref<1000xi32, #tpu.memory_space<hbm>>) target(%arg5 : memref<1000xi32, #tpu.memory_space<vmem>>) target_semaphore(%run_scoped3A : memref<!tpu.dma_semaphore, #tpu.memory_space<semaphore_mem>>)
      %dma_wait3A = tpu.memref_slice %arg2[%add3A_23] : memref<160000xi32, #tpu.memory_space<hbm>> -> memref<1000xi32, #tpu.memory_space<hbm>>
      %dma_wait3A_28 = tpu.memref_slice %arg2[%add3A_23] : memref<160000xi32, #tpu.memory_space<hbm>> -> memref<1000xi32, #tpu.memory_space<hbm>>
      tpu.wait_dma2 semaphore(%run_scoped3A : memref<!tpu.dma_semaphore, #tpu.memory_space<semaphore_mem>>) src(%dma_wait3A_28 : memref<1000xi32, #tpu.memory_space<hbm>>) dst(%arg5 : memref<1000xi32, #tpu.memory_space<vmem>>)
      tpu.yield
    }) : () -> ()
    "tpu.region"() ({
      %run_scoped3A = tpu.sem_alloc : memref<!tpu.dma_semaphore, #tpu.memory_space<semaphore_mem>>
      %dma_start3A = arith.constant 0 : i32
      %dma_start3A_27 = arith.constant 0 : i32
      %dma_start3A_28 = tpu.memref_slice %arg7[%dma_start3A, %dma_start3A_27] : memref<10000x16xf32, #tpu.memory_space<vmem_shared>> -> memref<10000x16xf32, #tpu.memory_space<vmem_shared>>
      tpu.enqueue_indirect_dma source(%arg4 : memref<1000x16xf32, #tpu.memory_space<vmem>>) target(%dma_start3A_28 : memref<10000x16xf32, #tpu.memory_space<vmem_shared>>) offsets(%arg5 : memref<1000xi32, #tpu.memory_space<vmem>>) semaphore(%run_scoped3A : memref<!tpu.dma_semaphore, #tpu.memory_space<semaphore_mem>>) {add = true}
      %dma_wait3A = arith.constant 0 : i32
      %dma_wait3A_29 = arith.constant 0 : i32
      %dma_wait3A_30 = tpu.memref_slice %arg7[%dma_wait3A, %dma_wait3A_29] : memref<10000x16xf32, #tpu.memory_space<vmem_shared>> -> memref<10000x16xf32, #tpu.memory_space<vmem_shared>>
      tpu.wait_indirect_dma semaphore(%run_scoped3A : memref<!tpu.dma_semaphore, #tpu.memory_space<semaphore_mem>>) src(%arg4 : memref<1000x16xf32, #tpu.memory_space<vmem>>) dst(%dma_wait3A_30 : memref<10000x16xf32, #tpu.memory_space<vmem_shared>>)
      tpu.yield
    }) : () -> ()
    %add3A_24 = arith.constant 4000 : i32
    %add3A_25 = arith.addi %mul3A_2, %add3A_24 : i32
    "tpu.region"() ({
      %run_scoped3A = tpu.sem_alloc : memref<!tpu.dma_semaphore, #tpu.memory_space<semaphore_mem>>
      %dma_start3A = tpu.memref_slice %arg2[%add3A_25] : memref<160000xi32, #tpu.memory_space<hbm>> -> memref<1000xi32, #tpu.memory_space<hbm>>
      %dma_start3A_27 = tpu.memref_slice %arg2[%add3A_25] : memref<160000xi32, #tpu.memory_space<hbm>> -> memref<1000xi32, #tpu.memory_space<hbm>>
      tpu.enqueue_dma source(%dma_start3A_27 : memref<1000xi32, #tpu.memory_space<hbm>>) target(%arg5 : memref<1000xi32, #tpu.memory_space<vmem>>) target_semaphore(%run_scoped3A : memref<!tpu.dma_semaphore, #tpu.memory_space<semaphore_mem>>)
      %dma_wait3A = tpu.memref_slice %arg2[%add3A_25] : memref<160000xi32, #tpu.memory_space<hbm>> -> memref<1000xi32, #tpu.memory_space<hbm>>
      %dma_wait3A_28 = tpu.memref_slice %arg2[%add3A_25] : memref<160000xi32, #tpu.memory_space<hbm>> -> memref<1000xi32, #tpu.memory_space<hbm>>
      tpu.wait_dma2 semaphore(%run_scoped3A : memref<!tpu.dma_semaphore, #tpu.memory_space<semaphore_mem>>) src(%dma_wait3A_28 : memref<1000xi32, #tpu.memory_space<hbm>>) dst(%arg5 : memref<1000xi32, #tpu.memory_space<vmem>>)
      tpu.yield
    }) : () -> ()
    "tpu.region"() ({
      %run_scoped3A = tpu.sem_alloc : memref<!tpu.dma_semaphore, #tpu.memory_space<semaphore_mem>>
      %dma_start3A = arith.constant 0 : i32
      %dma_start3A_27 = arith.constant 0 : i32
      %dma_start3A_28 = tpu.memref_slice %arg7[%dma_start3A, %dma_start3A_27] : memref<10000x16xf32, #tpu.memory_space<vmem_shared>> -> memref<10000x16xf32, #tpu.memory_space<vmem_shared>>
      tpu.enqueue_indirect_dma source(%arg4 : memref<1000x16xf32, #tpu.memory_space<vmem>>) target(%dma_start3A_28 : memref<10000x16xf32, #tpu.memory_space<vmem_shared>>) offsets(%arg5 : memref<1000xi32, #tpu.memory_space<vmem>>) semaphore(%run_scoped3A : memref<!tpu.dma_semaphore, #tpu.memory_space<semaphore_mem>>) {add = true}
      %dma_wait3A = arith.constant 0 : i32
      %dma_wait3A_29 = arith.constant 0 : i32
      %dma_wait3A_30 = tpu.memref_slice %arg7[%dma_wait3A, %dma_wait3A_29] : memref<10000x16xf32, #tpu.memory_space<vmem_shared>> -> memref<10000x16xf32, #tpu.memory_space<vmem_shared>>
      tpu.wait_indirect_dma semaphore(%run_scoped3A : memref<!tpu.dma_semaphore, #tpu.memory_space<semaphore_mem>>) src(%arg4 : memref<1000x16xf32, #tpu.memory_space<vmem>>) dst(%dma_wait3A_30 : memref<10000x16xf32, #tpu.memory_space<vmem_shared>>)
      tpu.yield
    }) : () -> ()
    %barrier3A_26 = arith.constant 0 : index
    tpu.barrier barrier_id(%barrier3A_26)
    "tpu.region"() ({
      %run_scoped3A = tpu.sem_alloc : memref<!tpu.dma_semaphore, #tpu.memory_space<semaphore_mem>>
      %dma_start3A = arith.constant 0 : i32
      %dma_start3A_27 = tpu.memref_slice %arg7[%mul3A_4, %dma_start3A] : memref<10000x16xf32, #tpu.memory_space<vmem_shared>> -> memref<625x16xf32, #tpu.memory_space<vmem_shared>>
      %dma_start3A_28 = arith.constant 0 : i32
      %dma_start3A_29 = tpu.memref_slice %arg7[%mul3A_4, %dma_start3A_28] : memref<10000x16xf32, #tpu.memory_space<vmem_shared>> -> memref<625x16xf32, #tpu.memory_space<vmem_shared>>
      tpu.enqueue_dma source(%dma_start3A_29 : memref<625x16xf32, #tpu.memory_space<vmem_shared>>) target(%arg6 : memref<625x16xf32, #tpu.memory_space<vmem>>) target_semaphore(%run_scoped3A : memref<!tpu.dma_semaphore, #tpu.memory_space<semaphore_mem>>)
      %dma_wait3A = arith.constant 0 : i32
      %dma_wait3A_30 = tpu.memref_slice %arg7[%mul3A_4, %dma_wait3A] : memref<10000x16xf32, #tpu.memory_space<vmem_shared>> -> memref<625x16xf32, #tpu.memory_space<vmem_shared>>
      %dma_wait3A_31 = arith.constant 0 : i32
      %dma_wait3A_32 = tpu.memref_slice %arg7[%mul3A_4, %dma_wait3A_31] : memref<10000x16xf32, #tpu.memory_space<vmem_shared>> -> memref<625x16xf32, #tpu.memory_space<vmem_shared>>
      tpu.wait_dma2 semaphore(%run_scoped3A : memref<!tpu.dma_semaphore, #tpu.memory_space<semaphore_mem>>) src(%dma_wait3A_32 : memref<625x16xf32, #tpu.memory_space<vmem_shared>>) dst(%arg6 : memref<625x16xf32, #tpu.memory_space<vmem>>)
      tpu.yield
    }) : () -> ()
    "tpu.region"() ({
      %run_scoped3A = tpu.sem_alloc : memref<!tpu.dma_semaphore, #tpu.memory_space<semaphore_mem>>
      %dma_start3A = arith.constant 0 : i32
      %dma_start3A_27 = tpu.memref_slice %arg3[%arg0, %mul3A_4, %dma_start3A] : memref<2x10000x16xf32, #tpu.memory_space<hbm>> -> memref<1x625x16xf32, #tpu.memory_space<hbm>>
      %dma_start3A_28 = tpu.memref_squeeze %dma_start3A_27 : memref<1x625x16xf32, #tpu.memory_space<hbm>> -> memref<625x16xf32, #tpu.memory_space<hbm>>
      %dma_start3A_29 = arith.constant 0 : i32
      %dma_start3A_30 = tpu.memref_slice %arg3[%arg0, %mul3A_4, %dma_start3A_29] : memref<2x10000x16xf32, #tpu.memory_space<hbm>> -> memref<1x625x16xf32, #tpu.memory_space<hbm>>
      %dma_start3A_31 = tpu.memref_squeeze %dma_start3A_30 : memref<1x625x16xf32, #tpu.memory_space<hbm>> -> memref<625x16xf32, #tpu.memory_space<hbm>>
      tpu.enqueue_dma source(%arg6 : memref<625x16xf32, #tpu.memory_space<vmem>>) target(%dma_start3A_31 : memref<625x16xf32, #tpu.memory_space<hbm>>) target_semaphore(%run_scoped3A : memref<!tpu.dma_semaphore, #tpu.memory_space<semaphore_mem>>)
      %dma_wait3A = arith.constant 0 : i32
      %dma_wait3A_32 = tpu.memref_slice %arg3[%arg0, %mul3A_4, %dma_wait3A] : memref<2x10000x16xf32, #tpu.memory_space<hbm>> -> memref<1x625x16xf32, #tpu.memory_space<hbm>>
      %dma_wait3A_33 = tpu.memref_squeeze %dma_wait3A_32 : memref<1x625x16xf32, #tpu.memory_space<hbm>> -> memref<625x16xf32, #tpu.memory_space<hbm>>
      %dma_wait3A_34 = arith.constant 0 : i32
      %dma_wait3A_35 = tpu.memref_slice %arg3[%arg0, %mul3A_4, %dma_wait3A_34] : memref<2x10000x16xf32, #tpu.memory_space<hbm>> -> memref<1x625x16xf32, #tpu.memory_space<hbm>>
      %dma_wait3A_36 = tpu.memref_squeeze %dma_wait3A_35 : memref<1x625x16xf32, #tpu.memory_space<hbm>> -> memref<625x16xf32, #tpu.memory_space<hbm>>
      tpu.wait_dma2 semaphore(%run_scoped3A : memref<!tpu.dma_semaphore, #tpu.memory_space<semaphore_mem>>) src(%arg6 : memref<625x16xf32, #tpu.memory_space<vmem>>) dst(%dma_wait3A_36 : memref<625x16xf32, #tpu.memory_space<hbm>>)
      tpu.yield
    }) : () -> ()
    return
  }
}

#map = affine_map<(d0, d1) -> (0, 0)>
#map1 = affine_map<(d0, d1) -> (0)>
module attributes {stable_mosaic.version = 14 : i64} {
  func.func @_sc_gather_rows(%arg0: i32, %arg1: i32, %arg2: memref<10000x16xf32, #tpu.memory_space<hbm>>, %arg3: memref<160000xi32, #tpu.memory_space<hbm>>, %arg4: memref<160000x16xf32, #tpu.memory_space<hbm>>, %arg5: memref<5000xi32, #tpu.memory_space<vmem>>, %arg6: memref<5000x16xf32, #tpu.memory_space<vmem>>, %arg7: memref<!tpu.dma_semaphore, #tpu.memory_space<semaphore_mem>>) attributes {dimension_semantics = [#tpu.dimension_semantics<core_parallel>, #tpu.dimension_semantics<subcore_parallel>], iteration_bounds = array<i64: 2, 16>, scalar_prefetch = 0 : i64, scratch_operands = 3 : i64, tpu.core_type = #tpu.core_type<sc_vector_subcore>, window_params = [{transform_indices = #map}, {transform_indices = #map1}, {transform_indices = #map}]} {
    %mul3A = arith.constant 2 : i32
    %mul3A_0 = arith.muli %arg1, %mul3A : i32
    %add3A = arith.addi %mul3A_0, %arg0 : i32
    %mul3A_1 = arith.constant 5000 : i32
    %mul3A_2 = arith.muli %add3A, %mul3A_1 : i32
    "tpu.region"() ({
      %run_scoped3A = tpu.sem_alloc : memref<!tpu.dma_semaphore, #tpu.memory_space<semaphore_mem>>
      %dma_start3A_7 = tpu.memref_slice %arg3[%mul3A_2] : memref<160000xi32, #tpu.memory_space<hbm>> -> memref<5000xi32, #tpu.memory_space<hbm>>
      %dma_start3A_8 = tpu.memref_slice %arg3[%mul3A_2] : memref<160000xi32, #tpu.memory_space<hbm>> -> memref<5000xi32, #tpu.memory_space<hbm>>
      tpu.enqueue_dma source(%dma_start3A_8 : memref<5000xi32, #tpu.memory_space<hbm>>) target(%arg5 : memref<5000xi32, #tpu.memory_space<vmem>>) target_semaphore(%run_scoped3A : memref<!tpu.dma_semaphore, #tpu.memory_space<semaphore_mem>>)
      %dma_wait3A_9 = tpu.memref_slice %arg3[%mul3A_2] : memref<160000xi32, #tpu.memory_space<hbm>> -> memref<5000xi32, #tpu.memory_space<hbm>>
      %dma_wait3A_10 = tpu.memref_slice %arg3[%mul3A_2] : memref<160000xi32, #tpu.memory_space<hbm>> -> memref<5000xi32, #tpu.memory_space<hbm>>
      tpu.wait_dma2 semaphore(%run_scoped3A : memref<!tpu.dma_semaphore, #tpu.memory_space<semaphore_mem>>) src(%dma_wait3A_10 : memref<5000xi32, #tpu.memory_space<hbm>>) dst(%arg5 : memref<5000xi32, #tpu.memory_space<vmem>>)
      tpu.yield
    }) : () -> ()
    %dma_start3A = arith.constant 0 : i32
    %dma_start3A_3 = arith.constant 0 : i32
    %dma_start3A_4 = tpu.memref_slice %arg2[%dma_start3A, %dma_start3A_3] : memref<10000x16xf32, #tpu.memory_space<hbm>> -> memref<10000x16xf32, #tpu.memory_space<hbm>>
    tpu.enqueue_indirect_dma source(%dma_start3A_4 : memref<10000x16xf32, #tpu.memory_space<hbm>>) target(%arg6 : memref<5000x16xf32, #tpu.memory_space<vmem>>) offsets(%arg5 : memref<5000xi32, #tpu.memory_space<vmem>>) semaphore(%arg7 : memref<!tpu.dma_semaphore, #tpu.memory_space<semaphore_mem>>)
    %dma_wait3A = arith.constant 0 : i32
    %dma_wait3A_5 = arith.constant 0 : i32
    %dma_wait3A_6 = tpu.memref_slice %arg2[%dma_wait3A, %dma_wait3A_5] : memref<10000x16xf32, #tpu.memory_space<hbm>> -> memref<10000x16xf32, #tpu.memory_space<hbm>>
    tpu.wait_indirect_dma semaphore(%arg7 : memref<!tpu.dma_semaphore, #tpu.memory_space<semaphore_mem>>) src(%dma_wait3A_6 : memref<10000x16xf32, #tpu.memory_space<hbm>>) dst(%arg6 : memref<5000x16xf32, #tpu.memory_space<vmem>>)
    "tpu.region"() ({
      %run_scoped3A = tpu.sem_alloc : memref<!tpu.dma_semaphore, #tpu.memory_space<semaphore_mem>>
      %dma_start3A_7 = arith.constant 0 : i32
      %dma_start3A_8 = tpu.memref_slice %arg4[%mul3A_2, %dma_start3A_7] : memref<160000x16xf32, #tpu.memory_space<hbm>> -> memref<5000x16xf32, #tpu.memory_space<hbm>>
      %dma_start3A_9 = arith.constant 0 : i32
      %dma_start3A_10 = tpu.memref_slice %arg4[%mul3A_2, %dma_start3A_9] : memref<160000x16xf32, #tpu.memory_space<hbm>> -> memref<5000x16xf32, #tpu.memory_space<hbm>>
      tpu.enqueue_dma source(%arg6 : memref<5000x16xf32, #tpu.memory_space<vmem>>) target(%dma_start3A_10 : memref<5000x16xf32, #tpu.memory_space<hbm>>) target_semaphore(%run_scoped3A : memref<!tpu.dma_semaphore, #tpu.memory_space<semaphore_mem>>)
      %dma_wait3A_11 = arith.constant 0 : i32
      %dma_wait3A_12 = tpu.memref_slice %arg4[%mul3A_2, %dma_wait3A_11] : memref<160000x16xf32, #tpu.memory_space<hbm>> -> memref<5000x16xf32, #tpu.memory_space<hbm>>
      %dma_wait3A_13 = arith.constant 0 : i32
      %dma_wait3A_14 = tpu.memref_slice %arg4[%mul3A_2, %dma_wait3A_13] : memref<160000x16xf32, #tpu.memory_space<hbm>> -> memref<5000x16xf32, #tpu.memory_space<hbm>>
      tpu.wait_dma2 semaphore(%run_scoped3A : memref<!tpu.dma_semaphore, #tpu.memory_space<semaphore_mem>>) src(%arg6 : memref<5000x16xf32, #tpu.memory_space<vmem>>) dst(%dma_wait3A_14 : memref<5000x16xf32, #tpu.memory_space<hbm>>)
      tpu.yield
    }) : () -> ()
    return
  }
}

#map = affine_map<(d0, d1) -> (0, 0)>
#map1 = affine_map<(d0, d1) -> (0)>
#map2 = affine_map<(d0, d1) -> (0, 0, 0)>
module attributes {stable_mosaic.version = 14 : i64} {
  func.func @_scatter(%arg0: i32, %arg1: i32, %arg2: memref<160000x16xf32, #tpu.memory_space<hbm>>, %arg3: memref<160000xi32, #tpu.memory_space<hbm>>, %arg4: memref<2x10000x16xf32, #tpu.memory_space<hbm>>, %arg5: memref<1000x16xf32, #tpu.memory_space<vmem>>, %arg6: memref<1000xi32, #tpu.memory_space<vmem>>, %arg7: memref<625x16xf32, #tpu.memory_space<vmem>>, %arg8: memref<10000x16xf32, #tpu.memory_space<vmem_shared>>) attributes {dimension_semantics = [#tpu.dimension_semantics<core_parallel>, #tpu.dimension_semantics<subcore_parallel>], iteration_bounds = array<i64: 2, 16>, scalar_prefetch = 0 : i64, scratch_operands = 4 : i64, tpu.core_type = #tpu.core_type<sc_vector_subcore>, window_params = [{transform_indices = #map}, {transform_indices = #map1}, {transform_indices = #map2}]} {
    %mul3A = arith.constant 16 : i32
    %mul3A_0 = arith.muli %arg0, %mul3A : i32
    %add3A = arith.addi %mul3A_0, %arg1 : i32
    %mul3A_1 = arith.constant 5000 : i32
    %mul3A_2 = arith.muli %add3A, %mul3A_1 : i32
    %mul3A_3 = arith.constant 625 : i32
    %mul3A_4 = arith.muli %arg1, %mul3A_3 : i32
    %scan3A = arith.constant 0 : i32
    %scan3A_5 = arith.constant 0 : i32
    %scan3A_6 = arith.constant 625 : i32
    %scan3A_7 = arith.addi %scan3A_5, %scan3A_6 : i32
    %scan3A_8 = arith.constant 1 : i32
    scf.for %scan3A_21 = %scan3A_5 to %scan3A_7 step %scan3A_8  : i32 {
      %broadcast_in_dim3A = arith.constant 0.000000e+00 : f32
      %broadcast_in_dim3A_22 = vector.broadcast %broadcast_in_dim3A : f32 to vector<16xf32>
      %swap3A = arith.index_cast %scan3A_21 : i32 to index
      %swap3A_23 = arith.constant 0 : index
      %swap3A_24 = tpu.vector_load %arg7[%swap3A, %swap3A_23] {strides = array<i32>} : memref<625x16xf32, #tpu.memory_space<vmem>>, vector<1x16xf32>,
      %swap3A_25 = vector.shape_cast %swap3A_24 : vector<1x16xf32> to vector<16xf32>
      %swap3A_26 = vector.shape_cast %broadcast_in_dim3A_22 : vector<16xf32> to vector<1x16xf32>
      tpu.vector_store %arg7[%swap3A, %swap3A_23], %swap3A_26 {strides = array<i32>} : memref<625x16xf32, #tpu.memory_space<vmem>>, vector<1x16xf32>,
    }
    %scan3A_9 = arith.constant 625 : i32
    "tpu.region"() ({
      %run_scoped3A = tpu.sem_alloc : memref<!tpu.dma_semaphore, #tpu.memory_space<semaphore_mem>>
      %dma_start3A = arith.constant 0 : i32
      %dma_start3A_21 = tpu.memref_slice %arg8[%mul3A_4, %dma_start3A] : memref<10000x16xf32, #tpu.memory_space<vmem_shared>> -> memref<625x16xf32, #tpu.memory_space<vmem_shared>>
      %dma_start3A_22 = arith.constant 0 : i32
      %dma_start3A_23 = tpu.memref_slice %arg8[%mul3A_4, %dma_start3A_22] : memref<10000x16xf32, #tpu.memory_space<vmem_shared>> -> memref<625x16xf32, #tpu.memory_space<vmem_shared>>
      tpu.enqueue_dma source(%arg7 : memref<625x16xf32, #tpu.memory_space<vmem>>) target(%dma_start3A_23 : memref<625x16xf32, #tpu.memory_space<vmem_shared>>) target_semaphore(%run_scoped3A : memref<!tpu.dma_semaphore, #tpu.memory_space<semaphore_mem>>)
      %dma_wait3A = arith.constant 0 : i32
      %dma_wait3A_24 = tpu.memref_slice %arg8[%mul3A_4, %dma_wait3A] : memref<10000x16xf32, #tpu.memory_space<vmem_shared>> -> memref<625x16xf32, #tpu.memory_space<vmem_shared>>
      %dma_wait3A_25 = arith.constant 0 : i32
      %dma_wait3A_26 = tpu.memref_slice %arg8[%mul3A_4, %dma_wait3A_25] : memref<10000x16xf32, #tpu.memory_space<vmem_shared>> -> memref<625x16xf32, #tpu.memory_space<vmem_shared>>
      tpu.wait_dma2 semaphore(%run_scoped3A : memref<!tpu.dma_semaphore, #tpu.memory_space<semaphore_mem>>) src(%arg7 : memref<625x16xf32, #tpu.memory_space<vmem>>) dst(%dma_wait3A_26 : memref<625x16xf32, #tpu.memory_space<vmem_shared>>)
      tpu.yield
    }) : () -> ()
    %barrier3A = arith.constant 0 : index
    tpu.barrier barrier_id(%barrier3A)
    %add3A_10 = arith.constant 0 : i32
    %add3A_11 = arith.addi %mul3A_2, %add3A_10 : i32
    "tpu.region"() ({
      %run_scoped3A = tpu.sem_alloc : memref<!tpu.dma_semaphore, #tpu.memory_space<semaphore_mem>>
      %dma_start3A = arith.constant 0 : i32
      %dma_start3A_21 = tpu.memref_slice %arg2[%add3A_11, %dma_start3A] : memref<160000x16xf32, #tpu.memory_space<hbm>> -> memref<1000x16xf32, #tpu.memory_space<hbm>>
      %dma_start3A_22 = arith.constant 0 : i32
      %dma_start3A_23 = tpu.memref_slice %arg2[%add3A_11, %dma_start3A_22] : memref<160000x16xf32, #tpu.memory_space<hbm>> -> memref<1000x16xf32, #tpu.memory_space<hbm>>
      tpu.enqueue_dma source(%dma_start3A_23 : memref<1000x16xf32, #tpu.memory_space<hbm>>) target(%arg5 : memref<1000x16xf32, #tpu.memory_space<vmem>>) target_semaphore(%run_scoped3A : memref<!tpu.dma_semaphore, #tpu.memory_space<semaphore_mem>>)
      %dma_wait3A = arith.constant 0 : i32
      %dma_wait3A_24 = tpu.memref_slice %arg2[%add3A_11, %dma_wait3A] : memref<160000x16xf32, #tpu.memory_space<hbm>> -> memref<1000x16xf32, #tpu.memory_space<hbm>>
      %dma_wait3A_25 = arith.constant 0 : i32
      %dma_wait3A_26 = tpu.memref_slice %arg2[%add3A_11, %dma_wait3A_25] : memref<160000x16xf32, #tpu.memory_space<hbm>> -> memref<1000x16xf32, #tpu.memory_space<hbm>>
      tpu.wait_dma2 semaphore(%run_scoped3A : memref<!tpu.dma_semaphore, #tpu.memory_space<semaphore_mem>>) src(%dma_wait3A_26 : memref<1000x16xf32, #tpu.memory_space<hbm>>) dst(%arg5 : memref<1000x16xf32, #tpu.memory_space<vmem>>)
      tpu.yield
    }) : () -> ()
    "tpu.region"() ({
      %run_scoped3A = tpu.sem_alloc : memref<!tpu.dma_semaphore, #tpu.memory_space<semaphore_mem>>
      %dma_start3A = tpu.memref_slice %arg3[%add3A_11] : memref<160000xi32, #tpu.memory_space<hbm>> -> memref<1000xi32, #tpu.memory_space<hbm>>
      %dma_start3A_21 = tpu.memref_slice %arg3[%add3A_11] : memref<160000xi32, #tpu.memory_space<hbm>> -> memref<1000xi32, #tpu.memory_space<hbm>>
      tpu.enqueue_dma source(%dma_start3A_21 : memref<1000xi32, #tpu.memory_space<hbm>>) target(%arg6 : memref<1000xi32, #tpu.memory_space<vmem>>) target_semaphore(%run_scoped3A : memref<!tpu.dma_semaphore, #tpu.memory_space<semaphore_mem>>)
      %dma_wait3A = tpu.memref_slice %arg3[%add3A_11] : memref<160000xi32, #tpu.memory_space<hbm>> -> memref<1000xi32, #tpu.memory_space<hbm>>
      %dma_wait3A_22 = tpu.memref_slice %arg3[%add3A_11] : memref<160000xi32, #tpu.memory_space<hbm>> -> memref<1000xi32, #tpu.memory_space<hbm>>
      tpu.wait_dma2 semaphore(%run_scoped3A : memref<!tpu.dma_semaphore, #tpu.memory_space<semaphore_mem>>) src(%dma_wait3A_22 : memref<1000xi32, #tpu.memory_space<hbm>>) dst(%arg6 : memref<1000xi32, #tpu.memory_space<vmem>>)
      tpu.yield
    }) : () -> ()
    "tpu.region"() ({
      %run_scoped3A = tpu.sem_alloc : memref<!tpu.dma_semaphore, #tpu.memory_space<semaphore_mem>>
      %dma_start3A = arith.constant 0 : i32
      %dma_start3A_21 = arith.constant 0 : i32
      %dma_start3A_22 = tpu.memref_slice %arg8[%dma_start3A, %dma_start3A_21] : memref<10000x16xf32, #tpu.memory_space<vmem_shared>> -> memref<10000x16xf32, #tpu.memory_space<vmem_shared>>
      tpu.enqueue_indirect_dma source(%arg5 : memref<1000x16xf32, #tpu.memory_space<vmem>>) target(%dma_start3A_22 : memref<10000x16xf32, #tpu.memory_space<vmem_shared>>) offsets(%arg6 : memref<1000xi32, #tpu.memory_space<vmem>>) semaphore(%run_scoped3A : memref<!tpu.dma_semaphore, #tpu.memory_space<semaphore_mem>>) {add = true}
      %dma_wait3A = arith.constant 0 : i32
      %dma_wait3A_23 = arith.constant 0 : i32
      %dma_wait3A_24 = tpu.memref_slice %arg8[%dma_wait3A, %dma_wait3A_23] : memref<10000x16xf32, #tpu.memory_space<vmem_shared>> -> memref<10000x16xf32, #tpu.memory_space<vmem_shared>>
      tpu.wait_indirect_dma semaphore(%run_scoped3A : memref<!tpu.dma_semaphore, #tpu.memory_space<semaphore_mem>>) src(%arg5 : memref<1000x16xf32, #tpu.memory_space<vmem>>) dst(%dma_wait3A_24 : memref<10000x16xf32, #tpu.memory_space<vmem_shared>>)
      tpu.yield
    }) : () -> ()
    %add3A_12 = arith.constant 1000 : i32
    %add3A_13 = arith.addi %mul3A_2, %add3A_12 : i32
    "tpu.region"() ({
      %run_scoped3A = tpu.sem_alloc : memref<!tpu.dma_semaphore, #tpu.memory_space<semaphore_mem>>
      %dma_start3A = arith.constant 0 : i32
      %dma_start3A_21 = tpu.memref_slice %arg2[%add3A_13, %dma_start3A] : memref<160000x16xf32, #tpu.memory_space<hbm>> -> memref<1000x16xf32, #tpu.memory_space<hbm>>
      %dma_start3A_22 = arith.constant 0 : i32
      %dma_start3A_23 = tpu.memref_slice %arg2[%add3A_13, %dma_start3A_22] : memref<160000x16xf32, #tpu.memory_space<hbm>> -> memref<1000x16xf32, #tpu.memory_space<hbm>>
      tpu.enqueue_dma source(%dma_start3A_23 : memref<1000x16xf32, #tpu.memory_space<hbm>>) target(%arg5 : memref<1000x16xf32, #tpu.memory_space<vmem>>) target_semaphore(%run_scoped3A : memref<!tpu.dma_semaphore, #tpu.memory_space<semaphore_mem>>)
      %dma_wait3A = arith.constant 0 : i32
      %dma_wait3A_24 = tpu.memref_slice %arg2[%add3A_13, %dma_wait3A] : memref<160000x16xf32, #tpu.memory_space<hbm>> -> memref<1000x16xf32, #tpu.memory_space<hbm>>
      %dma_wait3A_25 = arith.constant 0 : i32
      %dma_wait3A_26 = tpu.memref_slice %arg2[%add3A_13, %dma_wait3A_25] : memref<160000x16xf32, #tpu.memory_space<hbm>> -> memref<1000x16xf32, #tpu.memory_space<hbm>>
      tpu.wait_dma2 semaphore(%run_scoped3A : memref<!tpu.dma_semaphore, #tpu.memory_space<semaphore_mem>>) src(%dma_wait3A_26 : memref<1000x16xf32, #tpu.memory_space<hbm>>) dst(%arg5 : memref<1000x16xf32, #tpu.memory_space<vmem>>)
      tpu.yield
    }) : () -> ()
    "tpu.region"() ({
      %run_scoped3A = tpu.sem_alloc : memref<!tpu.dma_semaphore, #tpu.memory_space<semaphore_mem>>
      %dma_start3A = tpu.memref_slice %arg3[%add3A_13] : memref<160000xi32, #tpu.memory_space<hbm>> -> memref<1000xi32, #tpu.memory_space<hbm>>
      %dma_start3A_21 = tpu.memref_slice %arg3[%add3A_13] : memref<160000xi32, #tpu.memory_space<hbm>> -> memref<1000xi32, #tpu.memory_space<hbm>>
      tpu.enqueue_dma source(%dma_start3A_21 : memref<1000xi32, #tpu.memory_space<hbm>>) target(%arg6 : memref<1000xi32, #tpu.memory_space<vmem>>) target_semaphore(%run_scoped3A : memref<!tpu.dma_semaphore, #tpu.memory_space<semaphore_mem>>)
      %dma_wait3A = tpu.memref_slice %arg3[%add3A_13] : memref<160000xi32, #tpu.memory_space<hbm>> -> memref<1000xi32, #tpu.memory_space<hbm>>
      %dma_wait3A_22 = tpu.memref_slice %arg3[%add3A_13] : memref<160000xi32, #tpu.memory_space<hbm>> -> memref<1000xi32, #tpu.memory_space<hbm>>
      tpu.wait_dma2 semaphore(%run_scoped3A : memref<!tpu.dma_semaphore, #tpu.memory_space<semaphore_mem>>) src(%dma_wait3A_22 : memref<1000xi32, #tpu.memory_space<hbm>>) dst(%arg6 : memref<1000xi32, #tpu.memory_space<vmem>>)
      tpu.yield
    }) : () -> ()
    "tpu.region"() ({
      %run_scoped3A = tpu.sem_alloc : memref<!tpu.dma_semaphore, #tpu.memory_space<semaphore_mem>>
      %dma_start3A = arith.constant 0 : i32
      %dma_start3A_21 = arith.constant 0 : i32
      %dma_start3A_22 = tpu.memref_slice %arg8[%dma_start3A, %dma_start3A_21] : memref<10000x16xf32, #tpu.memory_space<vmem_shared>> -> memref<10000x16xf32, #tpu.memory_space<vmem_shared>>
      tpu.enqueue_indirect_dma source(%arg5 : memref<1000x16xf32, #tpu.memory_space<vmem>>) target(%dma_start3A_22 : memref<10000x16xf32, #tpu.memory_space<vmem_shared>>) offsets(%arg6 : memref<1000xi32, #tpu.memory_space<vmem>>) semaphore(%run_scoped3A : memref<!tpu.dma_semaphore, #tpu.memory_space<semaphore_mem>>) {add = true}
      %dma_wait3A = arith.constant 0 : i32
      %dma_wait3A_23 = arith.constant 0 : i32
      %dma_wait3A_24 = tpu.memref_slice %arg8[%dma_wait3A, %dma_wait3A_23] : memref<10000x16xf32, #tpu.memory_space<vmem_shared>> -> memref<10000x16xf32, #tpu.memory_space<vmem_shared>>
      tpu.wait_indirect_dma semaphore(%run_scoped3A : memref<!tpu.dma_semaphore, #tpu.memory_space<semaphore_mem>>) src(%arg5 : memref<1000x16xf32, #tpu.memory_space<vmem>>) dst(%dma_wait3A_24 : memref<10000x16xf32, #tpu.memory_space<vmem_shared>>)
      tpu.yield
    }) : () -> ()
    %add3A_14 = arith.constant 2000 : i32
    %add3A_15 = arith.addi %mul3A_2, %add3A_14 : i32
    "tpu.region"() ({
      %run_scoped3A = tpu.sem_alloc : memref<!tpu.dma_semaphore, #tpu.memory_space<semaphore_mem>>
      %dma_start3A = arith.constant 0 : i32
      %dma_start3A_21 = tpu.memref_slice %arg2[%add3A_15, %dma_start3A] : memref<160000x16xf32, #tpu.memory_space<hbm>> -> memref<1000x16xf32, #tpu.memory_space<hbm>>
      %dma_start3A_22 = arith.constant 0 : i32
      %dma_start3A_23 = tpu.memref_slice %arg2[%add3A_15, %dma_start3A_22] : memref<160000x16xf32, #tpu.memory_space<hbm>> -> memref<1000x16xf32, #tpu.memory_space<hbm>>
      tpu.enqueue_dma source(%dma_start3A_23 : memref<1000x16xf32, #tpu.memory_space<hbm>>) target(%arg5 : memref<1000x16xf32, #tpu.memory_space<vmem>>) target_semaphore(%run_scoped3A : memref<!tpu.dma_semaphore, #tpu.memory_space<semaphore_mem>>)
      %dma_wait3A = arith.constant 0 : i32
      %dma_wait3A_24 = tpu.memref_slice %arg2[%add3A_15, %dma_wait3A] : memref<160000x16xf32, #tpu.memory_space<hbm>> -> memref<1000x16xf32, #tpu.memory_space<hbm>>
      %dma_wait3A_25 = arith.constant 0 : i32
      %dma_wait3A_26 = tpu.memref_slice %arg2[%add3A_15, %dma_wait3A_25] : memref<160000x16xf32, #tpu.memory_space<hbm>> -> memref<1000x16xf32, #tpu.memory_space<hbm>>
      tpu.wait_dma2 semaphore(%run_scoped3A : memref<!tpu.dma_semaphore, #tpu.memory_space<semaphore_mem>>) src(%dma_wait3A_26 : memref<1000x16xf32, #tpu.memory_space<hbm>>) dst(%arg5 : memref<1000x16xf32, #tpu.memory_space<vmem>>)
      tpu.yield
    }) : () -> ()
    "tpu.region"() ({
      %run_scoped3A = tpu.sem_alloc : memref<!tpu.dma_semaphore, #tpu.memory_space<semaphore_mem>>
      %dma_start3A = tpu.memref_slice %arg3[%add3A_15] : memref<160000xi32, #tpu.memory_space<hbm>> -> memref<1000xi32, #tpu.memory_space<hbm>>
      %dma_start3A_21 = tpu.memref_slice %arg3[%add3A_15] : memref<160000xi32, #tpu.memory_space<hbm>> -> memref<1000xi32, #tpu.memory_space<hbm>>
      tpu.enqueue_dma source(%dma_start3A_21 : memref<1000xi32, #tpu.memory_space<hbm>>) target(%arg6 : memref<1000xi32, #tpu.memory_space<vmem>>) target_semaphore(%run_scoped3A : memref<!tpu.dma_semaphore, #tpu.memory_space<semaphore_mem>>)
      %dma_wait3A = tpu.memref_slice %arg3[%add3A_15] : memref<160000xi32, #tpu.memory_space<hbm>> -> memref<1000xi32, #tpu.memory_space<hbm>>
      %dma_wait3A_22 = tpu.memref_slice %arg3[%add3A_15] : memref<160000xi32, #tpu.memory_space<hbm>> -> memref<1000xi32, #tpu.memory_space<hbm>>
      tpu.wait_dma2 semaphore(%run_scoped3A : memref<!tpu.dma_semaphore, #tpu.memory_space<semaphore_mem>>) src(%dma_wait3A_22 : memref<1000xi32, #tpu.memory_space<hbm>>) dst(%arg6 : memref<1000xi32, #tpu.memory_space<vmem>>)
      tpu.yield
    }) : () -> ()
    "tpu.region"() ({
      %run_scoped3A = tpu.sem_alloc : memref<!tpu.dma_semaphore, #tpu.memory_space<semaphore_mem>>
      %dma_start3A = arith.constant 0 : i32
      %dma_start3A_21 = arith.constant 0 : i32
      %dma_start3A_22 = tpu.memref_slice %arg8[%dma_start3A, %dma_start3A_21] : memref<10000x16xf32, #tpu.memory_space<vmem_shared>> -> memref<10000x16xf32, #tpu.memory_space<vmem_shared>>
      tpu.enqueue_indirect_dma source(%arg5 : memref<1000x16xf32, #tpu.memory_space<vmem>>) target(%dma_start3A_22 : memref<10000x16xf32, #tpu.memory_space<vmem_shared>>) offsets(%arg6 : memref<1000xi32, #tpu.memory_space<vmem>>) semaphore(%run_scoped3A : memref<!tpu.dma_semaphore, #tpu.memory_space<semaphore_mem>>) {add = true}
      %dma_wait3A = arith.constant 0 : i32
      %dma_wait3A_23 = arith.constant 0 : i32
      %dma_wait3A_24 = tpu.memref_slice %arg8[%dma_wait3A, %dma_wait3A_23] : memref<10000x16xf32, #tpu.memory_space<vmem_shared>> -> memref<10000x16xf32, #tpu.memory_space<vmem_shared>>
      tpu.wait_indirect_dma semaphore(%run_scoped3A : memref<!tpu.dma_semaphore, #tpu.memory_space<semaphore_mem>>) src(%arg5 : memref<1000x16xf32, #tpu.memory_space<vmem>>) dst(%dma_wait3A_24 : memref<10000x16xf32, #tpu.memory_space<vmem_shared>>)
      tpu.yield
    }) : () -> ()
    %add3A_16 = arith.constant 3000 : i32
    %add3A_17 = arith.addi %mul3A_2, %add3A_16 : i32
    "tpu.region"() ({
      %run_scoped3A = tpu.sem_alloc : memref<!tpu.dma_semaphore, #tpu.memory_space<semaphore_mem>>
      %dma_start3A = arith.constant 0 : i32
      %dma_start3A_21 = tpu.memref_slice %arg2[%add3A_17, %dma_start3A] : memref<160000x16xf32, #tpu.memory_space<hbm>> -> memref<1000x16xf32, #tpu.memory_space<hbm>>
      %dma_start3A_22 = arith.constant 0 : i32
      %dma_start3A_23 = tpu.memref_slice %arg2[%add3A_17, %dma_start3A_22] : memref<160000x16xf32, #tpu.memory_space<hbm>> -> memref<1000x16xf32, #tpu.memory_space<hbm>>
      tpu.enqueue_dma source(%dma_start3A_23 : memref<1000x16xf32, #tpu.memory_space<hbm>>) target(%arg5 : memref<1000x16xf32, #tpu.memory_space<vmem>>) target_semaphore(%run_scoped3A : memref<!tpu.dma_semaphore, #tpu.memory_space<semaphore_mem>>)
      %dma_wait3A = arith.constant 0 : i32
      %dma_wait3A_24 = tpu.memref_slice %arg2[%add3A_17, %dma_wait3A] : memref<160000x16xf32, #tpu.memory_space<hbm>> -> memref<1000x16xf32, #tpu.memory_space<hbm>>
      %dma_wait3A_25 = arith.constant 0 : i32
      %dma_wait3A_26 = tpu.memref_slice %arg2[%add3A_17, %dma_wait3A_25] : memref<160000x16xf32, #tpu.memory_space<hbm>> -> memref<1000x16xf32, #tpu.memory_space<hbm>>
      tpu.wait_dma2 semaphore(%run_scoped3A : memref<!tpu.dma_semaphore, #tpu.memory_space<semaphore_mem>>) src(%dma_wait3A_26 : memref<1000x16xf32, #tpu.memory_space<hbm>>) dst(%arg5 : memref<1000x16xf32, #tpu.memory_space<vmem>>)
      tpu.yield
    }) : () -> ()
    "tpu.region"() ({
      %run_scoped3A = tpu.sem_alloc : memref<!tpu.dma_semaphore, #tpu.memory_space<semaphore_mem>>
      %dma_start3A = tpu.memref_slice %arg3[%add3A_17] : memref<160000xi32, #tpu.memory_space<hbm>> -> memref<1000xi32, #tpu.memory_space<hbm>>
      %dma_start3A_21 = tpu.memref_slice %arg3[%add3A_17] : memref<160000xi32, #tpu.memory_space<hbm>> -> memref<1000xi32, #tpu.memory_space<hbm>>
      tpu.enqueue_dma source(%dma_start3A_21 : memref<1000xi32, #tpu.memory_space<hbm>>) target(%arg6 : memref<1000xi32, #tpu.memory_space<vmem>>) target_semaphore(%run_scoped3A : memref<!tpu.dma_semaphore, #tpu.memory_space<semaphore_mem>>)
      %dma_wait3A = tpu.memref_slice %arg3[%add3A_17] : memref<160000xi32, #tpu.memory_space<hbm>> -> memref<1000xi32, #tpu.memory_space<hbm>>
      %dma_wait3A_22 = tpu.memref_slice %arg3[%add3A_17] : memref<160000xi32, #tpu.memory_space<hbm>> -> memref<1000xi32, #tpu.memory_space<hbm>>
      tpu.wait_dma2 semaphore(%run_scoped3A : memref<!tpu.dma_semaphore, #tpu.memory_space<semaphore_mem>>) src(%dma_wait3A_22 : memref<1000xi32, #tpu.memory_space<hbm>>) dst(%arg6 : memref<1000xi32, #tpu.memory_space<vmem>>)
      tpu.yield
    }) : () -> ()
    "tpu.region"() ({
      %run_scoped3A = tpu.sem_alloc : memref<!tpu.dma_semaphore, #tpu.memory_space<semaphore_mem>>
      %dma_start3A = arith.constant 0 : i32
      %dma_start3A_21 = arith.constant 0 : i32
      %dma_start3A_22 = tpu.memref_slice %arg8[%dma_start3A, %dma_start3A_21] : memref<10000x16xf32, #tpu.memory_space<vmem_shared>> -> memref<10000x16xf32, #tpu.memory_space<vmem_shared>>
      tpu.enqueue_indirect_dma source(%arg5 : memref<1000x16xf32, #tpu.memory_space<vmem>>) target(%dma_start3A_22 : memref<10000x16xf32, #tpu.memory_space<vmem_shared>>) offsets(%arg6 : memref<1000xi32, #tpu.memory_space<vmem>>) semaphore(%run_scoped3A : memref<!tpu.dma_semaphore, #tpu.memory_space<semaphore_mem>>) {add = true}
      %dma_wait3A = arith.constant 0 : i32
      %dma_wait3A_23 = arith.constant 0 : i32
      %dma_wait3A_24 = tpu.memref_slice %arg8[%dma_wait3A, %dma_wait3A_23] : memref<10000x16xf32, #tpu.memory_space<vmem_shared>> -> memref<10000x16xf32, #tpu.memory_space<vmem_shared>>
      tpu.wait_indirect_dma semaphore(%run_scoped3A : memref<!tpu.dma_semaphore, #tpu.memory_space<semaphore_mem>>) src(%arg5 : memref<1000x16xf32, #tpu.memory_space<vmem>>) dst(%dma_wait3A_24 : memref<10000x16xf32, #tpu.memory_space<vmem_shared>>)
      tpu.yield
    }) : () -> ()
    %add3A_18 = arith.constant 4000 : i32
    %add3A_19 = arith.addi %mul3A_2, %add3A_18 : i32
    "tpu.region"() ({
      %run_scoped3A = tpu.sem_alloc : memref<!tpu.dma_semaphore, #tpu.memory_space<semaphore_mem>>
      %dma_start3A = arith.constant 0 : i32
      %dma_start3A_21 = tpu.memref_slice %arg2[%add3A_19, %dma_start3A] : memref<160000x16xf32, #tpu.memory_space<hbm>> -> memref<1000x16xf32, #tpu.memory_space<hbm>>
      %dma_start3A_22 = arith.constant 0 : i32
      %dma_start3A_23 = tpu.memref_slice %arg2[%add3A_19, %dma_start3A_22] : memref<160000x16xf32, #tpu.memory_space<hbm>> -> memref<1000x16xf32, #tpu.memory_space<hbm>>
      tpu.enqueue_dma source(%dma_start3A_23 : memref<1000x16xf32, #tpu.memory_space<hbm>>) target(%arg5 : memref<1000x16xf32, #tpu.memory_space<vmem>>) target_semaphore(%run_scoped3A : memref<!tpu.dma_semaphore, #tpu.memory_space<semaphore_mem>>)
      %dma_wait3A = arith.constant 0 : i32
      %dma_wait3A_24 = tpu.memref_slice %arg2[%add3A_19, %dma_wait3A] : memref<160000x16xf32, #tpu.memory_space<hbm>> -> memref<1000x16xf32, #tpu.memory_space<hbm>>
      %dma_wait3A_25 = arith.constant 0 : i32
      %dma_wait3A_26 = tpu.memref_slice %arg2[%add3A_19, %dma_wait3A_25] : memref<160000x16xf32, #tpu.memory_space<hbm>> -> memref<1000x16xf32, #tpu.memory_space<hbm>>
      tpu.wait_dma2 semaphore(%run_scoped3A : memref<!tpu.dma_semaphore, #tpu.memory_space<semaphore_mem>>) src(%dma_wait3A_26 : memref<1000x16xf32, #tpu.memory_space<hbm>>) dst(%arg5 : memref<1000x16xf32, #tpu.memory_space<vmem>>)
      tpu.yield
    }) : () -> ()
    "tpu.region"() ({
      %run_scoped3A = tpu.sem_alloc : memref<!tpu.dma_semaphore, #tpu.memory_space<semaphore_mem>>
      %dma_start3A = tpu.memref_slice %arg3[%add3A_19] : memref<160000xi32, #tpu.memory_space<hbm>> -> memref<1000xi32, #tpu.memory_space<hbm>>
      %dma_start3A_21 = tpu.memref_slice %arg3[%add3A_19] : memref<160000xi32, #tpu.memory_space<hbm>> -> memref<1000xi32, #tpu.memory_space<hbm>>
      tpu.enqueue_dma source(%dma_start3A_21 : memref<1000xi32, #tpu.memory_space<hbm>>) target(%arg6 : memref<1000xi32, #tpu.memory_space<vmem>>) target_semaphore(%run_scoped3A : memref<!tpu.dma_semaphore, #tpu.memory_space<semaphore_mem>>)
      %dma_wait3A = tpu.memref_slice %arg3[%add3A_19] : memref<160000xi32, #tpu.memory_space<hbm>> -> memref<1000xi32, #tpu.memory_space<hbm>>
      %dma_wait3A_22 = tpu.memref_slice %arg3[%add3A_19] : memref<160000xi32, #tpu.memory_space<hbm>> -> memref<1000xi32, #tpu.memory_space<hbm>>
      tpu.wait_dma2 semaphore(%run_scoped3A : memref<!tpu.dma_semaphore, #tpu.memory_space<semaphore_mem>>) src(%dma_wait3A_22 : memref<1000xi32, #tpu.memory_space<hbm>>) dst(%arg6 : memref<1000xi32, #tpu.memory_space<vmem>>)
      tpu.yield
    }) : () -> ()
    "tpu.region"() ({
      %run_scoped3A = tpu.sem_alloc : memref<!tpu.dma_semaphore, #tpu.memory_space<semaphore_mem>>
      %dma_start3A = arith.constant 0 : i32
      %dma_start3A_21 = arith.constant 0 : i32
      %dma_start3A_22 = tpu.memref_slice %arg8[%dma_start3A, %dma_start3A_21] : memref<10000x16xf32, #tpu.memory_space<vmem_shared>> -> memref<10000x16xf32, #tpu.memory_space<vmem_shared>>
      tpu.enqueue_indirect_dma source(%arg5 : memref<1000x16xf32, #tpu.memory_space<vmem>>) target(%dma_start3A_22 : memref<10000x16xf32, #tpu.memory_space<vmem_shared>>) offsets(%arg6 : memref<1000xi32, #tpu.memory_space<vmem>>) semaphore(%run_scoped3A : memref<!tpu.dma_semaphore, #tpu.memory_space<semaphore_mem>>) {add = true}
      %dma_wait3A = arith.constant 0 : i32
      %dma_wait3A_23 = arith.constant 0 : i32
      %dma_wait3A_24 = tpu.memref_slice %arg8[%dma_wait3A, %dma_wait3A_23] : memref<10000x16xf32, #tpu.memory_space<vmem_shared>> -> memref<10000x16xf32, #tpu.memory_space<vmem_shared>>
      tpu.wait_indirect_dma semaphore(%run_scoped3A : memref<!tpu.dma_semaphore, #tpu.memory_space<semaphore_mem>>) src(%arg5 : memref<1000x16xf32, #tpu.memory_space<vmem>>) dst(%dma_wait3A_24 : memref<10000x16xf32, #tpu.memory_space<vmem_shared>>)
      tpu.yield
    }) : () -> ()
    %barrier3A_20 = arith.constant 0 : index
    tpu.barrier barrier_id(%barrier3A_20)
    "tpu.region"() ({
      %run_scoped3A = tpu.sem_alloc : memref<!tpu.dma_semaphore, #tpu.memory_space<semaphore_mem>>
      %dma_start3A = arith.constant 0 : i32
      %dma_start3A_21 = tpu.memref_slice %arg8[%mul3A_4, %dma_start3A] : memref<10000x16xf32, #tpu.memory_space<vmem_shared>> -> memref<625x16xf32, #tpu.memory_space<vmem_shared>>
      %dma_start3A_22 = arith.constant 0 : i32
      %dma_start3A_23 = tpu.memref_slice %arg8[%mul3A_4, %dma_start3A_22] : memref<10000x16xf32, #tpu.memory_space<vmem_shared>> -> memref<625x16xf32, #tpu.memory_space<vmem_shared>>
      tpu.enqueue_dma source(%dma_start3A_23 : memref<625x16xf32, #tpu.memory_space<vmem_shared>>) target(%arg7 : memref<625x16xf32, #tpu.memory_space<vmem>>) target_semaphore(%run_scoped3A : memref<!tpu.dma_semaphore, #tpu.memory_space<semaphore_mem>>)
      %dma_wait3A = arith.constant 0 : i32
      %dma_wait3A_24 = tpu.memref_slice %arg8[%mul3A_4, %dma_wait3A] : memref<10000x16xf32, #tpu.memory_space<vmem_shared>> -> memref<625x16xf32, #tpu.memory_space<vmem_shared>>
      %dma_wait3A_25 = arith.constant 0 : i32
      %dma_wait3A_26 = tpu.memref_slice %arg8[%mul3A_4, %dma_wait3A_25] : memref<10000x16xf32, #tpu.memory_space<vmem_shared>> -> memref<625x16xf32, #tpu.memory_space<vmem_shared>>
      tpu.wait_dma2 semaphore(%run_scoped3A : memref<!tpu.dma_semaphore, #tpu.memory_space<semaphore_mem>>) src(%dma_wait3A_26 : memref<625x16xf32, #tpu.memory_space<vmem_shared>>) dst(%arg7 : memref<625x16xf32, #tpu.memory_space<vmem>>)
      tpu.yield
    }) : () -> ()
    "tpu.region"() ({
      %run_scoped3A = tpu.sem_alloc : memref<!tpu.dma_semaphore, #tpu.memory_space<semaphore_mem>>
      %dma_start3A = arith.constant 0 : i32
      %dma_start3A_21 = tpu.memref_slice %arg4[%arg0, %mul3A_4, %dma_start3A] : memref<2x10000x16xf32, #tpu.memory_space<hbm>> -> memref<1x625x16xf32, #tpu.memory_space<hbm>>
      %dma_start3A_22 = tpu.memref_squeeze %dma_start3A_21 : memref<1x625x16xf32, #tpu.memory_space<hbm>> -> memref<625x16xf32, #tpu.memory_space<hbm>>
      %dma_start3A_23 = arith.constant 0 : i32
      %dma_start3A_24 = tpu.memref_slice %arg4[%arg0, %mul3A_4, %dma_start3A_23] : memref<2x10000x16xf32, #tpu.memory_space<hbm>> -> memref<1x625x16xf32, #tpu.memory_space<hbm>>
      %dma_start3A_25 = tpu.memref_squeeze %dma_start3A_24 : memref<1x625x16xf32, #tpu.memory_space<hbm>> -> memref<625x16xf32, #tpu.memory_space<hbm>>
      tpu.enqueue_dma source(%arg7 : memref<625x16xf32, #tpu.memory_space<vmem>>) target(%dma_start3A_25 : memref<625x16xf32, #tpu.memory_space<hbm>>) target_semaphore(%run_scoped3A : memref<!tpu.dma_semaphore, #tpu.memory_space<semaphore_mem>>)
      %dma_wait3A = arith.constant 0 : i32
      %dma_wait3A_26 = tpu.memref_slice %arg4[%arg0, %mul3A_4, %dma_wait3A] : memref<2x10000x16xf32, #tpu.memory_space<hbm>> -> memref<1x625x16xf32, #tpu.memory_space<hbm>>
      %dma_wait3A_27 = tpu.memref_squeeze %dma_wait3A_26 : memref<1x625x16xf32, #tpu.memory_space<hbm>> -> memref<625x16xf32, #tpu.memory_space<hbm>>
      %dma_wait3A_28 = arith.constant 0 : i32
      %dma_wait3A_29 = tpu.memref_slice %arg4[%arg0, %mul3A_4, %dma_wait3A_28] : memref<2x10000x16xf32, #tpu.memory_space<hbm>> -> memref<1x625x16xf32, #tpu.memory_space<hbm>>
      %dma_wait3A_30 = tpu.memref_squeeze %dma_wait3A_29 : memref<1x625x16xf32, #tpu.memory_space<hbm>> -> memref<625x16xf32, #tpu.memory_space<hbm>>
      tpu.wait_dma2 semaphore(%run_scoped3A : memref<!tpu.dma_semaphore, #tpu.memory_space<semaphore_mem>>) src(%arg7 : memref<625x16xf32, #tpu.memory_space<vmem>>) dst(%dma_wait3A_30 : memref<625x16xf32, #tpu.memory_space<hbm>>)
      tpu.yield
    }) : () -> ()
    return
  }
}

module attributes {stable_mosaic.version = 14 : i64} {
  func.func @_msg_body(%arg0: i32, %arg1: memref<800x32xf32, #tpu.memory_space<vmem>>, %arg2: memref<800x128xf32, #tpu.memory_space<vmem>>, %arg3: memref<32x128xbf16, #tpu.memory_space<vmem>>, %arg4: memref<1x128xf32, #tpu.memory_space<vmem>>, %arg5: memref<128x2048xbf16, #tpu.memory_space<vmem>>, %arg6: memref<128x2048xbf16, #tpu.memory_space<vmem>>, %arg7: memref<2176x128xbf16, #tpu.memory_space<vmem>>, %arg8: memref<800x128xf32, #tpu.memory_space<vmem>>) attributes {dimension_semantics = [#tpu.dimension_semantics<arbitrary>], iteration_bounds = array<i64: 25>, scalar_prefetch = 0 : i64, scratch_operands = 0 : i64, tpu.core_type = #tpu.core_type<tc>, window_params = [{transform_indices = @transform_0, window_bounds = array<i64: 800, 32>}, {transform_indices = @transform_1, window_bounds = array<i64: 800, 128>}, {pipeline_mode = #tpu.pipeline_mode<synchronous>, transform_indices = @transform_2, window_bounds = array<i64: 32, 128>}, {pipeline_mode = #tpu.pipeline_mode<synchronous>, transform_indices = @transform_3, window_bounds = array<i64: 1, 128>}, {pipeline_mode = #tpu.pipeline_mode<synchronous>, transform_indices = @transform_4, window_bounds = array<i64: 128, 2048>}, {pipeline_mode = #tpu.pipeline_mode<synchronous>, transform_indices = @transform_5, window_bounds = array<i64: 128, 2048>}, {pipeline_mode = #tpu.pipeline_mode<synchronous>, transform_indices = @transform_6, window_bounds = array<i64: 2176, 128>}, {transform_indices = @transform_7, window_bounds = array<i64: 800, 128>}]} {
    %get3A = arith.constant 0 : index
    %get3A_0 = arith.constant 0 : index
    %get3A_1 = vector.load %arg1[%get3A, %get3A_0] : memref<800x32xf32, #tpu.memory_space<vmem>>, vector<800x32xf32>
    %convert_element_type3A = arith.truncf %get3A_1 : vector<800x32xf32> to vector<800x32xbf16>
    %get3A_2 = arith.constant 0 : index
    %get3A_3 = arith.constant 0 : index
    %get3A_4 = vector.load %arg3[%get3A_2, %get3A_3] : memref<32x128xbf16, #tpu.memory_space<vmem>>, vector<32x128xbf16>
    %dot_general3A = arith.constant dense<0.000000e+00> : vector<800x128xf32>
    %dot_general3A_5 = tpu.matmul %convert_element_type3A, %get3A_4, %dot_general3A {dimension_numbers = #tpu.dot_dimension_numbers<[1], [0], [0], [1], [0, 0, 1, 1], [], []>, transpose_lhs_hint = false} : vector<800x32xbf16>, vector<32x128xbf16>, vector<800x128xf32> -> vector<800x128xf32>
    %get3A_6 = arith.constant 0 : index
    %get3A_7 = arith.constant 0 : index
    %get3A_8 = vector.load %arg4[%get3A_6, %get3A_7] : memref<1x128xf32, #tpu.memory_space<vmem>>, vector<1x128xf32>
    %add3A = vector.broadcast %get3A_8 : vector<1x128xf32> to vector<800x128xf32>
    %add3A_9 = arith.addf %dot_general3A_5, %add3A : vector<800x128xf32>
    %ge3A = arith.constant 0.000000e+00 : f32
    %ge3A_10 = vector.broadcast %ge3A : f32 to vector<800x128xf32>
    %ge3A_11 = arith.cmpf oge, %add3A_9, %ge3A_10 : vector<800x128xf32>
    %mul3A = arith.constant 0.00999999977 : f32
    %mul3A_12 = vector.broadcast %mul3A : f32 to vector<800x128xf32>
    %mul3A_13 = arith.mulf %mul3A_12, %add3A_9 : vector<800x128xf32>
    %select_n3A = arith.select %ge3A_11, %add3A_9, %mul3A_13 : vector<800x128xi1>, vector<800x128xf32>
    %get3A_14 = arith.constant 0 : index
    %get3A_15 = arith.constant 0 : index
    %get3A_16 = vector.load %arg2[%get3A_14, %get3A_15] : memref<800x128xf32, #tpu.memory_space<vmem>>, vector<800x128xf32>
    %convert_element_type3A_17 = arith.truncf %get3A_16 : vector<800x128xf32> to vector<800x128xbf16>
    %convert_element_type3A_18 = arith.truncf %select_n3A : vector<800x128xf32> to vector<800x128xbf16>
    %get3A_19 = arith.constant 0 : index
    %get3A_20 = arith.constant 0 : index
    %get3A_21 = vector.load %arg5[%get3A_19, %get3A_20] : memref<128x2048xbf16, #tpu.memory_space<vmem>>, vector<128x2048xbf16>
    %dot_general3A_22 = arith.constant dense<0.000000e+00> : vector<800x2048xf32>
    %dot_general3A_23 = tpu.matmul %convert_element_type3A_18, %get3A_21, %dot_general3A_22 {dimension_numbers = #tpu.dot_dimension_numbers<[1], [0], [0], [1], [0, 0, 1, 1], [], []>, transpose_lhs_hint = false} : vector<800x128xbf16>, vector<128x2048xbf16>, vector<800x2048xf32> -> vector<800x2048xf32>
    %convert_element_type3A_24 = arith.truncf %dot_general3A_23 : vector<800x2048xf32> to vector<800x2048xbf16>
    %get3A_25 = arith.constant 0 : index
    %get3A_26 = arith.constant 0 : index
    %get3A_27 = vector.load %arg6[%get3A_25, %get3A_26] : memref<128x2048xbf16, #tpu.memory_space<vmem>>, vector<128x2048xbf16>
    %dot_general3A_28 = arith.constant dense<0.000000e+00> : vector<800x2048xf32>
    %dot_general3A_29 = tpu.matmul %convert_element_type3A_17, %get3A_27, %dot_general3A_28 {dimension_numbers = #tpu.dot_dimension_numbers<[1], [0], [0], [1], [0, 0, 1, 1], [], []>, transpose_lhs_hint = false} : vector<800x128xbf16>, vector<128x2048xbf16>, vector<800x2048xf32> -> vector<800x2048xf32>
    %convert_element_type3A_30 = arith.truncf %dot_general3A_29 : vector<800x2048xf32> to vector<800x2048xbf16>
    %mul3A_31 = arith.mulf %convert_element_type3A_24, %convert_element_type3A_30 : vector<800x2048xbf16>
    %concatenate3A = tpu.concatenate %mul3A_31, %convert_element_type3A_17 in 1 : vector<800x2048xbf16>, vector<800x128xbf16> -> vector<800x2176xbf16>
    %get3A_32 = arith.constant 0 : index
    %get3A_33 = arith.constant 0 : index
    %get3A_34 = vector.load %arg7[%get3A_32, %get3A_33] : memref<2176x128xbf16, #tpu.memory_space<vmem>>, vector<2176x128xbf16>
    %dot_general3A_35 = arith.constant dense<0.000000e+00> : vector<800x128xf32>
    %dot_general3A_36 = tpu.matmul %concatenate3A, %get3A_34, %dot_general3A_35 {dimension_numbers = #tpu.dot_dimension_numbers<[1], [0], [0], [1], [0, 0, 1, 1], [], []>, transpose_lhs_hint = false} : vector<800x2176xbf16>, vector<2176x128xbf16>, vector<800x128xf32> -> vector<800x128xf32>
    %swap3A = arith.constant 0 : index
    %swap3A_37 = arith.constant 0 : index
    %swap3A_38 = vector.load %arg8[%swap3A, %swap3A_37] : memref<800x128xf32, #tpu.memory_space<vmem>>, vector<800x128xf32>
    tpu.vector_store %arg8[%swap3A, %swap3A_37], %dot_general3A_36 {strides = array<i32>} : memref<800x128xf32, #tpu.memory_space<vmem>>, vector<800x128xf32>,
    return
  }
  func.func @transform_0(%arg0: i32) -> (i32, i32) {
    %c0_i32 = arith.constant 0 : i32
    %c0_i32_0 = arith.constant 0 : i32
    return %arg0, %c0_i32 : i32, i32
  }
  func.func @transform_1(%arg0: i32) -> (i32, i32) {
    %c0_i32 = arith.constant 0 : i32
    %c0_i32_0 = arith.constant 0 : i32
    return %arg0, %c0_i32 : i32, i32
  }
  func.func @transform_2(%arg0: i32) -> (i32, i32) {
    %c0_i32 = arith.constant 0 : i32
    %c0_i32_0 = arith.constant 0 : i32
    %c0_i32_1 = arith.constant 0 : i32
    return %c0_i32, %c0_i32_0 : i32, i32
  }
  func.func @transform_3(%arg0: i32) -> (i32, i32) {
    %c0_i32 = arith.constant 0 : i32
    %c0_i32_0 = arith.constant 0 : i32
    %c0_i32_1 = arith.constant 0 : i32
    return %c0_i32, %c0_i32_0 : i32, i32
  }
  func.func @transform_4(%arg0: i32) -> (i32, i32) {
    %c0_i32 = arith.constant 0 : i32
    %c0_i32_0 = arith.constant 0 : i32
    %c0_i32_1 = arith.constant 0 : i32
    return %c0_i32, %c0_i32_0 : i32, i32
  }
  func.func @transform_5(%arg0: i32) -> (i32, i32) {
    %c0_i32 = arith.constant 0 : i32
    %c0_i32_0 = arith.constant 0 : i32
    %c0_i32_1 = arith.constant 0 : i32
    return %c0_i32, %c0_i32_0 : i32, i32
  }
  func.func @transform_6(%arg0: i32) -> (i32, i32) {
    %c0_i32 = arith.constant 0 : i32
    %c0_i32_0 = arith.constant 0 : i32
    %c0_i32_1 = arith.constant 0 : i32
    return %c0_i32, %c0_i32_0 : i32, i32
  }
  func.func @transform_7(%arg0: i32) -> (i32, i32) {
    %c0_i32 = arith.constant 0 : i32
    %c0_i32_0 = arith.constant 0 : i32
    return %arg0, %c0_i32 : i32, i32
  }
}

module attributes {stable_mosaic.version = 14 : i64} {
  func.func @_bn1_body(%arg0: memref<2500x128xf32, #tpu.memory_space<vmem>>, %arg1: memref<2500x128xf32, #tpu.memory_space<vmem>>, %arg2: memref<1x128xf32, #tpu.memory_space<vmem>>, %arg3: memref<1x128xf32, #tpu.memory_space<vmem>>, %arg4: memref<1x128xf32, #tpu.memory_space<vmem>>, %arg5: memref<1250x128xf32, #tpu.memory_space<vmem>>, %arg6: memref<1250x128xf32, #tpu.memory_space<vmem>>) attributes {dimension_semantics = [], scalar_prefetch = 0 : i64, scratch_operands = 0 : i64, tpu.core_type = #tpu.core_type<tc>} {
    %get3A = arith.constant 0 : index
    %get3A_0 = arith.constant 0 : index
    %get3A_1 = vector.load %arg0[%get3A, %get3A_0] : memref<2500x128xf32, #tpu.memory_space<vmem>>, vector<2500x128xf32>
    %get3A_2 = arith.constant 0 : index
    %get3A_3 = arith.constant 0 : index
    %get3A_4 = vector.load %arg1[%get3A_2, %get3A_3] : memref<2500x128xf32, #tpu.memory_space<vmem>>, vector<2500x128xf32>
    %slice3A = vector.extract_strided_slice %get3A_1 {offsets = [0, 0], sizes = [1250, 128], strides = [1, 1]} : vector<2500x128xf32> to vector<1250x128xf32>
    %slice3A_5 = vector.extract_strided_slice %get3A_1 {offsets = [1250, 0], sizes = [1250, 128], strides = [1, 1]} : vector<2500x128xf32> to vector<1250x128xf32>
    %add3A = arith.addf %slice3A, %slice3A_5 : vector<1250x128xf32>
    %slice3A_6 = vector.extract_strided_slice %get3A_4 {offsets = [0, 0], sizes = [1250, 128], strides = [1, 1]} : vector<2500x128xf32> to vector<1250x128xf32>
    %slice3A_7 = vector.extract_strided_slice %get3A_4 {offsets = [1250, 0], sizes = [1250, 128], strides = [1, 1]} : vector<2500x128xf32> to vector<1250x128xf32>
    %add3A_8 = arith.addf %slice3A_6, %slice3A_7 : vector<1250x128xf32>
    %max3A = arith.constant 1.000000e+00 : f32
    %max3A_9 = vector.broadcast %max3A : f32 to vector<1250x128xf32>
    %max3A_10 = arith.maximumf %add3A_8, %max3A_9 : vector<1250x128xf32>
    %div3A = arith.divf %add3A, %max3A_10 : vector<1250x128xf32>
    %get3A_11 = arith.constant 0 : index
    %get3A_12 = arith.constant 0 : index
    %get3A_13 = vector.load %arg2[%get3A_11, %get3A_12] : memref<1x128xf32, #tpu.memory_space<vmem>>, vector<1x128xf32>
    %add3A_14 = vector.broadcast %get3A_13 : vector<1x128xf32> to vector<1250x128xf32>
    %add3A_15 = arith.addf %div3A, %add3A_14 : vector<1250x128xf32>
    %ge3A = arith.constant 0.000000e+00 : f32
    %ge3A_16 = vector.broadcast %ge3A : f32 to vector<1250x128xf32>
    %ge3A_17 = arith.cmpf oge, %add3A_15, %ge3A_16 : vector<1250x128xf32>
    %mul3A = arith.constant 0.00999999977 : f32
    %mul3A_18 = vector.broadcast %mul3A : f32 to vector<1250x128xf32>
    %mul3A_19 = arith.mulf %mul3A_18, %add3A_15 : vector<1250x128xf32>
    %select_n3A = arith.select %ge3A_17, %add3A_15, %mul3A_19 : vector<1250x128xi1>, vector<1250x128xf32>
    %reduce_sum3A = arith.constant dense<0.000000e+00> : vector<128xf32>
    %reduce_sum3A_20 = vector.multi_reduction <add>, %select_n3A, %reduce_sum3A [0] : vector<1250x128xf32> to vector<128xf32>
    %broadcast_in_dim3A = vector.shape_cast %reduce_sum3A_20 : vector<128xf32> to vector<1x128xf32>
    %slice3A_21 = vector.extract_strided_slice %broadcast_in_dim3A {offsets = [0, 0], sizes = [1, 16], strides = [1, 1]} : vector<1x128xf32> to vector<1x16xf32>
    %slice3A_22 = vector.extract_strided_slice %broadcast_in_dim3A {offsets = [0, 16], sizes = [1, 16], strides = [1, 1]} : vector<1x128xf32> to vector<1x16xf32>
    %add3A_23 = arith.addf %slice3A_21, %slice3A_22 : vector<1x16xf32>
    %slice3A_24 = vector.extract_strided_slice %broadcast_in_dim3A {offsets = [0, 32], sizes = [1, 16], strides = [1, 1]} : vector<1x128xf32> to vector<1x16xf32>
    %add3A_25 = arith.addf %add3A_23, %slice3A_24 : vector<1x16xf32>
    %slice3A_26 = vector.extract_strided_slice %broadcast_in_dim3A {offsets = [0, 48], sizes = [1, 16], strides = [1, 1]} : vector<1x128xf32> to vector<1x16xf32>
    %add3A_27 = arith.addf %add3A_25, %slice3A_26 : vector<1x16xf32>
    %slice3A_28 = vector.extract_strided_slice %broadcast_in_dim3A {offsets = [0, 64], sizes = [1, 16], strides = [1, 1]} : vector<1x128xf32> to vector<1x16xf32>
    %add3A_29 = arith.addf %add3A_27, %slice3A_28 : vector<1x16xf32>
    %slice3A_30 = vector.extract_strided_slice %broadcast_in_dim3A {offsets = [0, 80], sizes = [1, 16], strides = [1, 1]} : vector<1x128xf32> to vector<1x16xf32>
    %add3A_31 = arith.addf %add3A_29, %slice3A_30 : vector<1x16xf32>
    %slice3A_32 = vector.extract_strided_slice %broadcast_in_dim3A {offsets = [0, 96], sizes = [1, 16], strides = [1, 1]} : vector<1x128xf32> to vector<1x16xf32>
    %add3A_33 = arith.addf %add3A_31, %slice3A_32 : vector<1x16xf32>
    %slice3A_34 = vector.extract_strided_slice %broadcast_in_dim3A {offsets = [0, 112], sizes = [1, 16], strides = [1, 1]} : vector<1x128xf32> to vector<1x16xf32>
    %add3A_35 = arith.addf %add3A_33, %slice3A_34 : vector<1x16xf32>
    %div3A_36 = arith.constant 1.000000e+04 : f32
    %div3A_37 = vector.broadcast %div3A_36 : f32 to vector<1x16xf32>
    %div3A_38 = arith.divf %add3A_35, %div3A_37 : vector<1x16xf32>
    %concatenate3A = tpu.concatenate %div3A_38, %div3A_38, %div3A_38, %div3A_38, %div3A_38, %div3A_38, %div3A_38, %div3A_38 in 1 : vector<1x16xf32>, vector<1x16xf32>, vector<1x16xf32>, vector<1x16xf32>, vector<1x16xf32>, vector<1x16xf32>, vector<1x16xf32>, vector<1x16xf32> -> vector<1x128xf32>
    %sub3A = vector.broadcast %concatenate3A : vector<1x128xf32> to vector<1250x128xf32>
    %sub3A_39 = arith.subf %select_n3A, %sub3A : vector<1250x128xf32>
    %mul3A_40 = arith.mulf %sub3A_39, %sub3A_39 : vector<1250x128xf32>
    %reduce_sum3A_41 = arith.constant dense<0.000000e+00> : vector<128xf32>
    %reduce_sum3A_42 = vector.multi_reduction <add>, %mul3A_40, %reduce_sum3A_41 [0] : vector<1250x128xf32> to vector<128xf32>
    %broadcast_in_dim3A_43 = vector.shape_cast %reduce_sum3A_42 : vector<128xf32> to vector<1x128xf32>
    %slice3A_44 = vector.extract_strided_slice %broadcast_in_dim3A_43 {offsets = [0, 0], sizes = [1, 16], strides = [1, 1]} : vector<1x128xf32> to vector<1x16xf32>
    %slice3A_45 = vector.extract_strided_slice %broadcast_in_dim3A_43 {offsets = [0, 16], sizes = [1, 16], strides = [1, 1]} : vector<1x128xf32> to vector<1x16xf32>
    %add3A_46 = arith.addf %slice3A_44, %slice3A_45 : vector<1x16xf32>
    %slice3A_47 = vector.extract_strided_slice %broadcast_in_dim3A_43 {offsets = [0, 32], sizes = [1, 16], strides = [1, 1]} : vector<1x128xf32> to vector<1x16xf32>
    %add3A_48 = arith.addf %add3A_46, %slice3A_47 : vector<1x16xf32>
    %slice3A_49 = vector.extract_strided_slice %broadcast_in_dim3A_43 {offsets = [0, 48], sizes = [1, 16], strides = [1, 1]} : vector<1x128xf32> to vector<1x16xf32>
    %add3A_50 = arith.addf %add3A_48, %slice3A_49 : vector<1x16xf32>
    %slice3A_51 = vector.extract_strided_slice %broadcast_in_dim3A_43 {offsets = [0, 64], sizes = [1, 16], strides = [1, 1]} : vector<1x128xf32> to vector<1x16xf32>
    %add3A_52 = arith.addf %add3A_50, %slice3A_51 : vector<1x16xf32>
    %slice3A_53 = vector.extract_strided_slice %broadcast_in_dim3A_43 {offsets = [0, 80], sizes = [1, 16], strides = [1, 1]} : vector<1x128xf32> to vector<1x16xf32>
    %add3A_54 = arith.addf %add3A_52, %slice3A_53 : vector<1x16xf32>
    %slice3A_55 = vector.extract_strided_slice %broadcast_in_dim3A_43 {offsets = [0, 96], sizes = [1, 16], strides = [1, 1]} : vector<1x128xf32> to vector<1x16xf32>
    %add3A_56 = arith.addf %add3A_54, %slice3A_55 : vector<1x16xf32>
    %slice3A_57 = vector.extract_strided_slice %broadcast_in_dim3A_43 {offsets = [0, 112], sizes = [1, 16], strides = [1, 1]} : vector<1x128xf32> to vector<1x16xf32>
    %add3A_58 = arith.addf %add3A_56, %slice3A_57 : vector<1x16xf32>
    %div3A_59 = arith.constant 1.000000e+04 : f32
    %div3A_60 = vector.broadcast %div3A_59 : f32 to vector<1x16xf32>
    %div3A_61 = arith.divf %add3A_58, %div3A_60 : vector<1x16xf32>
    %concatenate3A_62 = tpu.concatenate %div3A_61, %div3A_61, %div3A_61, %div3A_61, %div3A_61, %div3A_61, %div3A_61, %div3A_61 in 1 : vector<1x16xf32>, vector<1x16xf32>, vector<1x16xf32>, vector<1x16xf32>, vector<1x16xf32>, vector<1x16xf32>, vector<1x16xf32>, vector<1x16xf32> -> vector<1x128xf32>
    %get3A_63 = arith.constant 0 : index
    %get3A_64 = arith.constant 0 : index
    %get3A_65 = vector.load %arg3[%get3A_63, %get3A_64] : memref<1x128xf32, #tpu.memory_space<vmem>>, vector<1x128xf32>
    %sub3A_66 = vector.broadcast %concatenate3A : vector<1x128xf32> to vector<1250x128xf32>
    %sub3A_67 = arith.subf %select_n3A, %sub3A_66 : vector<1250x128xf32>
    %mul3A_68 = vector.broadcast %get3A_65 : vector<1x128xf32> to vector<1250x128xf32>
    %mul3A_69 = arith.mulf %mul3A_68, %sub3A_67 : vector<1250x128xf32>
    %add3A_70 = arith.constant 9.99999974E-6 : f32
    %add3A_71 = vector.broadcast %add3A_70 : f32 to vector<1x128xf32>
    %add3A_72 = arith.addf %concatenate3A_62, %add3A_71 : vector<1x128xf32>
    %rsqrt3A = math.rsqrt %add3A_72 : vector<1x128xf32>
    %mul3A_73 = vector.broadcast %rsqrt3A : vector<1x128xf32> to vector<1250x128xf32>
    %mul3A_74 = arith.mulf %mul3A_69, %mul3A_73 : vector<1250x128xf32>
    %get3A_75 = arith.constant 0 : index
    %get3A_76 = arith.constant 0 : index
    %get3A_77 = vector.load %arg4[%get3A_75, %get3A_76] : memref<1x128xf32, #tpu.memory_space<vmem>>, vector<1x128xf32>
    %add3A_78 = vector.broadcast %get3A_77 : vector<1x128xf32> to vector<1250x128xf32>
    %add3A_79 = arith.addf %mul3A_74, %add3A_78 : vector<1250x128xf32>
    %swap3A = arith.constant 0 : index
    %swap3A_80 = arith.constant 0 : index
    %swap3A_81 = vector.load %arg5[%swap3A, %swap3A_80] : memref<1250x128xf32, #tpu.memory_space<vmem>>, vector<1250x128xf32>
    tpu.vector_store %arg5[%swap3A, %swap3A_80], %add3A_79 {strides = array<i32>} : memref<1250x128xf32, #tpu.memory_space<vmem>>, vector<1250x128xf32>,
    %swap3A_82 = arith.constant 0 : index
    %swap3A_83 = arith.constant 0 : index
    %swap3A_84 = vector.load %arg6[%swap3A_82, %swap3A_83] : memref<1250x128xf32, #tpu.memory_space<vmem>>, vector<1250x128xf32>
    tpu.vector_store %arg6[%swap3A_82, %swap3A_83], %max3A_10 {strides = array<i32>} : memref<1250x128xf32, #tpu.memory_space<vmem>>, vector<1250x128xf32>,
    return
  }
}

module attributes {stable_mosaic.version = 14 : i64} {
  func.func @_final_body(%arg0: memref<2500x128xf32, #tpu.memory_space<vmem>>, %arg1: memref<1250x128xf32, #tpu.memory_space<vmem>>, %arg2: memref<1x128xf32, #tpu.memory_space<vmem>>, %arg3: memref<1x128xf32, #tpu.memory_space<vmem>>, %arg4: memref<1x128xf32, #tpu.memory_space<vmem>>, %arg5: memref<8x1250xi32, #tpu.memory_space<vmem>>, %arg6: memref<64x8xf32, #tpu.memory_space<vmem>>, %arg7: memref<24x64xf32, #tpu.memory_space<vmem>>, %arg8: memref<1x64xf32, #tpu.memory_space<vmem>>, %arg9: memref<64x32xf32, #tpu.memory_space<vmem>>, %arg10: memref<1x32xf32, #tpu.memory_space<vmem>>, %arg11: memref<64x32xf32, #tpu.memory_space<vmem>>) attributes {dimension_semantics = [], scalar_prefetch = 0 : i64, scratch_operands = 0 : i64, tpu.core_type = #tpu.core_type<tc>} {
    %get3A = arith.constant 0 : index
    %get3A_0 = arith.constant 0 : index
    %get3A_1 = vector.load %arg0[%get3A, %get3A_0] : memref<2500x128xf32, #tpu.memory_space<vmem>>, vector<2500x128xf32>
    %slice3A = vector.extract_strided_slice %get3A_1 {offsets = [0, 0], sizes = [1250, 128], strides = [1, 1]} : vector<2500x128xf32> to vector<1250x128xf32>
    %slice3A_2 = vector.extract_strided_slice %get3A_1 {offsets = [1250, 0], sizes = [1250, 128], strides = [1, 1]} : vector<2500x128xf32> to vector<1250x128xf32>
    %add3A = arith.addf %slice3A, %slice3A_2 : vector<1250x128xf32>
    %get3A_3 = arith.constant 0 : index
    %get3A_4 = arith.constant 0 : index
    %get3A_5 = vector.load %arg1[%get3A_3, %get3A_4] : memref<1250x128xf32, #tpu.memory_space<vmem>>, vector<1250x128xf32>
    %div3A = arith.divf %add3A, %get3A_5 : vector<1250x128xf32>
    %get3A_6 = arith.constant 0 : index
    %get3A_7 = arith.constant 0 : index
    %get3A_8 = vector.load %arg2[%get3A_6, %get3A_7] : memref<1x128xf32, #tpu.memory_space<vmem>>, vector<1x128xf32>
    %add3A_9 = vector.broadcast %get3A_8 : vector<1x128xf32> to vector<1250x128xf32>
    %add3A_10 = arith.addf %div3A, %add3A_9 : vector<1250x128xf32>
    %ge3A = arith.constant 0.000000e+00 : f32
    %ge3A_11 = vector.broadcast %ge3A : f32 to vector<1250x128xf32>
    %ge3A_12 = arith.cmpf oge, %add3A_10, %ge3A_11 : vector<1250x128xf32>
    %mul3A = arith.constant 0.00999999977 : f32
    %mul3A_13 = vector.broadcast %mul3A : f32 to vector<1250x128xf32>
    %mul3A_14 = arith.mulf %mul3A_13, %add3A_10 : vector<1250x128xf32>
    %select_n3A = arith.select %ge3A_12, %add3A_10, %mul3A_14 : vector<1250x128xi1>, vector<1250x128xf32>
    %reduce_sum3A = arith.constant dense<0.000000e+00> : vector<128xf32>
    %reduce_sum3A_15 = vector.multi_reduction <add>, %select_n3A, %reduce_sum3A [0] : vector<1250x128xf32> to vector<128xf32>
    %broadcast_in_dim3A = vector.shape_cast %reduce_sum3A_15 : vector<128xf32> to vector<1x128xf32>
    %slice3A_16 = vector.extract_strided_slice %broadcast_in_dim3A {offsets = [0, 0], sizes = [1, 16], strides = [1, 1]} : vector<1x128xf32> to vector<1x16xf32>
    %slice3A_17 = vector.extract_strided_slice %broadcast_in_dim3A {offsets = [0, 16], sizes = [1, 16], strides = [1, 1]} : vector<1x128xf32> to vector<1x16xf32>
    %add3A_18 = arith.addf %slice3A_16, %slice3A_17 : vector<1x16xf32>
    %slice3A_19 = vector.extract_strided_slice %broadcast_in_dim3A {offsets = [0, 32], sizes = [1, 16], strides = [1, 1]} : vector<1x128xf32> to vector<1x16xf32>
    %add3A_20 = arith.addf %add3A_18, %slice3A_19 : vector<1x16xf32>
    %slice3A_21 = vector.extract_strided_slice %broadcast_in_dim3A {offsets = [0, 48], sizes = [1, 16], strides = [1, 1]} : vector<1x128xf32> to vector<1x16xf32>
    %add3A_22 = arith.addf %add3A_20, %slice3A_21 : vector<1x16xf32>
    %slice3A_23 = vector.extract_strided_slice %broadcast_in_dim3A {offsets = [0, 64], sizes = [1, 16], strides = [1, 1]} : vector<1x128xf32> to vector<1x16xf32>
    %add3A_24 = arith.addf %add3A_22, %slice3A_23 : vector<1x16xf32>
    %slice3A_25 = vector.extract_strided_slice %broadcast_in_dim3A {offsets = [0, 80], sizes = [1, 16], strides = [1, 1]} : vector<1x128xf32> to vector<1x16xf32>
    %add3A_26 = arith.addf %add3A_24, %slice3A_25 : vector<1x16xf32>
    %slice3A_27 = vector.extract_strided_slice %broadcast_in_dim3A {offsets = [0, 96], sizes = [1, 16], strides = [1, 1]} : vector<1x128xf32> to vector<1x16xf32>
    %add3A_28 = arith.addf %add3A_26, %slice3A_27 : vector<1x16xf32>
    %slice3A_29 = vector.extract_strided_slice %broadcast_in_dim3A {offsets = [0, 112], sizes = [1, 16], strides = [1, 1]} : vector<1x128xf32> to vector<1x16xf32>
    %add3A_30 = arith.addf %add3A_28, %slice3A_29 : vector<1x16xf32>
    %div3A_31 = arith.constant 1.000000e+04 : f32
    %div3A_32 = vector.broadcast %div3A_31 : f32 to vector<1x16xf32>
    %div3A_33 = arith.divf %add3A_30, %div3A_32 : vector<1x16xf32>
    %concatenate3A = tpu.concatenate %div3A_33, %div3A_33, %div3A_33, %div3A_33, %div3A_33, %div3A_33, %div3A_33, %div3A_33 in 1 : vector<1x16xf32>, vector<1x16xf32>, vector<1x16xf32>, vector<1x16xf32>, vector<1x16xf32>, vector<1x16xf32>, vector<1x16xf32>, vector<1x16xf32> -> vector<1x128xf32>
    %sub3A = vector.broadcast %concatenate3A : vector<1x128xf32> to vector<1250x128xf32>
    %sub3A_34 = arith.subf %select_n3A, %sub3A : vector<1250x128xf32>
    %mul3A_35 = arith.mulf %sub3A_34, %sub3A_34 : vector<1250x128xf32>
    %reduce_sum3A_36 = arith.constant dense<0.000000e+00> : vector<128xf32>
    %reduce_sum3A_37 = vector.multi_reduction <add>, %mul3A_35, %reduce_sum3A_36 [0] : vector<1250x128xf32> to vector<128xf32>
    %broadcast_in_dim3A_38 = vector.shape_cast %reduce_sum3A_37 : vector<128xf32> to vector<1x128xf32>
    %slice3A_39 = vector.extract_strided_slice %broadcast_in_dim3A_38 {offsets = [0, 0], sizes = [1, 16], strides = [1, 1]} : vector<1x128xf32> to vector<1x16xf32>
    %slice3A_40 = vector.extract_strided_slice %broadcast_in_dim3A_38 {offsets = [0, 16], sizes = [1, 16], strides = [1, 1]} : vector<1x128xf32> to vector<1x16xf32>
    %add3A_41 = arith.addf %slice3A_39, %slice3A_40 : vector<1x16xf32>
    %slice3A_42 = vector.extract_strided_slice %broadcast_in_dim3A_38 {offsets = [0, 32], sizes = [1, 16], strides = [1, 1]} : vector<1x128xf32> to vector<1x16xf32>
    %add3A_43 = arith.addf %add3A_41, %slice3A_42 : vector<1x16xf32>
    %slice3A_44 = vector.extract_strided_slice %broadcast_in_dim3A_38 {offsets = [0, 48], sizes = [1, 16], strides = [1, 1]} : vector<1x128xf32> to vector<1x16xf32>
    %add3A_45 = arith.addf %add3A_43, %slice3A_44 : vector<1x16xf32>
    %slice3A_46 = vector.extract_strided_slice %broadcast_in_dim3A_38 {offsets = [0, 64], sizes = [1, 16], strides = [1, 1]} : vector<1x128xf32> to vector<1x16xf32>
    %add3A_47 = arith.addf %add3A_45, %slice3A_46 : vector<1x16xf32>
    %slice3A_48 = vector.extract_strided_slice %broadcast_in_dim3A_38 {offsets = [0, 80], sizes = [1, 16], strides = [1, 1]} : vector<1x128xf32> to vector<1x16xf32>
    %add3A_49 = arith.addf %add3A_47, %slice3A_48 : vector<1x16xf32>
    %slice3A_50 = vector.extract_strided_slice %broadcast_in_dim3A_38 {offsets = [0, 96], sizes = [1, 16], strides = [1, 1]} : vector<1x128xf32> to vector<1x16xf32>
    %add3A_51 = arith.addf %add3A_49, %slice3A_50 : vector<1x16xf32>
    %slice3A_52 = vector.extract_strided_slice %broadcast_in_dim3A_38 {offsets = [0, 112], sizes = [1, 16], strides = [1, 1]} : vector<1x128xf32> to vector<1x16xf32>
    %add3A_53 = arith.addf %add3A_51, %slice3A_52 : vector<1x16xf32>
    %div3A_54 = arith.constant 1.000000e+04 : f32
    %div3A_55 = vector.broadcast %div3A_54 : f32 to vector<1x16xf32>
    %div3A_56 = arith.divf %add3A_53, %div3A_55 : vector<1x16xf32>
    %concatenate3A_57 = tpu.concatenate %div3A_56, %div3A_56, %div3A_56, %div3A_56, %div3A_56, %div3A_56, %div3A_56, %div3A_56 in 1 : vector<1x16xf32>, vector<1x16xf32>, vector<1x16xf32>, vector<1x16xf32>, vector<1x16xf32>, vector<1x16xf32>, vector<1x16xf32>, vector<1x16xf32> -> vector<1x128xf32>
    %get3A_58 = arith.constant 0 : index
    %get3A_59 = arith.constant 0 : index
    %get3A_60 = vector.load %arg3[%get3A_58, %get3A_59] : memref<1x128xf32, #tpu.memory_space<vmem>>, vector<1x128xf32>
    %sub3A_61 = vector.broadcast %concatenate3A : vector<1x128xf32> to vector<1250x128xf32>
    %sub3A_62 = arith.subf %select_n3A, %sub3A_61 : vector<1250x128xf32>
    %mul3A_63 = vector.broadcast %get3A_60 : vector<1x128xf32> to vector<1250x128xf32>
    %mul3A_64 = arith.mulf %mul3A_63, %sub3A_62 : vector<1250x128xf32>
    %add3A_65 = arith.constant 9.99999974E-6 : f32
    %add3A_66 = vector.broadcast %add3A_65 : f32 to vector<1x128xf32>
    %add3A_67 = arith.addf %concatenate3A_57, %add3A_66 : vector<1x128xf32>
    %rsqrt3A = math.rsqrt %add3A_67 : vector<1x128xf32>
    %mul3A_68 = vector.broadcast %rsqrt3A : vector<1x128xf32> to vector<1250x128xf32>
    %mul3A_69 = arith.mulf %mul3A_64, %mul3A_68 : vector<1250x128xf32>
    %get3A_70 = arith.constant 0 : index
    %get3A_71 = arith.constant 0 : index
    %get3A_72 = vector.load %arg4[%get3A_70, %get3A_71] : memref<1x128xf32, #tpu.memory_space<vmem>>, vector<1x128xf32>
    %add3A_73 = vector.broadcast %get3A_72 : vector<1x128xf32> to vector<1250x128xf32>
    %add3A_74 = arith.addf %mul3A_69, %add3A_73 : vector<1250x128xf32>
    %iota3A = tpu.iota {dimensions = array<i32: 0>} : vector<64x1250xi32>
    %broadcast_in_dim3A_75 = arith.constant 0.000000e+00 : f32
    %broadcast_in_dim3A_76 = vector.broadcast %broadcast_in_dim3A_75 : f32 to vector<64x16xf32>
    %broadcast_in_dim3A_77 = arith.constant 0.000000e+00 : f32
    %broadcast_in_dim3A_78 = vector.broadcast %broadcast_in_dim3A_77 : f32 to vector<64x1xf32>
    %get3A_79 = arith.constant 0 : index
    %get3A_80 = arith.constant 0 : index
    %get3A_81 = vector.load %arg5[%get3A_79, %get3A_80] : memref<8x1250xi32, #tpu.memory_space<vmem>>, vector<1x1250xi32>
    %eq3A = vector.broadcast %get3A_81 : vector<1x1250xi32> to vector<64x1250xi32>
    %eq3A_82 = arith.cmpi eq, %eq3A, %iota3A : vector<64x1250xi32>
    %convert_element_type3A = arith.extui %eq3A_82 : vector<64x1250xi1> to vector<64x1250xi32>
    %convert_element_type3A_83 = arith.sitofp %convert_element_type3A : vector<64x1250xi32> to vector<64x1250xf32>
    %slice3A_84 = vector.extract_strided_slice %add3A_74 {offsets = [0, 0], sizes = [1250, 16], strides = [1, 1]} : vector<1250x128xf32> to vector<1250x16xf32>
    %dot_general3A = arith.constant dense<0.000000e+00> : vector<64x16xf32>
    %dot_general3A_85 = tpu.matmul %convert_element_type3A_83, %slice3A_84, %dot_general3A {dimension_numbers = #tpu.dot_dimension_numbers<[1], [0], [0], [1], [0, 0, 1, 1], [], []>, transpose_lhs_hint = false} : vector<64x1250xf32>, vector<1250x16xf32>, vector<64x16xf32> -> vector<64x16xf32>
    %add3A_86 = arith.addf %broadcast_in_dim3A_76, %dot_general3A_85 : vector<64x16xf32>
    %reduce_sum3A_87 = arith.constant dense<0.000000e+00> : vector<64xf32>
    %reduce_sum3A_88 = vector.multi_reduction <add>, %convert_element_type3A_83, %reduce_sum3A_87 [1] : vector<64x1250xf32> to vector<64xf32>
    %broadcast_in_dim3A_89 = vector.shape_cast %reduce_sum3A_88 : vector<64xf32> to vector<64x1xf32>
    %add3A_90 = arith.addf %broadcast_in_dim3A_78, %broadcast_in_dim3A_89 : vector<64x1xf32>
    %get3A_91 = arith.constant 1 : index
    %get3A_92 = arith.constant 0 : index
    %get3A_93 = vector.load %arg5[%get3A_91, %get3A_92] : memref<8x1250xi32, #tpu.memory_space<vmem>>, vector<1x1250xi32>
    %eq3A_94 = vector.broadcast %get3A_93 : vector<1x1250xi32> to vector<64x1250xi32>
    %eq3A_95 = arith.cmpi eq, %eq3A_94, %iota3A : vector<64x1250xi32>
    %convert_element_type3A_96 = arith.extui %eq3A_95 : vector<64x1250xi1> to vector<64x1250xi32>
    %convert_element_type3A_97 = arith.sitofp %convert_element_type3A_96 : vector<64x1250xi32> to vector<64x1250xf32>
    %slice3A_98 = vector.extract_strided_slice %add3A_74 {offsets = [0, 16], sizes = [1250, 16], strides = [1, 1]} : vector<1250x128xf32> to vector<1250x16xf32>
    %dot_general3A_99 = arith.constant dense<0.000000e+00> : vector<64x16xf32>
    %dot_general3A_100 = tpu.matmul %convert_element_type3A_97, %slice3A_98, %dot_general3A_99 {dimension_numbers = #tpu.dot_dimension_numbers<[1], [0], [0], [1], [0, 0, 1, 1], [], []>, transpose_lhs_hint = false} : vector<64x1250xf32>, vector<1250x16xf32>, vector<64x16xf32> -> vector<64x16xf32>
    %add3A_101 = arith.addf %add3A_86, %dot_general3A_100 : vector<64x16xf32>
    %reduce_sum3A_102 = arith.constant dense<0.000000e+00> : vector<64xf32>
    %reduce_sum3A_103 = vector.multi_reduction <add>, %convert_element_type3A_97, %reduce_sum3A_102 [1] : vector<64x1250xf32> to vector<64xf32>
    %broadcast_in_dim3A_104 = vector.shape_cast %reduce_sum3A_103 : vector<64xf32> to vector<64x1xf32>
    %add3A_105 = arith.addf %add3A_90, %broadcast_in_dim3A_104 : vector<64x1xf32>
    %get3A_106 = arith.constant 2 : index
    %get3A_107 = arith.constant 0 : index
    %get3A_108 = vector.load %arg5[%get3A_106, %get3A_107] : memref<8x1250xi32, #tpu.memory_space<vmem>>, vector<1x1250xi32>
    %eq3A_109 = vector.broadcast %get3A_108 : vector<1x1250xi32> to vector<64x1250xi32>
    %eq3A_110 = arith.cmpi eq, %eq3A_109, %iota3A : vector<64x1250xi32>
    %convert_element_type3A_111 = arith.extui %eq3A_110 : vector<64x1250xi1> to vector<64x1250xi32>
    %convert_element_type3A_112 = arith.sitofp %convert_element_type3A_111 : vector<64x1250xi32> to vector<64x1250xf32>
    %slice3A_113 = vector.extract_strided_slice %add3A_74 {offsets = [0, 32], sizes = [1250, 16], strides = [1, 1]} : vector<1250x128xf32> to vector<1250x16xf32>
    %dot_general3A_114 = arith.constant dense<0.000000e+00> : vector<64x16xf32>
    %dot_general3A_115 = tpu.matmul %convert_element_type3A_112, %slice3A_113, %dot_general3A_114 {dimension_numbers = #tpu.dot_dimension_numbers<[1], [0], [0], [1], [0, 0, 1, 1], [], []>, transpose_lhs_hint = false} : vector<64x1250xf32>, vector<1250x16xf32>, vector<64x16xf32> -> vector<64x16xf32>
    %add3A_116 = arith.addf %add3A_101, %dot_general3A_115 : vector<64x16xf32>
    %reduce_sum3A_117 = arith.constant dense<0.000000e+00> : vector<64xf32>
    %reduce_sum3A_118 = vector.multi_reduction <add>, %convert_element_type3A_112, %reduce_sum3A_117 [1] : vector<64x1250xf32> to vector<64xf32>
    %broadcast_in_dim3A_119 = vector.shape_cast %reduce_sum3A_118 : vector<64xf32> to vector<64x1xf32>
    %add3A_120 = arith.addf %add3A_105, %broadcast_in_dim3A_119 : vector<64x1xf32>
    %get3A_121 = arith.constant 3 : index
    %get3A_122 = arith.constant 0 : index
    %get3A_123 = vector.load %arg5[%get3A_121, %get3A_122] : memref<8x1250xi32, #tpu.memory_space<vmem>>, vector<1x1250xi32>
    %eq3A_124 = vector.broadcast %get3A_123 : vector<1x1250xi32> to vector<64x1250xi32>
    %eq3A_125 = arith.cmpi eq, %eq3A_124, %iota3A : vector<64x1250xi32>
    %convert_element_type3A_126 = arith.extui %eq3A_125 : vector<64x1250xi1> to vector<64x1250xi32>
    %convert_element_type3A_127 = arith.sitofp %convert_element_type3A_126 : vector<64x1250xi32> to vector<64x1250xf32>
    %slice3A_128 = vector.extract_strided_slice %add3A_74 {offsets = [0, 48], sizes = [1250, 16], strides = [1, 1]} : vector<1250x128xf32> to vector<1250x16xf32>
    %dot_general3A_129 = arith.constant dense<0.000000e+00> : vector<64x16xf32>
    %dot_general3A_130 = tpu.matmul %convert_element_type3A_127, %slice3A_128, %dot_general3A_129 {dimension_numbers = #tpu.dot_dimension_numbers<[1], [0], [0], [1], [0, 0, 1, 1], [], []>, transpose_lhs_hint = false} : vector<64x1250xf32>, vector<1250x16xf32>, vector<64x16xf32> -> vector<64x16xf32>
    %add3A_131 = arith.addf %add3A_116, %dot_general3A_130 : vector<64x16xf32>
    %reduce_sum3A_132 = arith.constant dense<0.000000e+00> : vector<64xf32>
    %reduce_sum3A_133 = vector.multi_reduction <add>, %convert_element_type3A_127, %reduce_sum3A_132 [1] : vector<64x1250xf32> to vector<64xf32>
    %broadcast_in_dim3A_134 = vector.shape_cast %reduce_sum3A_133 : vector<64xf32> to vector<64x1xf32>
    %add3A_135 = arith.addf %add3A_120, %broadcast_in_dim3A_134 : vector<64x1xf32>
    %get3A_136 = arith.constant 4 : index
    %get3A_137 = arith.constant 0 : index
    %get3A_138 = vector.load %arg5[%get3A_136, %get3A_137] : memref<8x1250xi32, #tpu.memory_space<vmem>>, vector<1x1250xi32>
    %eq3A_139 = vector.broadcast %get3A_138 : vector<1x1250xi32> to vector<64x1250xi32>
    %eq3A_140 = arith.cmpi eq, %eq3A_139, %iota3A : vector<64x1250xi32>
    %convert_element_type3A_141 = arith.extui %eq3A_140 : vector<64x1250xi1> to vector<64x1250xi32>
    %convert_element_type3A_142 = arith.sitofp %convert_element_type3A_141 : vector<64x1250xi32> to vector<64x1250xf32>
    %slice3A_143 = vector.extract_strided_slice %add3A_74 {offsets = [0, 64], sizes = [1250, 16], strides = [1, 1]} : vector<1250x128xf32> to vector<1250x16xf32>
    %dot_general3A_144 = arith.constant dense<0.000000e+00> : vector<64x16xf32>
    %dot_general3A_145 = tpu.matmul %convert_element_type3A_142, %slice3A_143, %dot_general3A_144 {dimension_numbers = #tpu.dot_dimension_numbers<[1], [0], [0], [1], [0, 0, 1, 1], [], []>, transpose_lhs_hint = false} : vector<64x1250xf32>, vector<1250x16xf32>, vector<64x16xf32> -> vector<64x16xf32>
    %add3A_146 = arith.addf %add3A_131, %dot_general3A_145 : vector<64x16xf32>
    %reduce_sum3A_147 = arith.constant dense<0.000000e+00> : vector<64xf32>
    %reduce_sum3A_148 = vector.multi_reduction <add>, %convert_element_type3A_142, %reduce_sum3A_147 [1] : vector<64x1250xf32> to vector<64xf32>
    %broadcast_in_dim3A_149 = vector.shape_cast %reduce_sum3A_148 : vector<64xf32> to vector<64x1xf32>
    %add3A_150 = arith.addf %add3A_135, %broadcast_in_dim3A_149 : vector<64x1xf32>
    %get3A_151 = arith.constant 5 : index
    %get3A_152 = arith.constant 0 : index
    %get3A_153 = vector.load %arg5[%get3A_151, %get3A_152] : memref<8x1250xi32, #tpu.memory_space<vmem>>, vector<1x1250xi32>
    %eq3A_154 = vector.broadcast %get3A_153 : vector<1x1250xi32> to vector<64x1250xi32>
    %eq3A_155 = arith.cmpi eq, %eq3A_154, %iota3A : vector<64x1250xi32>
    %convert_element_type3A_156 = arith.extui %eq3A_155 : vector<64x1250xi1> to vector<64x1250xi32>
    %convert_element_type3A_157 = arith.sitofp %convert_element_type3A_156 : vector<64x1250xi32> to vector<64x1250xf32>
    %slice3A_158 = vector.extract_strided_slice %add3A_74 {offsets = [0, 80], sizes = [1250, 16], strides = [1, 1]} : vector<1250x128xf32> to vector<1250x16xf32>
    %dot_general3A_159 = arith.constant dense<0.000000e+00> : vector<64x16xf32>
    %dot_general3A_160 = tpu.matmul %convert_element_type3A_157, %slice3A_158, %dot_general3A_159 {dimension_numbers = #tpu.dot_dimension_numbers<[1], [0], [0], [1], [0, 0, 1, 1], [], []>, transpose_lhs_hint = false} : vector<64x1250xf32>, vector<1250x16xf32>, vector<64x16xf32> -> vector<64x16xf32>
    %add3A_161 = arith.addf %add3A_146, %dot_general3A_160 : vector<64x16xf32>
    %reduce_sum3A_162 = arith.constant dense<0.000000e+00> : vector<64xf32>
    %reduce_sum3A_163 = vector.multi_reduction <add>, %convert_element_type3A_157, %reduce_sum3A_162 [1] : vector<64x1250xf32> to vector<64xf32>
    %broadcast_in_dim3A_164 = vector.shape_cast %reduce_sum3A_163 : vector<64xf32> to vector<64x1xf32>
    %add3A_165 = arith.addf %add3A_150, %broadcast_in_dim3A_164 : vector<64x1xf32>
    %get3A_166 = arith.constant 6 : index
    %get3A_167 = arith.constant 0 : index
    %get3A_168 = vector.load %arg5[%get3A_166, %get3A_167] : memref<8x1250xi32, #tpu.memory_space<vmem>>, vector<1x1250xi32>
    %eq3A_169 = vector.broadcast %get3A_168 : vector<1x1250xi32> to vector<64x1250xi32>
    %eq3A_170 = arith.cmpi eq, %eq3A_169, %iota3A : vector<64x1250xi32>
    %convert_element_type3A_171 = arith.extui %eq3A_170 : vector<64x1250xi1> to vector<64x1250xi32>
    %convert_element_type3A_172 = arith.sitofp %convert_element_type3A_171 : vector<64x1250xi32> to vector<64x1250xf32>
    %slice3A_173 = vector.extract_strided_slice %add3A_74 {offsets = [0, 96], sizes = [1250, 16], strides = [1, 1]} : vector<1250x128xf32> to vector<1250x16xf32>
    %dot_general3A_174 = arith.constant dense<0.000000e+00> : vector<64x16xf32>
    %dot_general3A_175 = tpu.matmul %convert_element_type3A_172, %slice3A_173, %dot_general3A_174 {dimension_numbers = #tpu.dot_dimension_numbers<[1], [0], [0], [1], [0, 0, 1, 1], [], []>, transpose_lhs_hint = false} : vector<64x1250xf32>, vector<1250x16xf32>, vector<64x16xf32> -> vector<64x16xf32>
    %add3A_176 = arith.addf %add3A_161, %dot_general3A_175 : vector<64x16xf32>
    %reduce_sum3A_177 = arith.constant dense<0.000000e+00> : vector<64xf32>
    %reduce_sum3A_178 = vector.multi_reduction <add>, %convert_element_type3A_172, %reduce_sum3A_177 [1] : vector<64x1250xf32> to vector<64xf32>
    %broadcast_in_dim3A_179 = vector.shape_cast %reduce_sum3A_178 : vector<64xf32> to vector<64x1xf32>
    %add3A_180 = arith.addf %add3A_165, %broadcast_in_dim3A_179 : vector<64x1xf32>
    %get3A_181 = arith.constant 7 : index
    %get3A_182 = arith.constant 0 : index
    %get3A_183 = vector.load %arg5[%get3A_181, %get3A_182] : memref<8x1250xi32, #tpu.memory_space<vmem>>, vector<1x1250xi32>
    %eq3A_184 = vector.broadcast %get3A_183 : vector<1x1250xi32> to vector<64x1250xi32>
    %eq3A_185 = arith.cmpi eq, %eq3A_184, %iota3A : vector<64x1250xi32>
    %convert_element_type3A_186 = arith.extui %eq3A_185 : vector<64x1250xi1> to vector<64x1250xi32>
    %convert_element_type3A_187 = arith.sitofp %convert_element_type3A_186 : vector<64x1250xi32> to vector<64x1250xf32>
    %slice3A_188 = vector.extract_strided_slice %add3A_74 {offsets = [0, 112], sizes = [1250, 16], strides = [1, 1]} : vector<1250x128xf32> to vector<1250x16xf32>
    %dot_general3A_189 = arith.constant dense<0.000000e+00> : vector<64x16xf32>
    %dot_general3A_190 = tpu.matmul %convert_element_type3A_187, %slice3A_188, %dot_general3A_189 {dimension_numbers = #tpu.dot_dimension_numbers<[1], [0], [0], [1], [0, 0, 1, 1], [], []>, transpose_lhs_hint = false} : vector<64x1250xf32>, vector<1250x16xf32>, vector<64x16xf32> -> vector<64x16xf32>
    %add3A_191 = arith.addf %add3A_176, %dot_general3A_190 : vector<64x16xf32>
    %reduce_sum3A_192 = arith.constant dense<0.000000e+00> : vector<64xf32>
    %reduce_sum3A_193 = vector.multi_reduction <add>, %convert_element_type3A_187, %reduce_sum3A_192 [1] : vector<64x1250xf32> to vector<64xf32>
    %broadcast_in_dim3A_194 = vector.shape_cast %reduce_sum3A_193 : vector<64xf32> to vector<64x1xf32>
    %add3A_195 = arith.addf %add3A_180, %broadcast_in_dim3A_194 : vector<64x1xf32>
    %max3A = arith.constant 1.000000e+00 : f32
    %max3A_196 = vector.broadcast %max3A : f32 to vector<64x1xf32>
    %max3A_197 = arith.maximumf %add3A_195, %max3A_196 : vector<64x1xf32>
    %div3A_198 = vector.broadcast %max3A_197 : vector<64x1xf32> to vector<64x16xf32>
    %div3A_199 = arith.divf %add3A_191, %div3A_198 : vector<64x16xf32>
    %get3A_200 = arith.constant 0 : index
    %get3A_201 = arith.constant 0 : index
    %get3A_202 = vector.load %arg6[%get3A_200, %get3A_201] : memref<64x8xf32, #tpu.memory_space<vmem>>, vector<64x8xf32>
    %concatenate3A_203 = tpu.concatenate %div3A_199, %get3A_202 in 1 : vector<64x16xf32>, vector<64x8xf32> -> vector<64x24xf32>
    %get3A_204 = arith.constant 0 : index
    %get3A_205 = arith.constant 0 : index
    %get3A_206 = vector.load %arg7[%get3A_204, %get3A_205] : memref<24x64xf32, #tpu.memory_space<vmem>>, vector<24x64xf32>
    %dot_general3A_207 = arith.constant dense<0.000000e+00> : vector<64x64xf32>
    %dot_general3A_208 = tpu.matmul %concatenate3A_203, %get3A_206, %dot_general3A_207 {dimension_numbers = #tpu.dot_dimension_numbers<[1], [0], [0], [1], [0, 0, 1, 1], [], []>, transpose_lhs_hint = false} : vector<64x24xf32>, vector<24x64xf32>, vector<64x64xf32> -> vector<64x64xf32>
    %get3A_209 = arith.constant 0 : index
    %get3A_210 = arith.constant 0 : index
    %get3A_211 = vector.load %arg8[%get3A_209, %get3A_210] : memref<1x64xf32, #tpu.memory_space<vmem>>, vector<1x64xf32>
    %add3A_212 = vector.broadcast %get3A_211 : vector<1x64xf32> to vector<64x64xf32>
    %add3A_213 = arith.addf %dot_general3A_208, %add3A_212 : vector<64x64xf32>
    %ge3A_214 = arith.constant 0.000000e+00 : f32
    %ge3A_215 = vector.broadcast %ge3A_214 : f32 to vector<64x64xf32>
    %ge3A_216 = arith.cmpf oge, %add3A_213, %ge3A_215 : vector<64x64xf32>
    %mul3A_217 = arith.constant 0.00999999977 : f32
    %mul3A_218 = vector.broadcast %mul3A_217 : f32 to vector<64x64xf32>
    %mul3A_219 = arith.mulf %mul3A_218, %add3A_213 : vector<64x64xf32>
    %select_n3A_220 = arith.select %ge3A_216, %add3A_213, %mul3A_219 : vector<64x64xi1>, vector<64x64xf32>
    %get3A_221 = arith.constant 0 : index
    %get3A_222 = arith.constant 0 : index
    %get3A_223 = vector.load %arg9[%get3A_221, %get3A_222] : memref<64x32xf32, #tpu.memory_space<vmem>>, vector<64x32xf32>
    %dot_general3A_224 = arith.constant dense<0.000000e+00> : vector<64x32xf32>
    %dot_general3A_225 = tpu.matmul %select_n3A_220, %get3A_223, %dot_general3A_224 {dimension_numbers = #tpu.dot_dimension_numbers<[1], [0], [0], [1], [0, 0, 1, 1], [], []>, transpose_lhs_hint = false} : vector<64x64xf32>, vector<64x32xf32>, vector<64x32xf32> -> vector<64x32xf32>
    %get3A_226 = arith.constant 0 : index
    %get3A_227 = arith.constant 0 : index
    %get3A_228 = vector.load %arg10[%get3A_226, %get3A_227] : memref<1x32xf32, #tpu.memory_space<vmem>>, vector<1x32xf32>
    %add3A_229 = vector.broadcast %get3A_228 : vector<1x32xf32> to vector<64x32xf32>
    %add3A_230 = arith.addf %dot_general3A_225, %add3A_229 : vector<64x32xf32>
    %ge3A_231 = arith.constant 0.000000e+00 : f32
    %ge3A_232 = vector.broadcast %ge3A_231 : f32 to vector<64x32xf32>
    %ge3A_233 = arith.cmpf oge, %add3A_230, %ge3A_232 : vector<64x32xf32>
    %mul3A_234 = arith.constant 0.00999999977 : f32
    %mul3A_235 = vector.broadcast %mul3A_234 : f32 to vector<64x32xf32>
    %mul3A_236 = arith.mulf %mul3A_235, %add3A_230 : vector<64x32xf32>
    %select_n3A_237 = arith.select %ge3A_233, %add3A_230, %mul3A_236 : vector<64x32xi1>, vector<64x32xf32>
    %swap3A = arith.constant 0 : index
    %swap3A_238 = arith.constant 0 : index
    %swap3A_239 = vector.load %arg11[%swap3A, %swap3A_238] : memref<64x32xf32, #tpu.memory_space<vmem>>, vector<64x32xf32>
    tpu.vector_store %arg11[%swap3A, %swap3A_238], %select_n3A_237 {strides = array<i32>} : memref<64x32xf32, #tpu.memory_space<vmem>>, vector<64x32xf32>,
    return
  }
}

</mosaic_0001>

<sc_bundles>
// kernel: kernel.11.cloned.1.call-start
scs
__scs_entry_jumppad:
0x0: {  	(pc) =	sbr.rel $0x88, $3  }
0x1: {  	(tag) =	ssettag $0x0;
	lr =	simm.s32 $0x1  }
0x2: {  	[smem:$0x3F8A] =	sst lr;
	_ =	strace $0xD0000000  }
0x3: {  	_ = 	snop  }
0x4: {  	_ = 	snop  }
0x5: {  	_ = 	snop  }
0x6: {  	_ = 	snop  }
0x7: {  	_ = 	snop  }
__scs_overlays_trampoline_lowered:
0x8: {  	[smem:$0x3F99] =	sst s0  }
0x9: {  	[smem:$0x3F9A] =	sst s1  }
0xa: {  	[smem:$0x3F9B] =	sst s2  }
0xb: {  	[smem:$0x3F9C] =	sst s3  }
0xc: {  	[smem:$0x3F9D] =	sst s4  }
0xd: {  	[smem:$0x3F9E] =	sst s5  }
0xe: {  	[smem:$0x3F9F] =	sst s6  }
0xf: {  	[smem:$0x3FA0] =	sst s7  }
0x10: {  	[smem:$0x3FA1] =	sst s8  }
0x11: {  	[smem:$0x3FA2] =	sst s9;
	s0 =	simm.s32 @!p0 $0x0  }
0x12: {  	s1 =	sld [smem:$0x3F88];
	s0 =	simm.s32 @p0 $0x1  }
0x13: {  	[smem:$0x3FA3] =	sst s0;
	s0 =	simm.s32 @!p1 $0x0  }
0x14: {  	s2 =	sld [smem:$0x3F87];
	s0 =	simm.s32 @p1 $0x1  }
0x15: {  	[smem:$0x3FA4] =	sst s0;
	s0 =	simm.s32 @!p2 $0x0  }
0x16: {  	s3 =	sld [smem:$0x3FDB];
	s0 =	simm.s32 @p2 $0x1  }
0x17: {  	s4 =	simm.s32 $0x1BF5;
	[smem:$0x3FA6] =	sst s0  }
0x18: {  	s0 =	sld [smem:$0x3F89];
	_ =	swait.ge [sflag:s4], $0x0  }
0x19: {  	s7 =	sld [smem:$0x3F8A]  }
0x1a: {  	s8 =	sadd.s32 $0xFFFFE003, lr  }
0x1b: {  	s9 =	sadd.s32 $0xFFFFFEF7, lr;
	s5 =	simm.s32 $0xFFFFFFFF;
	p2 =	slt.u32 s8, $0xFFFFF086  }
0x1c: {  	p1 =	slt.u32 s9, $0xF7A;
	s5 =	simm.s32 @!p2 $0x0  }
0x1d: {  	s5 =	simm.s32 @p1 $0x1;
	p0 =	seq.s32 s7, s2  }
0x1e: {  	s7 =	smul.u32 @!p0 $0xF7A, s2;
	p2 =	seq.s32 @!p0 s5, $0x0  }
0x1f: {  	s9 =	smul.u32 $0xF7A, s1;
	s8 =	simm.s32 @!p0 $0x1BF5;
	p2 =	por !p2, p0  }
0x20: {  	[sflag:s8] =	ssyncset.s32 @!p0 $0xFFFFF086;
	s6 =	sadd.s32 @!p0 s3, s7;
	s7 =	simm.s32 @!p0 $0x108  }
0x21: {  	s3 =	sadd.s32 s3, s9;
	s6 =	sadd.s32 @!p0 $0x88, s6;
	s7 =	simm.s32 @p2 $0x1082  }
0x22: {  	[simem:s7], [sflag:s8] =	dma.local @!p0 [hbm:s6], $0xF7A  }
0x23: {  	s9 =	sor.u32 $0xD0000000, s2;
	s6 =	simm.s32 $0x108;
	_ =	swait.ge @!p0 [sflag:s8], $0x0  }
0x24: {  	s3 =	sadd.s32 $0x88, s3;
	s6 =	simm.s32 @!p1 $0x1082;
	[sflag:s4] =	ssyncset.s32 $0xFFFFF086  }
0x25: {  	[simem:s6], [sflag:s4] =	dma.local [hbm:s3], $0xF7A  }
0x26: {  	[smem:$0x3F8A] =	sst s1;
	(tag) =	ssettag s2;
	_ =	strace s9  }
0x27: {  	s1 =	sld [smem:$0x3F9A]  }
0x28: {  	s2 =	sld [smem:$0x3F9B]  }
0x29: {  	s4 =	sld [smem:$0x3F9D]  }
0x2a: {  	p0 =	seq.s32 s5, $0x0;
	s5 =	sld [smem:$0x3F9E]  }
0x2b: {  	s6 =	sld [smem:$0x3F9F]  }
0x2c: {  	s7 =	sld [smem:$0x3FA0]  }
0x2d: {  	s3 =	simm.s32 $0x108;
	s8 =	sld [smem:$0x3FA1]  }
0x2e: {  	s3 =	simm.s32 @!p0 $0x1082;
	s9 =	sld [smem:$0x3FA2]  }
0x2f: {  	lr =	sadd.s32 s0, s3;
	s0 =	sld [smem:$0x3F99]  }
0x30: {  	s3 =	sld [smem:$0x3F9C]  }
0x31: {  	[smem:$0x3FA5] =	sst s10  }
0x32: {  	s10 =	sld [smem:$0x3FA3];
	_ =	sdelay $0x3  }
0x33: {  	p0 =	seq.s32 s10, $0x1;
	s10 =	sld [smem:$0x3FA5];
	_ =	sdelay $0x3  }
0x34: {  	[smem:$0x3FA5] =	sst s10  }
0x35: {  	s10 =	sld [smem:$0x3FA4];
	_ =	sdelay $0x3  }
0x36: {  	p1 =	seq.s32 s10, $0x1;
	s10 =	sld [smem:$0x3FA5];
	_ =	sdelay $0x3  }
0x37: {  	[smem:$0x3FA5] =	sst s10  }
0x38: {  	s10 =	sld [smem:$0x3FA6]  }
0x39: {  	_ = 	snop;
	(pc) =	sbr.ind lr, $3  }
0x3a: {  	_ = 	snop  }
0x3b: {  	_ = 	snop  }
0x3c: {  	p2 =	seq.s32 s10, $0x1;
	s10 =	sld [smem:$0x3FA5]  }
0x3d: {  	_ =	shalt  }
0x3e: {  	_ =	shalt  }
0x3f: {  	_ =	shalt  }
0x40: {  	_ =	shalt  }
0x41: {  	_ =	shalt  }
0x42: {  	_ =	shalt  }
0x43: {  	_ =	shalt  }
0x44: {  	_ =	shalt  }
0x45: {  	_ =	shalt  }
0x46: {  	_ =	shalt  }
0x47: {  	_ =	shalt  }
0x48: {  	_ =	shalt  }
0x49: {  	_ =	shalt  }
0x4a: {  	_ =	shalt  }
0x4b: {  	_ =	shalt  }
0x4c: {  	_ =	shalt  }
0x4d: {  	_ =	shalt  }
0x4e: {  	_ =	shalt  }
0x4f: {  	_ =	shalt  }
0x50: {  	_ =	shalt  }
0x51: {  	_ =	shalt  }
0x52: {  	_ =	shalt  }
0x53: {  	_ =	shalt  }
0x54: {  	_ =	shalt  }
0x55: {  	_ =	shalt  }
0x56: {  	_ =	shalt  }
0x57: {  	_ =	shalt  }
0x58: {  	_ =	shalt  }
0x59: {  	_ =	shalt  }
0x5a: {  	_ =	shalt  }
0x5b: {  	_ =	shalt  }
0x5c: {  	_ =	shalt  }
0x5d: {  	_ =	shalt  }
0x5e: {  	_ =	shalt  }
0x5f: {  	_ =	shalt  }
0x60: {  	_ =	shalt  }
0x61: {  	_ =	shalt  }
0x62: {  	_ =	shalt  }
0x63: {  	_ =	shalt  }
0x64: {  	_ =	shalt  }
0x65: {  	_ =	shalt  }
0x66: {  	_ =	shalt  }
0x67: {  	_ =	shalt  }
0x68: {  	_ =	shalt  }
0x69: {  	_ =	shalt  }
0x6a: {  	_ =	shalt  }
0x6b: {  	_ =	shalt  }
0x6c: {  	_ =	shalt  }
0x6d: {  	_ =	shalt  }
0x6e: {  	_ =	shalt  }
0x6f: {  	_ =	shalt  }
0x70: {  	_ =	shalt  }
0x71: {  	_ =	shalt  }
0x72: {  	_ =	shalt  }
0x73: {  	_ =	shalt  }
0x74: {  	_ =	shalt  }
0x75: {  	_ =	shalt  }
0x76: {  	_ =	shalt  }
0x77: {  	_ =	shalt  }
0x78: {  	_ =	shalt  }
0x79: {  	_ =	shalt  }
0x7a: {  	_ =	shalt  }
0x7b: {  	_ =	shalt  }
0x7c: {  	_ =	shalt  }
0x7d: {  	_ =	shalt  }
0x7e: {  	_ =	shalt  }
0x7f: {  	_ =	shalt  }
0x80: {  	_ =	shalt  }
0x81: {  	_ =	shalt  }
0x82: {  	_ =	shalt  }
0x83: {  	_ =	shalt  }
0x84: {  	_ =	shalt  }
0x85: {  	_ =	shalt  }
0x86: {  	_ =	shalt  }
0x87: {  	_ =	shalt  }
.Lfunc_end0:
.L_simem_size_0:
called_computation_lowered:
.L_overlay_start_0:
0x88: {  	s2 =	sld [smem:$0x3FD9]  }
0x89: {  	s3 =	sld [smem:$0x3FFE];
	_ =	sdelay $0x1  }
0x8a: {  	s1 =	srdreg.scid  }
0x8b: {  	s0 =	sand.u32 $0x1, s1  }
0x8c: {  	s17 =	sshll.u32 s0, $0xA;
	s2 =	sadd.s32 s3, s2  }
0x8d: {  	s2 =	sadd.s32 s2, s17  }
0x8e: {  	[smem:$0x3FB1] =	sst s2  }
0x8f: {  	_ = 	snop  }
0x90: {  	(tm) =	ssettm $0x1  }
0x91: {  	s18 =	sld [smem:$0x3FFB];
	_ =	sdelay $0x3  }
0x92: {  	_ =	strace s18  }
0x93: {  	s2 =	sld [smem:$0x3FFC];
	_ =	sdelay $0x3  }
0x94: {  	_ =	strace s2  }
0x95: {  	s2 =	sld [smem:$0x3FFD];
	_ =	sdelay $0x3  }
0x96: {  	_ =	strace s2  }
0x97: {  	_ =	strace $0x8FFFFFFF  }
0x98: {  	s19 =	sld [smem:$0x3FDB];
	_ =	sdelay $0x1  }
0x99: {  	s20 =	simm.s32 $_scs_section_size  }
0x9a: {  	s4 =	simm.s32 $_size__tile_overlayer_lowered;
	s5 =	simm.s32 $_tile_overlayer_lowered  }
0x9b: {  	s6 =	simm.s32 $0x1BFF;
	s21 =	sshll.u32 s5, $0x1;
	s3 =	sadd.s32 s20, s19  }
0x9c: {  	s22 =	simm.s32 $0x0;
	s4 =	sshll.u32 s4, $0x1;
	s5 =	sadd.s32 s21, s3  }
0x9d: {  	[timem:s22], [sflag:s6] =	dma.local [hbm:s5], s4  }
0x9e: {  	_ =	swait.ge [sflag:s6], s4  }
0x9f: {  	s4 =	ssub.s32 $0x0, s4;
	[sflag:s6] =	ssyncset.done $0x0  }
0xa0: {  	[sflag:s6] =	ssyncadd.s32 s4;
	_ =	sdelay $0x1  }
0xa1: {  	s23 =	simm.s32 $0x1B8B  }
0xa2: {  	_ =	swait.ge [sflag:s23], $0x1  }
0xa3: {  	[sflag:s23] =	ssyncset.done $0x0  }
0xa4: {  	[sflag:s23] =	ssyncadd.s32 $0xFFFFFFFF  }
0xa5: {  	s4 =	sld [smem:$0x0]  }
0xa6: {  	s5 =	sand.u32 $0xFFFFFFFE, s1  }
0xa7: {  	p0 =	sne.s32 s1, s5  }
0xa8: {  	s5 =	sshll.u32 @p0 s5, $0xE  }
0xa9: {  	s5 =	sadd.s32 @p0 $0x11B8D, s5;
	s6 =	sshll.u32 @p0 s4, $0x11  }
0xaa: {  	s5 =	sor.u32 @p0 s6, s5  }
0xab: {  	[sflag:s5] =	ssyncadd.remote.s32 @p0 $0x1;
	_ =	sdelay $0x1  }
0xac: {  	s5 =	simm.s32 @p0 $0x1B8D  }
0xad: {  	_ =	swait.eq @p0 [sflag:s5], $0x1  }
0xae: {  	[sflag:s5] =	ssyncadd.s32 @p0 $0xFFFFFFFF  }
0xaf: {  	s6 =	sshll.u32 @!p0 s1, $0xE  }
0xb0: {  	s6 =	sor.u32 @!p0 $0x4000, s6;
	s5 =	simm.s32 @!p0 $0x1B8D  }
0xb1: {  	s4 =	sshll.u32 @!p0 s4, $0x11;
	s6 =	sadd.s32 @!p0 $0x11B8D, s6;
	_ =	swait.eq @!p0 [sflag:s5], $0x1  }
0xb2: {  	s4 =	sor.u32 @!p0 s4, s6;
	[sflag:s5] =	ssyncadd.s32 @!p0 $0xFFFFFFFF  }
0xb3: {  	s25 =	simm.s32 $0x1B8E;
	s24 =	sld [smem:$0x3FFE];
	[sflag:s4] =	ssyncadd.remote.s32 @!p0 $0x1  }
0xb4: {  	s26 =	simm.s32 $execute0_lowered;
	[smem:$0x3FD2] =	sst s25  }
0xb5: {  	s5 =	sshll.u32 s26, $0x1;
	_ =	strace $0x80000049;
	[dreg:$0x1] =	wrdreg $0xFFFFFFFF  }
0xb6: {  	s28 =	simm.s32 $_size_execute0_lowered;
	s3 =	sadd.s32 s3, s5;
	[dreg:$0x0] =	wrdreg $0x0  }
0xb7: {  	s5 =	sshll.u32 s28, $0x1;
	[dreg:$0x2] =	wrdreg s3  }
0xb8: {  	[dreg:$0x3] =	wrdreg s5  }
0xb9: {  	[dreg:$0x4] =	wrdreg $0xC0  }
0xba: {  	_ =	task [dreg:s22], $0x5FFFF  }
0xbb: {  	[dreg:$0x1] =	wrdreg $0xFFFFFFFF  }
0xbc: {  	[dreg:$0x0] =	wrdreg $0x60  }
0xbd: {  	[dreg:$0x2] =	wrdreg s24  }
0xbe: {  	[dreg:$0x3] =	wrdreg $0x69780  }
0xbf: {  	[dreg:$0x4] =	wrdreg $0x9  }
0xc0: {  	_ =	task.clear_ibuf [dreg:s22], $0x5FFFF;
	_ =	strace $0x90000049  }
0xc1: {  	s29 =	simm.s32 $0x9;
	_ =	strace $0x8000004B  }
0xc2: {  	_ =	swait.ge [sflag:s29], $0x1  }
0xc3: {  	[sflag:s29] =	ssyncadd.s32 $0xFFFFFFFF  }
0xc4: {  	_ =	strace $0x9000004B  }
0xc5: {  	_ =	sfence  }
0xc6: {  	s30 =	sld [smem:$0x0];
	_ =	sdelay $0x2  }
0xc7: {  	s31 =	sshll.u32 s1, $0xD;
	s1 =	sshrl.u32 s1, $0x2  }
0xc8: {  	s4 =	sand.u32 $0x4000, s31;
	s1 =	sadd.s32 s1, s30  }
0xc9: {  	s0 =	sor.u32 s4, s0;
	s1 =	sshll.u32 s1, $0x11  }
0xca: {  	s0 =	sor.u32 s1, s0  }
0xcb: {  	s0 =	sadd.s32 $0x8F2B, s0  }
0xcc: {  	[sflag:s0] =	ssyncadd.remote.s32 $0x1  }
0xcd: {  	_ =	sfence.sel $0xFFFF  }
0xce: {  	[dreg:$0x0] =	wrdreg $0xFFFFFFFF;
	(pc) =	sbr.abs _section_cstart, $3  }
0xcf: {  	[dreg:$0x1] =	wrdreg $0xFFFFFFFF  }
0xd0: {  	_ =	task.clear_ibuf [dreg:s22], $0x2FFFF;
	_ =	strace $0x9FFFFFFF  }
0xd1: {  	(tm) =	ssettm $0x7FFFFFFF  }
tec
execute0_lowered:
.L_overlay_start_1:
0x0: {  	(tag) =	ssettag $0x1  }
0x1: {  	s4 =	rddreg [dreg:$0x0]  }
0x2: {  	s2 =	rddreg [dreg:$0x1]  }
0x3: {  	s0 =	rddreg [dreg:$0x2]  }
0x4: {  	s5 =	srdreg.scid;
	s1 =	stileid.u32;
	s3 =	simm.s32 $0x0  }
0x5: {  	s13 =	simm.s32 $0x1;
	s14 =	simm.s32 $0x3E80;
	s15 =	simm.s32 $0x3E8  }
0x6: {  	s16 =	simm.s32 $0x0;
	s5 =	sand.u32 $0x1, s5;
	s6 =	smul.u32 $0x2710, s1  }
0x7: {  	[smem:$0x7FF] =	sst s3;
	s7 =	smul.u32 $0x27100, s5;
	s8 =	sshll.u32 s5, $0x4  }
0x8: {  	s10 =	sadd.s32 $0xF200, s4;
	s5 =	ssub.s32 $0x2, s5;
	s8 =	sor.u32 s1, s8  }
0x9: {  	s9 =	sshrl.u32 s5, $0x1;
	s7 =	sadd.s32 s6, s7;
	s8 =	smul.u32 $0x1388, s8  }
0xa: {  	_ =	strace $0x8000004A;
	s12 =	ssub.s32 s5, s9;
	s7 =	sshrl.u32 s7, $0x3  }
0xb: {  	s11 =	sadd.s32 s7, s4;
	s4 =	sadd.s32 s6, s2;
	s31 =	sadd.s32 $0x3E8, s8  }
0xc: {  	s30 =	sshrl.u32 s8, $0x3;
	s8 =	sadd.s32 $0xBB8, s8;
	s6 =	sshrl.u32 s31, $0x3  }
0xd: {  	s5 =	sadd.s32 s10, s30;
	s8 =	sshrl.u32 s8, $0x3;
	s6 =	sadd.s32 s10, s6  }
0xe: {  	s7 =	sadd.s32 $0xFA, s5;
	s8 =	sadd.s32 s10, s8;
	s9 =	sadd.s32 $0x1F4, s5  }
0xf: {  	v0 =	vimm.f32 $0.0e+00;
	v1 =	vimm.f32 $1.000000000e+00;
	s10 =	sadd.s32 $0x62400, s11;
	s11 =	smax.u32 s12, $0x1;
	s12 =	simm.s32 $0x4268  }
.LBB2_1:
0x10: {  	s17 =	simm.s32 $0x40;
	s18 =	simm.s32 $0x0  }
.LBB2_2:
0x11: {  	p0 =	sne.s32 s17, $0x9C00;
	[tilespmem:s18+$0x4268] =	vst v0;
	s18 =	smov.u32 s17;
	s17 =	sadd.s32 $0x40, s17  }
.Ltmp0:
0x12: {  	(pc) =	sbr.rel @p0 .LBB2_2-.Ltmp0, $2  }
0x13: {  	_ =	sdelay $0x2  }
0x14: {  	s18 =	sshra.s32 s18, $0x2  }
0x15: {  	[tilespmem:s18+$0x4268] =	vst v0  }
0x16: {  	[spmem:s4] =	stream.linear.scatter [tilespmem:s12], [sflag:$0x1], $0x2710, $0x38;
	[tilespmem:$0x9088] =	vst v63  }
0x17: {  	_ =	swait.ge [sflag:s13], $0x2710  }
0x18: {  	[sflag:s13] =	ssyncset.done $0x0  }
0x19: {  	s17 =	simm.s32 $0x40;
	s18 =	simm.s32 $0x0;
	[sflag:s13] =	ssyncadd.s32 $0xFFFFD8F0  }
.LBB2_4:
0x1a: {  	p0 =	sne.s32 s17, $0xF9C0;
	[tilespmem:s18+$0x0] =	vst v1;
	s18 =	smov.u32 s17;
	s17 =	sadd.s32 $0x40, s17  }
.Ltmp1:
0x1b: {  	(pc) =	sbr.rel @p0 .LBB2_4-.Ltmp1, $2  }
0x1c: {  	_ =	sdelay $0x2  }
0x1d: {  	s18 =	sshra.s32 s18, $0x2  }
0x1e: {  	[tilespmem:s18+$0x0] =	vst v1  }
0x1f: {  	[bflag:$0x0] =	sbarrier.arrive $0xFFFF  }
0x20: {  	[tilespmem:s14], [sflag:$0x1] =	stream.linear.gather [hbm4b:s5+s3], $0x3E8, $0x38;
	[tilespmem:$0x9088] =	vst v63  }
0x21: {  	_ =	swait.ge [sflag:s13], $0x3E8  }
0x22: {  	[sflag:s13] =	ssyncset.done $0x0  }
0x23: {  	[sflag:s13] =	ssyncadd.s32 $0xFFFFFC18  }
0x24: {  	[spmem:s2] =	stream.indirect.scatter.add.f32 [tilespmem:s3], [sflag:$0x1], $0x10, s14, s15, $0xb8;
	[tilespmem:$0x9088] =	vst v63  }
0x25: {  	_ =	swait.ge [sflag:s13], $0x3E80  }
0x26: {  	[sflag:s13] =	ssyncset.done $0x0  }
0x27: {  	[sflag:s13] =	ssyncadd.s32 $0xFFFFC180  }
0x28: {  	[tilespmem:s14], [sflag:$0x1] =	stream.linear.gather [hbm4b:s6+s3], $0x3E8, $0x38;
	[tilespmem:$0x9088] =	vst v63  }
0x29: {  	_ =	swait.ge [sflag:s13], $0x3E8  }
0x2a: {  	[sflag:s13] =	ssyncset.done $0x0  }
0x2b: {  	[sflag:s13] =	ssyncadd.s32 $0xFFFFFC18  }
0x2c: {  	[spmem:s2] =	stream.indirect.scatter.add.f32 [tilespmem:s3], [sflag:$0x1], $0x10, s14, s15, $0xb8;
	[tilespmem:$0x9088] =	vst v63  }
0x2d: {  	_ =	swait.ge [sflag:s13], $0x3E80  }
0x2e: {  	[sflag:s13] =	ssyncset.done $0x0  }
0x2f: {  	[sflag:s13] =	ssyncadd.s32 $0xFFFFC180  }
0x30: {  	[tilespmem:s14], [sflag:$0x1] =	stream.linear.gather [hbm4b:s7+s3], $0x3E8, $0x38;
	[tilespmem:$0x9088] =	vst v63  }
0x31: {  	_ =	swait.ge [sflag:s13], $0x3E8  }
0x32: {  	[sflag:s13] =	ssyncset.done $0x0  }
0x33: {  	[sflag:s13] =	ssyncadd.s32 $0xFFFFFC18  }
0x34: {  	[spmem:s2] =	stream.indirect.scatter.add.f32 [tilespmem:s3], [sflag:$0x1], $0x10, s14, s15, $0xb8;
	[tilespmem:$0x9088] =	vst v63  }
0x35: {  	_ =	swait.ge [sflag:s13], $0x3E80  }
0x36: {  	[sflag:s13] =	ssyncset.done $0x0  }
0x37: {  	[sflag:s13] =	ssyncadd.s32 $0xFFFFC180  }
0x38: {  	[tilespmem:s14], [sflag:$0x1] =	stream.linear.gather [hbm4b:s8+s3], $0x3E8, $0x38;
	[tilespmem:$0x9088] =	vst v63  }
0x39: {  	_ =	swait.ge [sflag:s13], $0x3E8  }
0x3a: {  	[sflag:s13] =	ssyncset.done $0x0  }
0x3b: {  	[sflag:s13] =	ssyncadd.s32 $0xFFFFFC18  }
0x3c: {  	[spmem:s2] =	stream.indirect.scatter.add.f32 [tilespmem:s3], [sflag:$0x1], $0x10, s14, s15, $0xb8;
	[tilespmem:$0x9088] =	vst v63  }
0x3d: {  	_ =	swait.ge [sflag:s13], $0x3E80  }
0x3e: {  	[sflag:s13] =	ssyncset.done $0x0  }
0x3f: {  	[sflag:s13] =	ssyncadd.s32 $0xFFFFC180  }
0x40: {  	[tilespmem:s14], [sflag:$0x1] =	stream.linear.gather [hbm4b:s9+s3], $0x3E8, $0x38;
	[tilespmem:$0x9088] =	vst v63  }
0x41: {  	_ =	swait.ge [sflag:s13], $0x3E8  }
0x42: {  	[sflag:s13] =	ssyncset.done $0x0  }
0x43: {  	[sflag:s13] =	ssyncadd.s32 $0xFFFFFC18  }
0x44: {  	[spmem:s2] =	stream.indirect.scatter.add.f32 [tilespmem:s3], [sflag:$0x1], $0x10, s14, s15, $0xb8;
	[tilespmem:$0x9088] =	vst v63  }
0x45: {  	_ =	swait.ge [sflag:s13], $0x3E80  }
0x46: {  	[sflag:s13] =	ssyncset.done $0x0  }
0x47: {  	[sflag:s13] =	ssyncadd.s32 $0xFFFFC180  }
0x48: {  	[bflag:$0x0] =	sbarrier.arrive $0xFFFF  }
0x49: {  	[tilespmem:s12], [sflag:$0x1] =	stream.linear.gather [spmem:s4], $0x2710, $0x38;
	[tilespmem:$0x9088] =	vst v63  }
0x4a: {  	s16 =	sadd.s32 $0x1, s16;
	_ =	swait.ge [sflag:s13], $0x2710  }
0x4b: {  	p0 =	sne.s32 s16, s11;
	[sflag:s13] =	ssyncset.done $0x0  }
.Ltmp2:
0x4c: {  	[sflag:s13] =	ssyncadd.s32 $0xFFFFD8F0;
	(pc) =	sbr.rel @p0 .LBB2_1-.Ltmp2, $4  }
0x4d: {  	[hbm4b:s10+s3] =	stream.linear.scatter [tilespmem:s12], [sflag:$0x1], $0x2710, $0x38;
	[tilespmem:$0x9088] =	vst v63  }
0x4e: {  	_ =	swait.ge [sflag:s13], $0x2710  }
0x4f: {  	[sflag:s13] =	ssyncset.done $0x0  }
0x50: {  	[sflag:s13] =	ssyncadd.s32 $0xFFFFD8F0  }
0x51: {  	_ =	sfence.sel $0x180000  }
0x52: {  	[bflag:$0x0] =	sbarrier.arrive $0xFFFF  }
0x53: {  	p0 =	sne.s32 s1, $0x0;
	_ =	strace $0x9000004A  }
0x54: {  	s0 =	sadd.s32 @!p0 $0x100000, s0;
	[bflag:$0x2] =	sbarrier.arrive $0xFFFF  }
0x55: {  	[sflag:s0] =	ssyncadd.tile.s32 @!p0 $0x1;
	_ =	shalt  }
.Lfunc_end2:
_tile_overlayer_lowered:
.L_overlay_start_2:
0x56: {  	(tag) =	ssettag $0x2  }
0x57: {  	s0 =	rddreg [dreg:$0x0];
	s2 =	stileid.u32  }
0x58: {  	s1 =	rddreg [dreg:$0x1];
	p0 =	sne.s32 s2, $0x0  }
0x59: {  	s3 =	rddreg [dreg:$0x2];
	[bflag:$0x3] =	sbarrier.arrive $0xFFFF;
	s2 =	simm.s32 @!p0 $0x1C01  }
0x5a: {  	[timem:s3], [sflag:s2] =	dma.local @!p0 [hbm:s0], s1  }
0x5b: {  	s0 =	simm.s32 @!p0 $0x1  }
0x5c: {  	_ =	swait.ge @!p0 [sflag:s0], s1  }
0x5d: {  	s1 =	ssub.s32 @!p0 $0x0, s1;
	[sflag:s0] =	ssyncset.done @!p0 $0x0  }
0x5e: {  	[sflag:s0] =	ssyncadd.s32 @!p0 s1  }
0x5f: {  	[bflag:$0x3] =	sbarrier.arrive $0xFFFF  }
0x60: {  	_ =	shalt  }

// kernel: kernel.14.cloned.1.call-start
scs
__scs_entry_jumppad:
0x0: {  	(pc) =	sbr.rel $0x88, $3  }
0x1: {  	(tag) =	ssettag $0x0;
	lr =	simm.s32 $0x1  }
0x2: {  	[smem:$0x3F8A] =	sst lr;
	_ =	strace $0xD0000000  }
0x3: {  	_ = 	snop  }
0x4: {  	_ = 	snop  }
0x5: {  	_ = 	snop  }
0x6: {  	_ = 	snop  }
0x7: {  	_ = 	snop  }
__scs_overlays_trampoline_lowered:
0x8: {  	[smem:$0x3F99] =	sst s0  }
0x9: {  	[smem:$0x3F9A] =	sst s1  }
0xa: {  	[smem:$0x3F9B] =	sst s2  }
0xb: {  	[smem:$0x3F9C] =	sst s3  }
0xc: {  	[smem:$0x3F9D] =	sst s4  }
0xd: {  	[smem:$0x3F9E] =	sst s5  }
0xe: {  	[smem:$0x3F9F] =	sst s6  }
0xf: {  	[smem:$0x3FA0] =	sst s7  }
0x10: {  	[smem:$0x3FA1] =	sst s8  }
0x11: {  	[smem:$0x3FA2] =	sst s9;
	s0 =	simm.s32 @!p0 $0x0  }
0x12: {  	s1 =	sld [smem:$0x3F88];
	s0 =	simm.s32 @p0 $0x1  }
0x13: {  	[smem:$0x3FA3] =	sst s0;
	s0 =	simm.s32 @!p1 $0x0  }
0x14: {  	s2 =	sld [smem:$0x3F87];
	s0 =	simm.s32 @p1 $0x1  }
0x15: {  	[smem:$0x3FA4] =	sst s0;
	s0 =	simm.s32 @!p2 $0x0  }
0x16: {  	s3 =	sld [smem:$0x3FDB];
	s0 =	simm.s32 @p2 $0x1  }
0x17: {  	s4 =	simm.s32 $0x1BF5;
	[smem:$0x3FA6] =	sst s0  }
0x18: {  	s0 =	sld [smem:$0x3F89];
	_ =	swait.ge [sflag:s4], $0x0  }
0x19: {  	s7 =	sld [smem:$0x3F8A]  }
0x1a: {  	s8 =	sadd.s32 $0xFFFFE003, lr  }
0x1b: {  	s9 =	sadd.s32 $0xFFFFFEF7, lr;
	s5 =	simm.s32 $0xFFFFFFFF;
	p2 =	slt.u32 s8, $0xFFFFF086  }
0x1c: {  	p1 =	slt.u32 s9, $0xF7A;
	s5 =	simm.s32 @!p2 $0x0  }
0x1d: {  	s5 =	simm.s32 @p1 $0x1;
	p0 =	seq.s32 s7, s2  }
0x1e: {  	s7 =	smul.u32 @!p0 $0xF7A, s2;
	p2 =	seq.s32 @!p0 s5, $0x0  }
0x1f: {  	s9 =	smul.u32 $0xF7A, s1;
	s8 =	simm.s32 @!p0 $0x1BF5;
	p2 =	por !p2, p0  }
0x20: {  	[sflag:s8] =	ssyncset.s32 @!p0 $0xFFFFF086;
	s6 =	sadd.s32 @!p0 s3, s7;
	s7 =	simm.s32 @!p0 $0x108  }
0x21: {  	s3 =	sadd.s32 s3, s9;
	s6 =	sadd.s32 @!p0 $0x88, s6;
	s7 =	simm.s32 @p2 $0x1082  }
0x22: {  	[simem:s7], [sflag:s8] =	dma.local @!p0 [hbm:s6], $0xF7A  }
0x23: {  	s9 =	sor.u32 $0xD0000000, s2;
	s6 =	simm.s32 $0x108;
	_ =	swait.ge @!p0 [sflag:s8], $0x0  }
0x24: {  	s3 =	sadd.s32 $0x88, s3;
	s6 =	simm.s32 @!p1 $0x1082;
	[sflag:s4] =	ssyncset.s32 $0xFFFFF086  }
0x25: {  	[simem:s6], [sflag:s4] =	dma.local [hbm:s3], $0xF7A  }
0x26: {  	[smem:$0x3F8A] =	sst s1;
	(tag) =	ssettag s2;
	_ =	strace s9  }
0x27: {  	s1 =	sld [smem:$0x3F9A]  }
0x28: {  	s2 =	sld [smem:$0x3F9B]  }
0x29: {  	s4 =	sld [smem:$0x3F9D]  }
0x2a: {  	p0 =	seq.s32 s5, $0x0;
	s5 =	sld [smem:$0x3F9E]  }
0x2b: {  	s6 =	sld [smem:$0x3F9F]  }
0x2c: {  	s7 =	sld [smem:$0x3FA0]  }
0x2d: {  	s3 =	simm.s32 $0x108;
	s8 =	sld [smem:$0x3FA1]  }
0x2e: {  	s3 =	simm.s32 @!p0 $0x1082;
	s9 =	sld [smem:$0x3FA2]  }
0x2f: {  	lr =	sadd.s32 s0, s3;
	s0 =	sld [smem:$0x3F99]  }
0x30: {  	s3 =	sld [smem:$0x3F9C]  }
0x31: {  	[smem:$0x3FA5] =	sst s10  }
0x32: {  	s10 =	sld [smem:$0x3FA3];
	_ =	sdelay $0x3  }
0x33: {  	p0 =	seq.s32 s10, $0x1;
	s10 =	sld [smem:$0x3FA5];
	_ =	sdelay $0x3  }
0x34: {  	[smem:$0x3FA5] =	sst s10  }
0x35: {  	s10 =	sld [smem:$0x3FA4];
	_ =	sdelay $0x3  }
0x36: {  	p1 =	seq.s32 s10, $0x1;
	s10 =	sld [smem:$0x3FA5];
	_ =	sdelay $0x3  }
0x37: {  	[smem:$0x3FA5] =	sst s10  }
0x38: {  	s10 =	sld [smem:$0x3FA6]  }
0x39: {  	_ = 	snop;
	(pc) =	sbr.ind lr, $3  }
0x3a: {  	_ = 	snop  }
0x3b: {  	_ = 	snop  }
0x3c: {  	p2 =	seq.s32 s10, $0x1;
	s10 =	sld [smem:$0x3FA5]  }
0x3d: {  	_ =	shalt  }
0x3e: {  	_ =	shalt  }
0x3f: {  	_ =	shalt  }
0x40: {  	_ =	shalt  }
0x41: {  	_ =	shalt  }
0x42: {  	_ =	shalt  }
0x43: {  	_ =	shalt  }
0x44: {  	_ =	shalt  }
0x45: {  	_ =	shalt  }
0x46: {  	_ =	shalt  }
0x47: {  	_ =	shalt  }
0x48: {  	_ =	shalt  }
0x49: {  	_ =	shalt  }
0x4a: {  	_ =	shalt  }
0x4b: {  	_ =	shalt  }
0x4c: {  	_ =	shalt  }
0x4d: {  	_ =	shalt  }
0x4e: {  	_ =	shalt  }
0x4f: {  	_ =	shalt  }
0x50: {  	_ =	shalt  }
0x51: {  	_ =	shalt  }
0x52: {  	_ =	shalt  }
0x53: {  	_ =	shalt  }
0x54: {  	_ =	shalt  }
0x55: {  	_ =	shalt  }
0x56: {  	_ =	shalt  }
0x57: {  	_ =	shalt  }
0x58: {  	_ =	shalt  }
0x59: {  	_ =	shalt  }
0x5a: {  	_ =	shalt  }
0x5b: {  	_ =	shalt  }
0x5c: {  	_ =	shalt  }
0x5d: {  	_ =	shalt  }
0x5e: {  	_ =	shalt  }
0x5f: {  	_ =	shalt  }
0x60: {  	_ =	shalt  }
0x61: {  	_ =	shalt  }
0x62: {  	_ =	shalt  }
0x63: {  	_ =	shalt  }
0x64: {  	_ =	shalt  }
0x65: {  	_ =	shalt  }
0x66: {  	_ =	shalt  }
0x67: {  	_ =	shalt  }
0x68: {  	_ =	shalt  }
0x69: {  	_ =	shalt  }
0x6a: {  	_ =	shalt  }
0x6b: {  	_ =	shalt  }
0x6c: {  	_ =	shalt  }
0x6d: {  	_ =	shalt  }
0x6e: {  	_ =	shalt  }
0x6f: {  	_ =	shalt  }
0x70: {  	_ =	shalt  }
0x71: {  	_ =	shalt  }
0x72: {  	_ =	shalt  }
0x73: {  	_ =	shalt  }
0x74: {  	_ =	shalt  }
0x75: {  	_ =	shalt  }
0x76: {  	_ =	shalt  }
0x77: {  	_ =	shalt  }
0x78: {  	_ =	shalt  }
0x79: {  	_ =	shalt  }
0x7a: {  	_ =	shalt  }
0x7b: {  	_ =	shalt  }
0x7c: {  	_ =	shalt  }
0x7d: {  	_ =	shalt  }
0x7e: {  	_ =	shalt  }
0x7f: {  	_ =	shalt  }
0x80: {  	_ =	shalt  }
0x81: {  	_ =	shalt  }
0x82: {  	_ =	shalt  }
0x83: {  	_ =	shalt  }
0x84: {  	_ =	shalt  }
0x85: {  	_ =	shalt  }
0x86: {  	_ =	shalt  }
0x87: {  	_ =	shalt  }
.Lfunc_end0:
.L_simem_size_0:
called_computation.1_lowered:
.L_overlay_start_0:
0x88: {  	s2 =	sld [smem:$0x3FD9]  }
0x89: {  	s3 =	sld [smem:$0x3FFE];
	_ =	sdelay $0x1  }
0x8a: {  	s1 =	srdreg.scid  }
0x8b: {  	s0 =	sand.u32 $0x1, s1  }
0x8c: {  	s16 =	sshll.u32 s0, $0xA;
	s2 =	sadd.s32 s3, s2  }
0x8d: {  	s2 =	sadd.s32 s2, s16  }
0x8e: {  	[smem:$0x3FB1] =	sst s2  }
0x8f: {  	_ = 	snop  }
0x90: {  	(tm) =	ssettm $0x1  }
0x91: {  	s17 =	sld [smem:$0x3FFB];
	_ =	sdelay $0x3  }
0x92: {  	_ =	strace s17  }
0x93: {  	s2 =	sld [smem:$0x3FFC];
	_ =	sdelay $0x3  }
0x94: {  	_ =	strace s2  }
0x95: {  	s2 =	sld [smem:$0x3FFD];
	_ =	sdelay $0x3  }
0x96: {  	_ =	strace s2  }
0x97: {  	_ =	strace $0x8FFFFFFF  }
0x98: {  	s18 =	sld [smem:$0x3FDB];
	_ =	sdelay $0x1  }
0x99: {  	s19 =	simm.s32 $_scs_section_size  }
0x9a: {  	s4 =	simm.s32 $_size__tile_overlayer_lowered;
	s5 =	simm.s32 $_tile_overlayer_lowered  }
0x9b: {  	s22 =	simm.s32 $0x1BFF;
	s21 =	sshll.u32 s5, $0x1;
	s2 =	sadd.s32 s19, s18  }
0x9c: {  	s6 =	simm.s32 $0x0;
	s20 =	sshll.u32 s4, $0x1;
	s4 =	sadd.s32 s21, s2  }
0x9d: {  	[timem:s6], [sflag:s22] =	dma.local [hbm:s4], s20  }
0x9e: {  	_ =	swait.ge [sflag:s22], s20  }
0x9f: {  	s3 =	ssub.s32 $0x0, s20;
	[sflag:s22] =	ssyncset.done $0x0  }
0xa0: {  	[sflag:s22] =	ssyncadd.s32 s3;
	_ =	sdelay $0x1  }
0xa1: {  	s23 =	simm.s32 $0x1B8B  }
0xa2: {  	_ =	swait.ge [sflag:s23], $0x1  }
0xa3: {  	[sflag:s23] =	ssyncset.done $0x0  }
0xa4: {  	s25 =	simm.s32 $0x1B8E;
	s24 =	sld [smem:$0x3FFE];
	[sflag:s23] =	ssyncadd.s32 $0xFFFFFFFF  }
0xa5: {  	s26 =	simm.s32 $execute0_lowered;
	[smem:$0x3FD2] =	sst s25  }
0xa6: {  	s4 =	sshll.u32 s26, $0x1;
	_ =	strace $0x80000046;
	[dreg:$0x1] =	wrdreg $0xFFFFFFFF  }
0xa7: {  	s28 =	simm.s32 $_size_execute0_lowered;
	s2 =	sadd.s32 s2, s4;
	[dreg:$0x0] =	wrdreg $0x0  }
0xa8: {  	s4 =	sshll.u32 s28, $0x1;
	[dreg:$0x2] =	wrdreg s2  }
0xa9: {  	[dreg:$0x3] =	wrdreg s4  }
0xaa: {  	[dreg:$0x4] =	wrdreg $0xC0  }
0xab: {  	_ =	task [dreg:s6], $0x5FFFF  }
0xac: {  	[dreg:$0x1] =	wrdreg $0xFFFFFFFF  }
0xad: {  	[dreg:$0x0] =	wrdreg $0x60  }
0xae: {  	[dreg:$0x2] =	wrdreg s24  }
0xaf: {  	[dreg:$0x3] =	wrdreg $0xA  }
0xb0: {  	_ =	task.clear_ibuf [dreg:s6], $0x4FFFF;
	_ =	strace $0x90000046  }
0xb1: {  	s29 =	simm.s32 $0xA;
	_ =	strace $0x80000048  }
0xb2: {  	_ =	swait.ge [sflag:s29], $0x1  }
0xb3: {  	[sflag:s29] =	ssyncadd.s32 $0xFFFFFFFF  }
0xb4: {  	_ =	strace $0x90000048  }
0xb5: {  	_ =	sfence  }
0xb6: {  	s30 =	sld [smem:$0x0];
	_ =	sdelay $0x2  }
0xb7: {  	s31 =	sshll.u32 s1, $0xD;
	s1 =	sshrl.u32 s1, $0x2  }
0xb8: {  	s3 =	sand.u32 $0x4000, s31;
	s1 =	sadd.s32 s1, s30  }
0xb9: {  	s0 =	sor.u32 s3, s0;
	s1 =	sshll.u32 s1, $0x11  }
0xba: {  	s0 =	sor.u32 s1, s0  }
0xbb: {  	s0 =	sadd.s32 $0x8F2B, s0  }
0xbc: {  	[sflag:s0] =	ssyncadd.remote.s32 $0x1  }
0xbd: {  	_ =	sfence.sel $0xFFFF  }
0xbe: {  	[dreg:$0x0] =	wrdreg $0xFFFFFFFF;
	(pc) =	sbr.abs _section_cstart, $3  }
0xbf: {  	[dreg:$0x1] =	wrdreg $0xFFFFFFFF  }
0xc0: {  	_ =	task.clear_ibuf [dreg:s6], $0x2FFFF;
	_ =	strace $0x9FFFFFFF  }
0xc1: {  	(tm) =	ssettm $0x7FFFFFFF  }
tec
execute0_lowered:
.L_overlay_start_1:
0x0: {  	(tag) =	ssettag $0x1  }
0x1: {  	s1 =	srdreg.scid;
	s0 =	stileid.u32  }
0x2: {  	s6 =	sand.u32 $0x1, s1;
	s30 =	sshll.u32 s0, $0x1  }
0x3: {  	s8 =	rddreg [dreg:$0x0];
	s7 =	sor.u32 s6, s30  }
0x4: {  	s2 =	simm.s32 $0x0;
	s1 =	rddreg [dreg:$0x1];
	s3 =	smul.u32 $0x271, s7  }
0x5: {  	[smem:$0x7FF] =	sst s2;
	s5 =	sadd.s32 $0x5200, s8  }
0x6: {  	_ =	strace $0x80000047;
	s10 =	ssub.s32 $0x2, s6;
	s3 =	sadd.s32 s3, s8  }
0x7: {  	s6 =	simm.s32 $0x1388;
	s4 =	sadd.s32 $0xA200, s3;
	s3 =	simm.s32 $0x2  }
0x8: {  	[tilespmem:s2], [sflag:$0x2] =	stream.linear.gather [hbm4b:s4+s2], $0x1388, $0x38;
	[tilespmem:$0x14C08] =	vst v63  }
0x9: {  	s9 =	smul.u32 $0x2710, s7;
	s11 =	sshrl.u32 s10, $0x1;
	_ =	swait.ge [sflag:s3], $0x1388  }
0xa: {  	s7 =	simm.s32 $0x1;
	s31 =	ssub.s32 s10, s11;
	[sflag:s3] =	ssyncset.done $0x0  }
0xb: {  	s8 =	sadd.s32 s9, s8;
	s9 =	smax.u32 s31, $0x1;
	[sflag:s3] =	ssyncadd.s32 $0xFFFFEC78  }
0xc: {  	[tilespmem:s6], [sflag:$0x1] =	stream.indirect.gather [hbm4b:s5+s6], $0x10, s2, s6, $0xb8;
	[tilespmem:$0x14C08] =	vst v63  }
0xd: {  	p0 =	sne.s32 s9, $0x1;
	_ =	swait.ge [sflag:s7], $0x13880  }
.Ltmp0:
0xe: {  	[sflag:s7] =	ssyncset.done $0x0;
	(pc) =	sbr.rel @!p0 .LBB2_2-.Ltmp0, $4  }
0xf: {  	s8 =	sadd.s32 $0x14200, s8;
	[sflag:s7] =	ssyncadd.s32 $0xFFFEC780  }
0x10: {  	[hbm4b:s8+s2] =	stream.linear.scatter [tilespmem:s6], [sflag:$0x2], $0x13880, $0x38;
	[tilespmem:$0x14C08] =	vst v63  }
0x11: {  	_ =	swait.ge [sflag:s3], $0x13880  }
0x12: {  	s9 =	sadd.s32 $0xFFFFFFFF, s9;
	[sflag:s3] =	ssyncset.done $0x0  }
.LBB2_1:
0x13: {  	p0 =	sne.s32 s9, $0x1;
	s9 =	sadd.s32 $0xFFFFFFFF, s9;
	[sflag:s3] =	ssyncadd.s32 $0xFFFEC780  }
0x14: {  	[tilespmem:s2], [sflag:$0x2] =	stream.linear.gather [hbm4b:s4+s2], $0x1388, $0x38;
	[tilespmem:$0x14C08] =	vst v63  }
0x15: {  	_ =	swait.ge [sflag:s3], $0x1388  }
0x16: {  	[sflag:s3] =	ssyncset.done $0x0  }
0x17: {  	[sflag:s3] =	ssyncadd.s32 $0xFFFFEC78  }
0x18: {  	[tilespmem:s6], [sflag:$0x1] =	stream.indirect.gather [hbm4b:s5+s6], $0x10, s2, s6, $0xb8;
	[tilespmem:$0x14C08] =	vst v63  }
0x19: {  	_ =	swait.ge [sflag:s7], $0x13880  }
.Ltmp1:
0x1a: {  	[sflag:s7] =	ssyncset.done $0x0;
	(pc) =	sbr.rel @p0 .LBB2_1-.Ltmp1, $4  }
0x1b: {  	[sflag:s7] =	ssyncadd.s32 $0xFFFEC780  }
0x1c: {  	[hbm4b:s8+s2] =	stream.linear.scatter [tilespmem:s6], [sflag:$0x2], $0x13880, $0x38;
	[tilespmem:$0x14C08] =	vst v63  }
0x1d: {  	_ =	swait.ge [sflag:s3], $0x13880  }
0x1e: {  	[sflag:s3] =	ssyncset.done $0x0  }
.LBB2_2:
0x1f: {  	[sflag:s3] =	ssyncadd.s32 $0xFFFEC780  }
0x20: {  	_ =	sfence.sel $0x180000  }
0x21: {  	[bflag:$0x0] =	sbarrier.arrive $0xFFFF  }
0x22: {  	p0 =	sne.s32 s0, $0x0;
	_ =	strace $0x90000047  }
0x23: {  	s0 =	sadd.s32 @!p0 $0x100000, s1;
	[bflag:$0x2] =	sbarrier.arrive $0xFFFF  }
0x24: {  	[sflag:s0] =	ssyncadd.tile.s32 @!p0 $0x1;
	_ =	shalt  }
.Lfunc_end2:
_tile_overlayer_lowered:
.L_overlay_start_2:
0x25: {  	(tag) =	ssettag $0x2  }
0x26: {  	s0 =	rddreg [dreg:$0x0];
	s2 =	stileid.u32  }
0x27: {  	s1 =	rddreg [dreg:$0x1];
	p0 =	sne.s32 s2, $0x0  }
0x28: {  	s3 =	rddreg [dreg:$0x2];
	[bflag:$0x3] =	sbarrier.arrive $0xFFFF;
	s2 =	simm.s32 @!p0 $0x1C02  }
0x29: {  	[timem:s3], [sflag:s2] =	dma.local @!p0 [hbm:s0], s1  }
0x2a: {  	s0 =	simm.s32 @!p0 $0x2  }
0x2b: {  	_ =	swait.ge @!p0 [sflag:s0], s1  }
0x2c: {  	s1 =	ssub.s32 @!p0 $0x0, s1;
	[sflag:s0] =	ssyncset.done @!p0 $0x0  }
0x2d: {  	[sflag:s0] =	ssyncadd.s32 @!p0 s1  }
0x2e: {  	[bflag:$0x3] =	sbarrier.arrive $0xFFFF  }
0x2f: {  	_ =	shalt  }

// kernel: kernel.17.cloned.1.call-start
scs
__scs_entry_jumppad:
0x0: {  	(pc) =	sbr.rel $0x88, $3  }
0x1: {  	(tag) =	ssettag $0x0;
	lr =	simm.s32 $0x1  }
0x2: {  	[smem:$0x3F8A] =	sst lr;
	_ =	strace $0xD0000000  }
0x3: {  	_ = 	snop  }
0x4: {  	_ = 	snop  }
0x5: {  	_ = 	snop  }
0x6: {  	_ = 	snop  }
0x7: {  	_ = 	snop  }
__scs_overlays_trampoline_lowered:
0x8: {  	[smem:$0x3F99] =	sst s0  }
0x9: {  	[smem:$0x3F9A] =	sst s1  }
0xa: {  	[smem:$0x3F9B] =	sst s2  }
0xb: {  	[smem:$0x3F9C] =	sst s3  }
0xc: {  	[smem:$0x3F9D] =	sst s4  }
0xd: {  	[smem:$0x3F9E] =	sst s5  }
0xe: {  	[smem:$0x3F9F] =	sst s6  }
0xf: {  	[smem:$0x3FA0] =	sst s7  }
0x10: {  	[smem:$0x3FA1] =	sst s8  }
0x11: {  	[smem:$0x3FA2] =	sst s9;
	s0 =	simm.s32 @!p0 $0x0  }
0x12: {  	s1 =	sld [smem:$0x3F88];
	s0 =	simm.s32 @p0 $0x1  }
0x13: {  	[smem:$0x3FA3] =	sst s0;
	s0 =	simm.s32 @!p1 $0x0  }
0x14: {  	s2 =	sld [smem:$0x3F87];
	s0 =	simm.s32 @p1 $0x1  }
0x15: {  	[smem:$0x3FA4] =	sst s0;
	s0 =	simm.s32 @!p2 $0x0  }
0x16: {  	s3 =	sld [smem:$0x3FDB];
	s0 =	simm.s32 @p2 $0x1  }
0x17: {  	s4 =	simm.s32 $0x1BF5;
	[smem:$0x3FA6] =	sst s0  }
0x18: {  	s0 =	sld [smem:$0x3F89];
	_ =	swait.ge [sflag:s4], $0x0  }
0x19: {  	s7 =	sld [smem:$0x3F8A]  }
0x1a: {  	s8 =	sadd.s32 $0xFFFFE003, lr  }
0x1b: {  	s9 =	sadd.s32 $0xFFFFFEF7, lr;
	s5 =	simm.s32 $0xFFFFFFFF;
	p2 =	slt.u32 s8, $0xFFFFF086  }
0x1c: {  	p1 =	slt.u32 s9, $0xF7A;
	s5 =	simm.s32 @!p2 $0x0  }
0x1d: {  	s5 =	simm.s32 @p1 $0x1;
	p0 =	seq.s32 s7, s2  }
0x1e: {  	s7 =	smul.u32 @!p0 $0xF7A, s2;
	p2 =	seq.s32 @!p0 s5, $0x0  }
0x1f: {  	s9 =	smul.u32 $0xF7A, s1;
	s8 =	simm.s32 @!p0 $0x1BF5;
	p2 =	por !p2, p0  }
0x20: {  	[sflag:s8] =	ssyncset.s32 @!p0 $0xFFFFF086;
	s6 =	sadd.s32 @!p0 s3, s7;
	s7 =	simm.s32 @!p0 $0x108  }
0x21: {  	s3 =	sadd.s32 s3, s9;
	s6 =	sadd.s32 @!p0 $0x88, s6;
	s7 =	simm.s32 @p2 $0x1082  }
0x22: {  	[simem:s7], [sflag:s8] =	dma.local @!p0 [hbm:s6], $0xF7A  }
0x23: {  	s9 =	sor.u32 $0xD0000000, s2;
	s6 =	simm.s32 $0x108;
	_ =	swait.ge @!p0 [sflag:s8], $0x0  }
0x24: {  	s3 =	sadd.s32 $0x88, s3;
	s6 =	simm.s32 @!p1 $0x1082;
	[sflag:s4] =	ssyncset.s32 $0xFFFFF086  }
0x25: {  	[simem:s6], [sflag:s4] =	dma.local [hbm:s3], $0xF7A  }
0x26: {  	[smem:$0x3F8A] =	sst s1;
	(tag) =	ssettag s2;
	_ =	strace s9  }
0x27: {  	s1 =	sld [smem:$0x3F9A]  }
0x28: {  	s2 =	sld [smem:$0x3F9B]  }
0x29: {  	s4 =	sld [smem:$0x3F9D]  }
0x2a: {  	p0 =	seq.s32 s5, $0x0;
	s5 =	sld [smem:$0x3F9E]  }
0x2b: {  	s6 =	sld [smem:$0x3F9F]  }
0x2c: {  	s7 =	sld [smem:$0x3FA0]  }
0x2d: {  	s3 =	simm.s32 $0x108;
	s8 =	sld [smem:$0x3FA1]  }
0x2e: {  	s3 =	simm.s32 @!p0 $0x1082;
	s9 =	sld [smem:$0x3FA2]  }
0x2f: {  	lr =	sadd.s32 s0, s3;
	s0 =	sld [smem:$0x3F99]  }
0x30: {  	s3 =	sld [smem:$0x3F9C]  }
0x31: {  	[smem:$0x3FA5] =	sst s10  }
0x32: {  	s10 =	sld [smem:$0x3FA3];
	_ =	sdelay $0x3  }
0x33: {  	p0 =	seq.s32 s10, $0x1;
	s10 =	sld [smem:$0x3FA5];
	_ =	sdelay $0x3  }
0x34: {  	[smem:$0x3FA5] =	sst s10  }
0x35: {  	s10 =	sld [smem:$0x3FA4];
	_ =	sdelay $0x3  }
0x36: {  	p1 =	seq.s32 s10, $0x1;
	s10 =	sld [smem:$0x3FA5];
	_ =	sdelay $0x3  }
0x37: {  	[smem:$0x3FA5] =	sst s10  }
0x38: {  	s10 =	sld [smem:$0x3FA6]  }
0x39: {  	_ = 	snop;
	(pc) =	sbr.ind lr, $3  }
0x3a: {  	_ = 	snop  }
0x3b: {  	_ = 	snop  }
0x3c: {  	p2 =	seq.s32 s10, $0x1;
	s10 =	sld [smem:$0x3FA5]  }
0x3d: {  	_ =	shalt  }
0x3e: {  	_ =	shalt  }
0x3f: {  	_ =	shalt  }
0x40: {  	_ =	shalt  }
0x41: {  	_ =	shalt  }
0x42: {  	_ =	shalt  }
0x43: {  	_ =	shalt  }
0x44: {  	_ =	shalt  }
0x45: {  	_ =	shalt  }
0x46: {  	_ =	shalt  }
0x47: {  	_ =	shalt  }
0x48: {  	_ =	shalt  }
0x49: {  	_ =	shalt  }
0x4a: {  	_ =	shalt  }
0x4b: {  	_ =	shalt  }
0x4c: {  	_ =	shalt  }
0x4d: {  	_ =	shalt  }
0x4e: {  	_ =	shalt  }
0x4f: {  	_ =	shalt  }
0x50: {  	_ =	shalt  }
0x51: {  	_ =	shalt  }
0x52: {  	_ =	shalt  }
0x53: {  	_ =	shalt  }
0x54: {  	_ =	shalt  }
0x55: {  	_ =	shalt  }
0x56: {  	_ =	shalt  }
0x57: {  	_ =	shalt  }
0x58: {  	_ =	shalt  }
0x59: {  	_ =	shalt  }
0x5a: {  	_ =	shalt  }
0x5b: {  	_ =	shalt  }
0x5c: {  	_ =	shalt  }
0x5d: {  	_ =	shalt  }
0x5e: {  	_ =	shalt  }
0x5f: {  	_ =	shalt  }
0x60: {  	_ =	shalt  }
0x61: {  	_ =	shalt  }
0x62: {  	_ =	shalt  }
0x63: {  	_ =	shalt  }
0x64: {  	_ =	shalt  }
0x65: {  	_ =	shalt  }
0x66: {  	_ =	shalt  }
0x67: {  	_ =	shalt  }
0x68: {  	_ =	shalt  }
0x69: {  	_ =	shalt  }
0x6a: {  	_ =	shalt  }
0x6b: {  	_ =	shalt  }
0x6c: {  	_ =	shalt  }
0x6d: {  	_ =	shalt  }
0x6e: {  	_ =	shalt  }
0x6f: {  	_ =	shalt  }
0x70: {  	_ =	shalt  }
0x71: {  	_ =	shalt  }
0x72: {  	_ =	shalt  }
0x73: {  	_ =	shalt  }
0x74: {  	_ =	shalt  }
0x75: {  	_ =	shalt  }
0x76: {  	_ =	shalt  }
0x77: {  	_ =	shalt  }
0x78: {  	_ =	shalt  }
0x79: {  	_ =	shalt  }
0x7a: {  	_ =	shalt  }
0x7b: {  	_ =	shalt  }
0x7c: {  	_ =	shalt  }
0x7d: {  	_ =	shalt  }
0x7e: {  	_ =	shalt  }
0x7f: {  	_ =	shalt  }
0x80: {  	_ =	shalt  }
0x81: {  	_ =	shalt  }
0x82: {  	_ =	shalt  }
0x83: {  	_ =	shalt  }
0x84: {  	_ =	shalt  }
0x85: {  	_ =	shalt  }
0x86: {  	_ =	shalt  }
0x87: {  	_ =	shalt  }
.Lfunc_end0:
.L_simem_size_0:
called_computation.2_lowered:
.L_overlay_start_0:
0x88: {  	s2 =	sld [smem:$0x3FD9]  }
0x89: {  	s3 =	sld [smem:$0x3FFE];
	_ =	sdelay $0x1  }
0x8a: {  	s1 =	srdreg.scid  }
0x8b: {  	s0 =	sand.u32 $0x1, s1  }
0x8c: {  	s17 =	sshll.u32 s0, $0xA;
	s2 =	sadd.s32 s3, s2  }
0x8d: {  	s2 =	sadd.s32 s2, s17  }
0x8e: {  	[smem:$0x3FB1] =	sst s2  }
0x8f: {  	_ = 	snop  }
0x90: {  	(tm) =	ssettm $0x1  }
0x91: {  	s18 =	sld [smem:$0x3FFB];
	_ =	sdelay $0x3  }
0x92: {  	_ =	strace s18  }
0x93: {  	s2 =	sld [smem:$0x3FFC];
	_ =	sdelay $0x3  }
0x94: {  	_ =	strace s2  }
0x95: {  	s2 =	sld [smem:$0x3FFD];
	_ =	sdelay $0x3  }
0x96: {  	_ =	strace s2  }
0x97: {  	_ =	strace $0x8FFFFFFF  }
0x98: {  	s19 =	sld [smem:$0x3FDB];
	_ =	sdelay $0x1  }
0x99: {  	s20 =	simm.s32 $_scs_section_size  }
0x9a: {  	s4 =	simm.s32 $_size__tile_overlayer_lowered;
	s5 =	simm.s32 $_tile_overlayer_lowered  }
0x9b: {  	s6 =	simm.s32 $0x1BFF;
	s21 =	sshll.u32 s5, $0x1;
	s3 =	sadd.s32 s20, s19  }
0x9c: {  	s22 =	simm.s32 $0x0;
	s4 =	sshll.u32 s4, $0x1;
	s5 =	sadd.s32 s21, s3  }
0x9d: {  	[timem:s22], [sflag:s6] =	dma.local [hbm:s5], s4  }
0x9e: {  	_ =	swait.ge [sflag:s6], s4  }
0x9f: {  	s4 =	ssub.s32 $0x0, s4;
	[sflag:s6] =	ssyncset.done $0x0  }
0xa0: {  	[sflag:s6] =	ssyncadd.s32 s4;
	_ =	sdelay $0x1  }
0xa1: {  	s23 =	simm.s32 $0x1B8B  }
0xa2: {  	_ =	swait.ge [sflag:s23], $0x1  }
0xa3: {  	[sflag:s23] =	ssyncset.done $0x0  }
0xa4: {  	[sflag:s23] =	ssyncadd.s32 $0xFFFFFFFF  }
0xa5: {  	s4 =	sld [smem:$0x0]  }
0xa6: {  	s5 =	sand.u32 $0xFFFFFFFE, s1  }
0xa7: {  	p0 =	sne.s32 s1, s5  }
0xa8: {  	s5 =	sshll.u32 @p0 s5, $0xE  }
0xa9: {  	s5 =	sadd.s32 @p0 $0x11B8D, s5;
	s6 =	sshll.u32 @p0 s4, $0x11  }
0xaa: {  	s5 =	sor.u32 @p0 s6, s5  }
0xab: {  	[sflag:s5] =	ssyncadd.remote.s32 @p0 $0x1;
	_ =	sdelay $0x1  }
0xac: {  	s5 =	simm.s32 @p0 $0x1B8D  }
0xad: {  	_ =	swait.eq @p0 [sflag:s5], $0x1  }
0xae: {  	[sflag:s5] =	ssyncadd.s32 @p0 $0xFFFFFFFF  }
0xaf: {  	s6 =	sshll.u32 @!p0 s1, $0xE  }
0xb0: {  	s6 =	sor.u32 @!p0 $0x4000, s6;
	s5 =	simm.s32 @!p0 $0x1B8D  }
0xb1: {  	s4 =	sshll.u32 @!p0 s4, $0x11;
	s6 =	sadd.s32 @!p0 $0x11B8D, s6;
	_ =	swait.eq @!p0 [sflag:s5], $0x1  }
0xb2: {  	s4 =	sor.u32 @!p0 s4, s6;
	[sflag:s5] =	ssyncadd.s32 @!p0 $0xFFFFFFFF  }
0xb3: {  	s25 =	simm.s32 $0x1B8E;
	s24 =	sld [smem:$0x3FFE];
	[sflag:s4] =	ssyncadd.remote.s32 @!p0 $0x1  }
0xb4: {  	s26 =	simm.s32 $execute0_lowered;
	[smem:$0x3FD2] =	sst s25  }
0xb5: {  	s5 =	sshll.u32 s26, $0x1;
	_ =	strace $0x8000004C;
	[dreg:$0x1] =	wrdreg $0xFFFFFFFF  }
0xb6: {  	s28 =	simm.s32 $_size_execute0_lowered;
	s3 =	sadd.s32 s3, s5;
	[dreg:$0x0] =	wrdreg $0x0  }
0xb7: {  	s5 =	sshll.u32 s28, $0x1;
	[dreg:$0x2] =	wrdreg s3  }
0xb8: {  	[dreg:$0x3] =	wrdreg s5  }
0xb9: {  	[dreg:$0x4] =	wrdreg $0xC0  }
0xba: {  	_ =	task [dreg:s22], $0x5FFFF  }
0xbb: {  	[dreg:$0x1] =	wrdreg $0xFFFFFFFF  }
0xbc: {  	[dreg:$0x0] =	wrdreg $0x60  }
0xbd: {  	[dreg:$0x2] =	wrdreg s24  }
0xbe: {  	[dreg:$0x3] =	wrdreg $0x69780  }
0xbf: {  	[dreg:$0x4] =	wrdreg $0xA  }
0xc0: {  	_ =	task.clear_ibuf [dreg:s22], $0x5FFFF;
	_ =	strace $0x9000004C  }
0xc1: {  	s29 =	simm.s32 $0xA;
	_ =	strace $0x8000004E  }
0xc2: {  	_ =	swait.ge [sflag:s29], $0x1  }
0xc3: {  	[sflag:s29] =	ssyncadd.s32 $0xFFFFFFFF  }
0xc4: {  	_ =	strace $0x9000004E  }
0xc5: {  	_ =	sfence  }
0xc6: {  	s30 =	sld [smem:$0x0];
	_ =	sdelay $0x2  }
0xc7: {  	s31 =	sshll.u32 s1, $0xD;
	s1 =	sshrl.u32 s1, $0x2  }
0xc8: {  	s4 =	sand.u32 $0x4000, s31;
	s1 =	sadd.s32 s1, s30  }
0xc9: {  	s0 =	sor.u32 s4, s0;
	s1 =	sshll.u32 s1, $0x11  }
0xca: {  	s0 =	sor.u32 s1, s0  }
0xcb: {  	s0 =	sadd.s32 $0x8F2B, s0  }
0xcc: {  	[sflag:s0] =	ssyncadd.remote.s32 $0x1  }
0xcd: {  	_ =	sfence.sel $0xFFFF  }
0xce: {  	[dreg:$0x0] =	wrdreg $0xFFFFFFFF;
	(pc) =	sbr.abs _section_cstart, $3  }
0xcf: {  	[dreg:$0x1] =	wrdreg $0xFFFFFFFF  }
0xd0: {  	_ =	task.clear_ibuf [dreg:s22], $0x2FFFF;
	_ =	strace $0x9FFFFFFF  }
0xd1: {  	(tm) =	ssettm $0x7FFFFFFF  }
tec
execute0_lowered:
.L_overlay_start_1:
0x0: {  	(tag) =	ssettag $0x1  }
0x1: {  	s4 =	rddreg [dreg:$0x0]  }
0x2: {  	s2 =	rddreg [dreg:$0x1]  }
0x3: {  	s0 =	rddreg [dreg:$0x2]  }
0x4: {  	s3 =	simm.s32 $0x0;
	s5 =	srdreg.scid;
	s1 =	stileid.u32  }
0x5: {  	s19 =	simm.s32 $0x3E80;
	s20 =	simm.s32 $0x3E8;
	s21 =	simm.s32 $0x0  }
0x6: {  	[smem:$0x7FF] =	sst s3;
	s5 =	sand.u32 $0x1, s5;
	s6 =	smul.u32 $0x2710, s1  }
0x7: {  	s13 =	sadd.s32 $0x14200, s4;
	s7 =	smul.u32 $0x27100, s5;
	s8 =	sshll.u32 s5, $0x4  }
0x8: {  	s14 =	sadd.s32 $0xF200, s4;
	s5 =	ssub.s32 $0x2, s5;
	s8 =	sor.u32 s1, s8  }
0x9: {  	s9 =	sshrl.u32 s5, $0x1;
	s7 =	sadd.s32 s6, s7;
	s12 =	smul.u32 $0x1388, s8  }
0xa: {  	s8 =	smul.u32 $0x2710, s8;
	s16 =	ssub.s32 s5, s9;
	s7 =	sshrl.u32 s7, $0x3  }
0xb: {  	_ =	strace $0x8000004D;
	s16 =	smax.u32 s16, $0x1;
	s15 =	sadd.s32 s7, s4  }
0xc: {  	s4 =	sadd.s32 s6, s2;
	s5 =	sadd.s32 s13, s8;
	s24 =	sshrl.u32 s12, $0x3  }
0xd: {  	s25 =	sadd.s32 $0x3E8, s12;
	s29 =	sadd.s32 $0x7D0, s12;
	s17 =	sadd.s32 $0xBB8, s12  }
0xe: {  	s18 =	sadd.s32 $0xFA0, s12;
	s6 =	sadd.s32 s14, s24;
	s26 =	sshll.u32 s25, $0x1  }
0xf: {  	s28 =	sshrl.u32 s25, $0x3;
	s10 =	sshll.u32 s29, $0x1;
	s11 =	sshrl.u32 s29, $0x3  }
0x10: {  	s30 =	sshll.u32 s17, $0x1;
	s17 =	sshrl.u32 s17, $0x3;
	s31 =	sshll.u32 s18, $0x1  }
0x11: {  	s18 =	sshrl.u32 s18, $0x3;
	s15 =	sadd.s32 $0x6C200, s15;
	s7 =	sadd.s32 s13, s26  }
0x12: {  	s8 =	sadd.s32 s14, s28;
	s9 =	sadd.s32 s13, s10;
	s10 =	sadd.s32 s14, s11  }
0x13: {  	s11 =	sadd.s32 s13, s30;
	s12 =	sadd.s32 s14, s17;
	s13 =	sadd.s32 s13, s31  }
0x14: {  	v0 =	vimm.f32 $0.0e+00;
	s14 =	sadd.s32 s14, s18;
	s17 =	simm.s32 $0x4268;
	s18 =	simm.s32 $0x1  }
.LBB2_1:
0x15: {  	s22 =	simm.s32 $0x40;
	s23 =	simm.s32 $0x0  }
.LBB2_2:
0x16: {  	p0 =	sne.s32 s22, $0x9C00;
	[tilespmem:s23+$0x4268] =	vst v0;
	s23 =	smov.u32 s22;
	s22 =	sadd.s32 $0x40, s22  }
.Ltmp0:
0x17: {  	(pc) =	sbr.rel @p0 .LBB2_2-.Ltmp0, $2  }
0x18: {  	_ =	sdelay $0x2  }
0x19: {  	s23 =	sshra.s32 s23, $0x2  }
0x1a: {  	[tilespmem:s23+$0x4268] =	vst v0  }
0x1b: {  	[spmem:s4] =	stream.linear.scatter [tilespmem:s17], [sflag:$0x1], $0x2710, $0x38;
	[tilespmem:$0x9088] =	vst v63  }
0x1c: {  	_ =	swait.ge [sflag:s18], $0x2710  }
0x1d: {  	[sflag:s18] =	ssyncset.done $0x0  }
0x1e: {  	[sflag:s18] =	ssyncadd.s32 $0xFFFFD8F0  }
0x1f: {  	[bflag:$0x0] =	sbarrier.arrive $0xFFFF  }
0x20: {  	[tilespmem:s3], [sflag:$0x1] =	stream.linear.gather [hbm4b:s5+s3], $0x3E80, $0x38;
	[tilespmem:$0x9088] =	vst v63  }
0x21: {  	_ =	swait.ge [sflag:s18], $0x3E80  }
0x22: {  	[sflag:s18] =	ssyncset.done $0x0  }
0x23: {  	[sflag:s18] =	ssyncadd.s32 $0xFFFFC180  }
0x24: {  	[tilespmem:s19], [sflag:$0x1] =	stream.linear.gather [hbm4b:s6+s3], $0x3E8, $0x38;
	[tilespmem:$0x9088] =	vst v63  }
0x25: {  	_ =	swait.ge [sflag:s18], $0x3E8  }
0x26: {  	[sflag:s18] =	ssyncset.done $0x0  }
0x27: {  	[sflag:s18] =	ssyncadd.s32 $0xFFFFFC18  }
0x28: {  	[spmem:s2] =	stream.indirect.scatter.add.f32 [tilespmem:s3], [sflag:$0x1], $0x10, s19, s20, $0xb8;
	[tilespmem:$0x9088] =	vst v63  }
0x29: {  	_ =	swait.ge [sflag:s18], $0x3E80  }
0x2a: {  	[sflag:s18] =	ssyncset.done $0x0  }
0x2b: {  	[sflag:s18] =	ssyncadd.s32 $0xFFFFC180  }
0x2c: {  	[tilespmem:s3], [sflag:$0x1] =	stream.linear.gather [hbm4b:s7+s3], $0x3E80, $0x38;
	[tilespmem:$0x9088] =	vst v63  }
0x2d: {  	_ =	swait.ge [sflag:s18], $0x3E80  }
0x2e: {  	[sflag:s18] =	ssyncset.done $0x0  }
0x2f: {  	[sflag:s18] =	ssyncadd.s32 $0xFFFFC180  }
0x30: {  	[tilespmem:s19], [sflag:$0x1] =	stream.linear.gather [hbm4b:s8+s3], $0x3E8, $0x38;
	[tilespmem:$0x9088] =	vst v63  }
0x31: {  	_ =	swait.ge [sflag:s18], $0x3E8  }
0x32: {  	[sflag:s18] =	ssyncset.done $0x0  }
0x33: {  	[sflag:s18] =	ssyncadd.s32 $0xFFFFFC18  }
0x34: {  	[spmem:s2] =	stream.indirect.scatter.add.f32 [tilespmem:s3], [sflag:$0x1], $0x10, s19, s20, $0xb8;
	[tilespmem:$0x9088] =	vst v63  }
0x35: {  	_ =	swait.ge [sflag:s18], $0x3E80  }
0x36: {  	[sflag:s18] =	ssyncset.done $0x0  }
0x37: {  	[sflag:s18] =	ssyncadd.s32 $0xFFFFC180  }
0x38: {  	[tilespmem:s3], [sflag:$0x1] =	stream.linear.gather [hbm4b:s9+s3], $0x3E80, $0x38;
	[tilespmem:$0x9088] =	vst v63  }
0x39: {  	_ =	swait.ge [sflag:s18], $0x3E80  }
0x3a: {  	[sflag:s18] =	ssyncset.done $0x0  }
0x3b: {  	[sflag:s18] =	ssyncadd.s32 $0xFFFFC180  }
0x3c: {  	[tilespmem:s19], [sflag:$0x1] =	stream.linear.gather [hbm4b:s10+s3], $0x3E8, $0x38;
	[tilespmem:$0x9088] =	vst v63  }
0x3d: {  	_ =	swait.ge [sflag:s18], $0x3E8  }
0x3e: {  	[sflag:s18] =	ssyncset.done $0x0  }
0x3f: {  	[sflag:s18] =	ssyncadd.s32 $0xFFFFFC18  }
0x40: {  	[spmem:s2] =	stream.indirect.scatter.add.f32 [tilespmem:s3], [sflag:$0x1], $0x10, s19, s20, $0xb8;
	[tilespmem:$0x9088] =	vst v63  }
0x41: {  	_ =	swait.ge [sflag:s18], $0x3E80  }
0x42: {  	[sflag:s18] =	ssyncset.done $0x0  }
0x43: {  	[sflag:s18] =	ssyncadd.s32 $0xFFFFC180  }
0x44: {  	[tilespmem:s3], [sflag:$0x1] =	stream.linear.gather [hbm4b:s11+s3], $0x3E80, $0x38;
	[tilespmem:$0x9088] =	vst v63  }
0x45: {  	_ =	swait.ge [sflag:s18], $0x3E80  }
0x46: {  	[sflag:s18] =	ssyncset.done $0x0  }
0x47: {  	[sflag:s18] =	ssyncadd.s32 $0xFFFFC180  }
0x48: {  	[tilespmem:s19], [sflag:$0x1] =	stream.linear.gather [hbm4b:s12+s3], $0x3E8, $0x38;
	[tilespmem:$0x9088] =	vst v63  }
0x49: {  	_ =	swait.ge [sflag:s18], $0x3E8  }
0x4a: {  	[sflag:s18] =	ssyncset.done $0x0  }
0x4b: {  	[sflag:s18] =	ssyncadd.s32 $0xFFFFFC18  }
0x4c: {  	[spmem:s2] =	stream.indirect.scatter.add.f32 [tilespmem:s3], [sflag:$0x1], $0x10, s19, s20, $0xb8;
	[tilespmem:$0x9088] =	vst v63  }
0x4d: {  	_ =	swait.ge [sflag:s18], $0x3E80  }
0x4e: {  	[sflag:s18] =	ssyncset.done $0x0  }
0x4f: {  	[sflag:s18] =	ssyncadd.s32 $0xFFFFC180  }
0x50: {  	[tilespmem:s3], [sflag:$0x1] =	stream.linear.gather [hbm4b:s13+s3], $0x3E80, $0x38;
	[tilespmem:$0x9088] =	vst v63  }
0x51: {  	_ =	swait.ge [sflag:s18], $0x3E80  }
0x52: {  	[sflag:s18] =	ssyncset.done $0x0  }
0x53: {  	[sflag:s18] =	ssyncadd.s32 $0xFFFFC180  }
0x54: {  	[tilespmem:s19], [sflag:$0x1] =	stream.linear.gather [hbm4b:s14+s3], $0x3E8, $0x38;
	[tilespmem:$0x9088] =	vst v63  }
0x55: {  	_ =	swait.ge [sflag:s18], $0x3E8  }
0x56: {  	[sflag:s18] =	ssyncset.done $0x0  }
0x57: {  	[sflag:s18] =	ssyncadd.s32 $0xFFFFFC18  }
0x58: {  	[spmem:s2] =	stream.indirect.scatter.add.f32 [tilespmem:s3], [sflag:$0x1], $0x10, s19, s20, $0xb8;
	[tilespmem:$0x9088] =	vst v63  }
0x59: {  	_ =	swait.ge [sflag:s18], $0x3E80  }
0x5a: {  	[sflag:s18] =	ssyncset.done $0x0  }
0x5b: {  	[sflag:s18] =	ssyncadd.s32 $0xFFFFC180  }
0x5c: {  	[bflag:$0x0] =	sbarrier.arrive $0xFFFF  }
0x5d: {  	[tilespmem:s17], [sflag:$0x1] =	stream.linear.gather [spmem:s4], $0x2710, $0x38;
	[tilespmem:$0x9088] =	vst v63  }
0x5e: {  	s21 =	sadd.s32 $0x1, s21;
	_ =	swait.ge [sflag:s18], $0x2710  }
0x5f: {  	p0 =	sne.s32 s21, s16;
	[sflag:s18] =	ssyncset.done $0x0  }
.Ltmp1:
0x60: {  	[sflag:s18] =	ssyncadd.s32 $0xFFFFD8F0;
	(pc) =	sbr.rel @p0 .LBB2_1-.Ltmp1, $4  }
0x61: {  	[hbm4b:s15+s3] =	stream.linear.scatter [tilespmem:s17], [sflag:$0x1], $0x2710, $0x38;
	[tilespmem:$0x9088] =	vst v63  }
0x62: {  	_ =	swait.ge [sflag:s18], $0x2710  }
0x63: {  	[sflag:s18] =	ssyncset.done $0x0  }
0x64: {  	[sflag:s18] =	ssyncadd.s32 $0xFFFFD8F0  }
0x65: {  	_ =	sfence.sel $0x180000  }
0x66: {  	[bflag:$0x0] =	sbarrier.arrive $0xFFFF  }
0x67: {  	p0 =	sne.s32 s1, $0x0;
	_ =	strace $0x9000004D  }
0x68: {  	s0 =	sadd.s32 @!p0 $0x100000, s0;
	[bflag:$0x2] =	sbarrier.arrive $0xFFFF  }
0x69: {  	[sflag:s0] =	ssyncadd.tile.s32 @!p0 $0x1;
	_ =	shalt  }
.Lfunc_end2:
_tile_overlayer_lowered:
.L_overlay_start_2:
0x6a: {  	(tag) =	ssettag $0x2  }
0x6b: {  	s0 =	rddreg [dreg:$0x0];
	s2 =	stileid.u32  }
0x6c: {  	s1 =	rddreg [dreg:$0x1];
	p0 =	sne.s32 s2, $0x0  }
0x6d: {  	s3 =	rddreg [dreg:$0x2];
	[bflag:$0x3] =	sbarrier.arrive $0xFFFF;
	s2 =	simm.s32 @!p0 $0x1C01  }
0x6e: {  	[timem:s3], [sflag:s2] =	dma.local @!p0 [hbm:s0], s1  }
0x6f: {  	s0 =	simm.s32 @!p0 $0x1  }
0x70: {  	_ =	swait.ge @!p0 [sflag:s0], s1  }
0x71: {  	s1 =	ssub.s32 @!p0 $0x0, s1;
	[sflag:s0] =	ssyncset.done @!p0 $0x0  }
0x72: {  	[sflag:s0] =	ssyncadd.s32 @!p0 s1  }
0x73: {  	[bflag:$0x3] =	sbarrier.arrive $0xFFFF  }
0x74: {  	_ =	shalt  }

// kernel: kernel.20.cloned.1.call-start
scs
__scs_entry_jumppad:
0x0: {  	(pc) =	sbr.rel $0x88, $3  }
0x1: {  	(tag) =	ssettag $0x0;
	lr =	simm.s32 $0x1  }
0x2: {  	[smem:$0x3F8A] =	sst lr;
	_ =	strace $0xD0000000  }
0x3: {  	_ = 	snop  }
0x4: {  	_ = 	snop  }
0x5: {  	_ = 	snop  }
0x6: {  	_ = 	snop  }
0x7: {  	_ = 	snop  }
__scs_overlays_trampoline_lowered:
0x8: {  	[smem:$0x3F99] =	sst s0  }
0x9: {  	[smem:$0x3F9A] =	sst s1  }
0xa: {  	[smem:$0x3F9B] =	sst s2  }
0xb: {  	[smem:$0x3F9C] =	sst s3  }
0xc: {  	[smem:$0x3F9D] =	sst s4  }
0xd: {  	[smem:$0x3F9E] =	sst s5  }
0xe: {  	[smem:$0x3F9F] =	sst s6  }
0xf: {  	[smem:$0x3FA0] =	sst s7  }
0x10: {  	[smem:$0x3FA1] =	sst s8  }
0x11: {  	[smem:$0x3FA2] =	sst s9;
	s0 =	simm.s32 @!p0 $0x0  }
0x12: {  	s1 =	sld [smem:$0x3F88];
	s0 =	simm.s32 @p0 $0x1  }
0x13: {  	[smem:$0x3FA3] =	sst s0;
	s0 =	simm.s32 @!p1 $0x0  }
0x14: {  	s2 =	sld [smem:$0x3F87];
	s0 =	simm.s32 @p1 $0x1  }
0x15: {  	[smem:$0x3FA4] =	sst s0;
	s0 =	simm.s32 @!p2 $0x0  }
0x16: {  	s3 =	sld [smem:$0x3FDB];
	s0 =	simm.s32 @p2 $0x1  }
0x17: {  	s4 =	simm.s32 $0x1BF5;
	[smem:$0x3FA6] =	sst s0  }
0x18: {  	s0 =	sld [smem:$0x3F89];
	_ =	swait.ge [sflag:s4], $0x0  }
0x19: {  	s7 =	sld [smem:$0x3F8A]  }
0x1a: {  	s8 =	sadd.s32 $0xFFFFE003, lr  }
0x1b: {  	s9 =	sadd.s32 $0xFFFFFEF7, lr;
	s5 =	simm.s32 $0xFFFFFFFF;
	p2 =	slt.u32 s8, $0xFFFFF086  }
0x1c: {  	p1 =	slt.u32 s9, $0xF7A;
	s5 =	simm.s32 @!p2 $0x0  }
0x1d: {  	s5 =	simm.s32 @p1 $0x1;
	p0 =	seq.s32 s7, s2  }
0x1e: {  	s7 =	smul.u32 @!p0 $0xF7A, s2;
	p2 =	seq.s32 @!p0 s5, $0x0  }
0x1f: {  	s9 =	smul.u32 $0xF7A, s1;
	s8 =	simm.s32 @!p0 $0x1BF5;
	p2 =	por !p2, p0  }
0x20: {  	[sflag:s8] =	ssyncset.s32 @!p0 $0xFFFFF086;
	s6 =	sadd.s32 @!p0 s3, s7;
	s7 =	simm.s32 @!p0 $0x108  }
0x21: {  	s3 =	sadd.s32 s3, s9;
	s6 =	sadd.s32 @!p0 $0x88, s6;
	s7 =	simm.s32 @p2 $0x1082  }
0x22: {  	[simem:s7], [sflag:s8] =	dma.local @!p0 [hbm:s6], $0xF7A  }
0x23: {  	s9 =	sor.u32 $0xD0000000, s2;
	s6 =	simm.s32 $0x108;
	_ =	swait.ge @!p0 [sflag:s8], $0x0  }
0x24: {  	s3 =	sadd.s32 $0x88, s3;
	s6 =	simm.s32 @!p1 $0x1082;
	[sflag:s4] =	ssyncset.s32 $0xFFFFF086  }
0x25: {  	[simem:s6], [sflag:s4] =	dma.local [hbm:s3], $0xF7A  }
0x26: {  	[smem:$0x3F8A] =	sst s1;
	(tag) =	ssettag s2;
	_ =	strace s9  }
0x27: {  	s1 =	sld [smem:$0x3F9A]  }
0x28: {  	s2 =	sld [smem:$0x3F9B]  }
0x29: {  	s4 =	sld [smem:$0x3F9D]  }
0x2a: {  	p0 =	seq.s32 s5, $0x0;
	s5 =	sld [smem:$0x3F9E]  }
0x2b: {  	s6 =	sld [smem:$0x3F9F]  }
0x2c: {  	s7 =	sld [smem:$0x3FA0]  }
0x2d: {  	s3 =	simm.s32 $0x108;
	s8 =	sld [smem:$0x3FA1]  }
0x2e: {  	s3 =	simm.s32 @!p0 $0x1082;
	s9 =	sld [smem:$0x3FA2]  }
0x2f: {  	lr =	sadd.s32 s0, s3;
	s0 =	sld [smem:$0x3F99]  }
0x30: {  	s3 =	sld [smem:$0x3F9C]  }
0x31: {  	[smem:$0x3FA5] =	sst s10  }
0x32: {  	s10 =	sld [smem:$0x3FA3];
	_ =	sdelay $0x3  }
0x33: {  	p0 =	seq.s32 s10, $0x1;
	s10 =	sld [smem:$0x3FA5];
	_ =	sdelay $0x3  }
0x34: {  	[smem:$0x3FA5] =	sst s10  }
0x35: {  	s10 =	sld [smem:$0x3FA4];
	_ =	sdelay $0x3  }
0x36: {  	p1 =	seq.s32 s10, $0x1;
	s10 =	sld [smem:$0x3FA5];
	_ =	sdelay $0x3  }
0x37: {  	[smem:$0x3FA5] =	sst s10  }
0x38: {  	s10 =	sld [smem:$0x3FA6]  }
0x39: {  	_ = 	snop;
	(pc) =	sbr.ind lr, $3  }
0x3a: {  	_ = 	snop  }
0x3b: {  	_ = 	snop  }
0x3c: {  	p2 =	seq.s32 s10, $0x1;
	s10 =	sld [smem:$0x3FA5]  }
0x3d: {  	_ =	shalt  }
0x3e: {  	_ =	shalt  }
0x3f: {  	_ =	shalt  }
0x40: {  	_ =	shalt  }
0x41: {  	_ =	shalt  }
0x42: {  	_ =	shalt  }
0x43: {  	_ =	shalt  }
0x44: {  	_ =	shalt  }
0x45: {  	_ =	shalt  }
0x46: {  	_ =	shalt  }
0x47: {  	_ =	shalt  }
0x48: {  	_ =	shalt  }
0x49: {  	_ =	shalt  }
0x4a: {  	_ =	shalt  }
0x4b: {  	_ =	shalt  }
0x4c: {  	_ =	shalt  }
0x4d: {  	_ =	shalt  }
0x4e: {  	_ =	shalt  }
0x4f: {  	_ =	shalt  }
0x50: {  	_ =	shalt  }
0x51: {  	_ =	shalt  }
0x52: {  	_ =	shalt  }
0x53: {  	_ =	shalt  }
0x54: {  	_ =	shalt  }
0x55: {  	_ =	shalt  }
0x56: {  	_ =	shalt  }
0x57: {  	_ =	shalt  }
0x58: {  	_ =	shalt  }
0x59: {  	_ =	shalt  }
0x5a: {  	_ =	shalt  }
0x5b: {  	_ =	shalt  }
0x5c: {  	_ =	shalt  }
0x5d: {  	_ =	shalt  }
0x5e: {  	_ =	shalt  }
0x5f: {  	_ =	shalt  }
0x60: {  	_ =	shalt  }
0x61: {  	_ =	shalt  }
0x62: {  	_ =	shalt  }
0x63: {  	_ =	shalt  }
0x64: {  	_ =	shalt  }
0x65: {  	_ =	shalt  }
0x66: {  	_ =	shalt  }
0x67: {  	_ =	shalt  }
0x68: {  	_ =	shalt  }
0x69: {  	_ =	shalt  }
0x6a: {  	_ =	shalt  }
0x6b: {  	_ =	shalt  }
0x6c: {  	_ =	shalt  }
0x6d: {  	_ =	shalt  }
0x6e: {  	_ =	shalt  }
0x6f: {  	_ =	shalt  }
0x70: {  	_ =	shalt  }
0x71: {  	_ =	shalt  }
0x72: {  	_ =	shalt  }
0x73: {  	_ =	shalt  }
0x74: {  	_ =	shalt  }
0x75: {  	_ =	shalt  }
0x76: {  	_ =	shalt  }
0x77: {  	_ =	shalt  }
0x78: {  	_ =	shalt  }
0x79: {  	_ =	shalt  }
0x7a: {  	_ =	shalt  }
0x7b: {  	_ =	shalt  }
0x7c: {  	_ =	shalt  }
0x7d: {  	_ =	shalt  }
0x7e: {  	_ =	shalt  }
0x7f: {  	_ =	shalt  }
0x80: {  	_ =	shalt  }
0x81: {  	_ =	shalt  }
0x82: {  	_ =	shalt  }
0x83: {  	_ =	shalt  }
0x84: {  	_ =	shalt  }
0x85: {  	_ =	shalt  }
0x86: {  	_ =	shalt  }
0x87: {  	_ =	shalt  }
.Lfunc_end0:
.L_simem_size_0:
called_computation.3_lowered:
.L_overlay_start_0:
0x88: {  	s2 =	sld [smem:$0x3FD9]  }
0x89: {  	s3 =	sld [smem:$0x3FFE];
	_ =	sdelay $0x1  }
0x8a: {  	s1 =	srdreg.scid  }
0x8b: {  	s0 =	sand.u32 $0x1, s1  }
0x8c: {  	s16 =	sshll.u32 s0, $0xA;
	s2 =	sadd.s32 s3, s2  }
0x8d: {  	s2 =	sadd.s32 s2, s16  }
0x8e: {  	[smem:$0x3FB1] =	sst s2  }
0x8f: {  	_ = 	snop  }
0x90: {  	(tm) =	ssettm $0x1  }
0x91: {  	s17 =	sld [smem:$0x3FFB];
	_ =	sdelay $0x3  }
0x92: {  	_ =	strace s17  }
0x93: {  	s2 =	sld [smem:$0x3FFC];
	_ =	sdelay $0x3  }
0x94: {  	_ =	strace s2  }
0x95: {  	s2 =	sld [smem:$0x3FFD];
	_ =	sdelay $0x3  }
0x96: {  	_ =	strace s2  }
0x97: {  	_ =	strace $0x8FFFFFFF  }
0x98: {  	s18 =	sld [smem:$0x3FDB];
	_ =	sdelay $0x1  }
0x99: {  	s19 =	simm.s32 $_scs_section_size  }
0x9a: {  	s4 =	simm.s32 $_size__tile_overlayer_lowered;
	s5 =	simm.s32 $_tile_overlayer_lowered  }
0x9b: {  	s22 =	simm.s32 $0x1BFF;
	s21 =	sshll.u32 s5, $0x1;
	s2 =	sadd.s32 s19, s18  }
0x9c: {  	s6 =	simm.s32 $0x0;
	s20 =	sshll.u32 s4, $0x1;
	s4 =	sadd.s32 s21, s2  }
0x9d: {  	[timem:s6], [sflag:s22] =	dma.local [hbm:s4], s20  }
0x9e: {  	_ =	swait.ge [sflag:s22], s20  }
0x9f: {  	s3 =	ssub.s32 $0x0, s20;
	[sflag:s22] =	ssyncset.done $0x0  }
0xa0: {  	[sflag:s22] =	ssyncadd.s32 s3;
	_ =	sdelay $0x1  }
0xa1: {  	s23 =	simm.s32 $0x1B8B  }
0xa2: {  	_ =	swait.ge [sflag:s23], $0x1  }
0xa3: {  	[sflag:s23] =	ssyncset.done $0x0  }
0xa4: {  	s25 =	simm.s32 $0x1B8E;
	s24 =	sld [smem:$0x3FFE];
	[sflag:s23] =	ssyncadd.s32 $0xFFFFFFFF  }
0xa5: {  	s26 =	simm.s32 $execute0_lowered;
	[smem:$0x3FD2] =	sst s25  }
0xa6: {  	s4 =	sshll.u32 s26, $0x1;
	_ =	strace $0x8000004F;
	[dreg:$0x1] =	wrdreg $0xFFFFFFFF  }
0xa7: {  	s28 =	simm.s32 $_size_execute0_lowered;
	s2 =	sadd.s32 s2, s4;
	[dreg:$0x0] =	wrdreg $0x0  }
0xa8: {  	s4 =	sshll.u32 s28, $0x1;
	[dreg:$0x2] =	wrdreg s2  }
0xa9: {  	[dreg:$0x3] =	wrdreg s4  }
0xaa: {  	[dreg:$0x4] =	wrdreg $0xC0  }
0xab: {  	_ =	task [dreg:s6], $0x5FFFF  }
0xac: {  	[dreg:$0x1] =	wrdreg $0xFFFFFFFF  }
0xad: {  	[dreg:$0x0] =	wrdreg $0x60  }
0xae: {  	[dreg:$0x2] =	wrdreg s24  }
0xaf: {  	[dreg:$0x3] =	wrdreg $0x9  }
0xb0: {  	_ =	task.clear_ibuf [dreg:s6], $0x4FFFF;
	_ =	strace $0x9000004F  }
0xb1: {  	s29 =	simm.s32 $0x9;
	_ =	strace $0x80000051  }
0xb2: {  	_ =	swait.ge [sflag:s29], $0x1  }
0xb3: {  	[sflag:s29] =	ssyncadd.s32 $0xFFFFFFFF  }
0xb4: {  	_ =	strace $0x90000051  }
0xb5: {  	_ =	sfence  }
0xb6: {  	s30 =	sld [smem:$0x0];
	_ =	sdelay $0x2  }
0xb7: {  	s31 =	sshll.u32 s1, $0xD;
	s1 =	sshrl.u32 s1, $0x2  }
0xb8: {  	s3 =	sand.u32 $0x4000, s31;
	s1 =	sadd.s32 s1, s30  }
0xb9: {  	s0 =	sor.u32 s3, s0;
	s1 =	sshll.u32 s1, $0x11  }
0xba: {  	s0 =	sor.u32 s1, s0  }
0xbb: {  	s0 =	sadd.s32 $0x8F2B, s0  }
0xbc: {  	[sflag:s0] =	ssyncadd.remote.s32 $0x1  }
0xbd: {  	_ =	sfence.sel $0xFFFF  }
0xbe: {  	[dreg:$0x0] =	wrdreg $0xFFFFFFFF;
	(pc) =	sbr.abs _section_cstart, $3  }
0xbf: {  	[dreg:$0x1] =	wrdreg $0xFFFFFFFF  }
0xc0: {  	_ =	task.clear_ibuf [dreg:s6], $0x2FFFF;
	_ =	strace $0x9FFFFFFF  }
0xc1: {  	(tm) =	ssettm $0x7FFFFFFF  }
tec
execute0_lowered:
.L_overlay_start_1:
0x0: {  	(tag) =	ssettag $0x1  }
0x1: {  	s1 =	srdreg.scid;
	s0 =	stileid.u32  }
0x2: {  	s6 =	sand.u32 $0x1, s1;
	s30 =	sshll.u32 s0, $0x1  }
0x3: {  	s8 =	rddreg [dreg:$0x0];
	s7 =	sor.u32 s6, s30  }
0x4: {  	s2 =	simm.s32 $0x0;
	s1 =	rddreg [dreg:$0x1];
	s3 =	smul.u32 $0x271, s7  }
0x5: {  	[smem:$0x7FF] =	sst s2;
	s5 =	sadd.s32 $0x5200, s8  }
0x6: {  	_ =	strace $0x80000050;
	s10 =	ssub.s32 $0x2, s6;
	s3 =	sadd.s32 s3, s8  }
0x7: {  	s6 =	simm.s32 $0x1388;
	s4 =	sadd.s32 $0xA200, s3;
	s3 =	simm.s32 $0x2  }
0x8: {  	[tilespmem:s2], [sflag:$0x2] =	stream.linear.gather [hbm4b:s4+s2], $0x1388, $0x38;
	[tilespmem:$0x14C08] =	vst v63  }
0x9: {  	s9 =	smul.u32 $0x2710, s7;
	s11 =	sshrl.u32 s10, $0x1;
	_ =	swait.ge [sflag:s3], $0x1388  }
0xa: {  	s7 =	simm.s32 $0x1;
	s31 =	ssub.s32 s10, s11;
	[sflag:s3] =	ssyncset.done $0x0  }
0xb: {  	s8 =	sadd.s32 s9, s8;
	s9 =	smax.u32 s31, $0x1;
	[sflag:s3] =	ssyncadd.s32 $0xFFFFEC78  }
0xc: {  	[tilespmem:s6], [sflag:$0x1] =	stream.indirect.gather [hbm4b:s5+s6], $0x10, s2, s6, $0xb8;
	[tilespmem:$0x14C08] =	vst v63  }
0xd: {  	p0 =	sne.s32 s9, $0x1;
	_ =	swait.ge [sflag:s7], $0x13880  }
.Ltmp0:
0xe: {  	[sflag:s7] =	ssyncset.done $0x0;
	(pc) =	sbr.rel @!p0 .LBB2_2-.Ltmp0, $4  }
0xf: {  	s8 =	sadd.s32 $0x14200, s8;
	[sflag:s7] =	ssyncadd.s32 $0xFFFEC780  }
0x10: {  	[hbm4b:s8+s2] =	stream.linear.scatter [tilespmem:s6], [sflag:$0x2], $0x13880, $0x38;
	[tilespmem:$0x14C08] =	vst v63  }
0x11: {  	_ =	swait.ge [sflag:s3], $0x13880  }
0x12: {  	s9 =	sadd.s32 $0xFFFFFFFF, s9;
	[sflag:s3] =	ssyncset.done $0x0  }
.LBB2_1:
0x13: {  	p0 =	sne.s32 s9, $0x1;
	s9 =	sadd.s32 $0xFFFFFFFF, s9;
	[sflag:s3] =	ssyncadd.s32 $0xFFFEC780  }
0x14: {  	[tilespmem:s2], [sflag:$0x2] =	stream.linear.gather [hbm4b:s4+s2], $0x1388, $0x38;
	[tilespmem:$0x14C08] =	vst v63  }
0x15: {  	_ =	swait.ge [sflag:s3], $0x1388  }
0x16: {  	[sflag:s3] =	ssyncset.done $0x0  }
0x17: {  	[sflag:s3] =	ssyncadd.s32 $0xFFFFEC78  }
0x18: {  	[tilespmem:s6], [sflag:$0x1] =	stream.indirect.gather [hbm4b:s5+s6], $0x10, s2, s6, $0xb8;
	[tilespmem:$0x14C08] =	vst v63  }
0x19: {  	_ =	swait.ge [sflag:s7], $0x13880  }
.Ltmp1:
0x1a: {  	[sflag:s7] =	ssyncset.done $0x0;
	(pc) =	sbr.rel @p0 .LBB2_1-.Ltmp1, $4  }
0x1b: {  	[sflag:s7] =	ssyncadd.s32 $0xFFFEC780  }
0x1c: {  	[hbm4b:s8+s2] =	stream.linear.scatter [tilespmem:s6], [sflag:$0x2], $0x13880, $0x38;
	[tilespmem:$0x14C08] =	vst v63  }
0x1d: {  	_ =	swait.ge [sflag:s3], $0x13880  }
0x1e: {  	[sflag:s3] =	ssyncset.done $0x0  }
.LBB2_2:
0x1f: {  	[sflag:s3] =	ssyncadd.s32 $0xFFFEC780  }
0x20: {  	_ =	sfence.sel $0x180000  }
0x21: {  	[bflag:$0x0] =	sbarrier.arrive $0xFFFF  }
0x22: {  	p0 =	sne.s32 s0, $0x0;
	_ =	strace $0x90000050  }
0x23: {  	s0 =	sadd.s32 @!p0 $0x100000, s1;
	[bflag:$0x2] =	sbarrier.arrive $0xFFFF  }
0x24: {  	[sflag:s0] =	ssyncadd.tile.s32 @!p0 $0x1;
	_ =	shalt  }
.Lfunc_end2:
_tile_overlayer_lowered:
.L_overlay_start_2:
0x25: {  	(tag) =	ssettag $0x2  }
0x26: {  	s0 =	rddreg [dreg:$0x0];
	s2 =	stileid.u32  }
0x27: {  	s1 =	rddreg [dreg:$0x1];
	p0 =	sne.s32 s2, $0x0  }
0x28: {  	s3 =	rddreg [dreg:$0x2];
	[bflag:$0x3] =	sbarrier.arrive $0xFFFF;
	s2 =	simm.s32 @!p0 $0x1C02  }
0x29: {  	[timem:s3], [sflag:s2] =	dma.local @!p0 [hbm:s0], s1  }
0x2a: {  	s0 =	simm.s32 @!p0 $0x2  }
0x2b: {  	_ =	swait.ge @!p0 [sflag:s0], s1  }
0x2c: {  	s1 =	ssub.s32 @!p0 $0x0, s1;
	[sflag:s0] =	ssyncset.done @!p0 $0x0  }
0x2d: {  	[sflag:s0] =	ssyncadd.s32 @!p0 s1  }
0x2e: {  	[bflag:$0x3] =	sbarrier.arrive $0xFFFF  }
0x2f: {  	_ =	shalt  }

// kernel: kernel.23.cloned.1.call-start
scs
__scs_entry_jumppad:
0x0: {  	(pc) =	sbr.rel $0x88, $3  }
0x1: {  	(tag) =	ssettag $0x0;
	lr =	simm.s32 $0x1  }
0x2: {  	[smem:$0x3F8A] =	sst lr;
	_ =	strace $0xD0000000  }
0x3: {  	_ = 	snop  }
0x4: {  	_ = 	snop  }
0x5: {  	_ = 	snop  }
0x6: {  	_ = 	snop  }
0x7: {  	_ = 	snop  }
__scs_overlays_trampoline_lowered:
0x8: {  	[smem:$0x3F99] =	sst s0  }
0x9: {  	[smem:$0x3F9A] =	sst s1  }
0xa: {  	[smem:$0x3F9B] =	sst s2  }
0xb: {  	[smem:$0x3F9C] =	sst s3  }
0xc: {  	[smem:$0x3F9D] =	sst s4  }
0xd: {  	[smem:$0x3F9E] =	sst s5  }
0xe: {  	[smem:$0x3F9F] =	sst s6  }
0xf: {  	[smem:$0x3FA0] =	sst s7  }
0x10: {  	[smem:$0x3FA1] =	sst s8  }
0x11: {  	[smem:$0x3FA2] =	sst s9;
	s0 =	simm.s32 @!p0 $0x0  }
0x12: {  	s1 =	sld [smem:$0x3F88];
	s0 =	simm.s32 @p0 $0x1  }
0x13: {  	[smem:$0x3FA3] =	sst s0;
	s0 =	simm.s32 @!p1 $0x0  }
0x14: {  	s2 =	sld [smem:$0x3F87];
	s0 =	simm.s32 @p1 $0x1  }
0x15: {  	[smem:$0x3FA4] =	sst s0;
	s0 =	simm.s32 @!p2 $0x0  }
0x16: {  	s3 =	sld [smem:$0x3FDB];
	s0 =	simm.s32 @p2 $0x1  }
0x17: {  	s4 =	simm.s32 $0x1BF5;
	[smem:$0x3FA6] =	sst s0  }
0x18: {  	s0 =	sld [smem:$0x3F89];
	_ =	swait.ge [sflag:s4], $0x0  }
0x19: {  	s7 =	sld [smem:$0x3F8A]  }
0x1a: {  	s8 =	sadd.s32 $0xFFFFE003, lr  }
0x1b: {  	s9 =	sadd.s32 $0xFFFFFEF7, lr;
	s5 =	simm.s32 $0xFFFFFFFF;
	p2 =	slt.u32 s8, $0xFFFFF086  }
0x1c: {  	p1 =	slt.u32 s9, $0xF7A;
	s5 =	simm.s32 @!p2 $0x0  }
0x1d: {  	s5 =	simm.s32 @p1 $0x1;
	p0 =	seq.s32 s7, s2  }
0x1e: {  	s7 =	smul.u32 @!p0 $0xF7A, s2;
	p2 =	seq.s32 @!p0 s5, $0x0  }
0x1f: {  	s9 =	smul.u32 $0xF7A, s1;
	s8 =	simm.s32 @!p0 $0x1BF5;
	p2 =	por !p2, p0  }
0x20: {  	[sflag:s8] =	ssyncset.s32 @!p0 $0xFFFFF086;
	s6 =	sadd.s32 @!p0 s3, s7;
	s7 =	simm.s32 @!p0 $0x108  }
0x21: {  	s3 =	sadd.s32 s3, s9;
	s6 =	sadd.s32 @!p0 $0x88, s6;
	s7 =	simm.s32 @p2 $0x1082  }
0x22: {  	[simem:s7], [sflag:s8] =	dma.local @!p0 [hbm:s6], $0xF7A  }
0x23: {  	s9 =	sor.u32 $0xD0000000, s2;
	s6 =	simm.s32 $0x108;
	_ =	swait.ge @!p0 [sflag:s8], $0x0  }
0x24: {  	s3 =	sadd.s32 $0x88, s3;
	s6 =	simm.s32 @!p1 $0x1082;
	[sflag:s4] =	ssyncset.s32 $0xFFFFF086  }
0x25: {  	[simem:s6], [sflag:s4] =	dma.local [hbm:s3], $0xF7A  }
0x26: {  	[smem:$0x3F8A] =	sst s1;
	(tag) =	ssettag s2;
	_ =	strace s9  }
0x27: {  	s1 =	sld [smem:$0x3F9A]  }
0x28: {  	s2 =	sld [smem:$0x3F9B]  }
0x29: {  	s4 =	sld [smem:$0x3F9D]  }
0x2a: {  	p0 =	seq.s32 s5, $0x0;
	s5 =	sld [smem:$0x3F9E]  }
0x2b: {  	s6 =	sld [smem:$0x3F9F]  }
0x2c: {  	s7 =	sld [smem:$0x3FA0]  }
0x2d: {  	s3 =	simm.s32 $0x108;
	s8 =	sld [smem:$0x3FA1]  }
0x2e: {  	s3 =	simm.s32 @!p0 $0x1082;
	s9 =	sld [smem:$0x3FA2]  }
0x2f: {  	lr =	sadd.s32 s0, s3;
	s0 =	sld [smem:$0x3F99]  }
0x30: {  	s3 =	sld [smem:$0x3F9C]  }
0x31: {  	[smem:$0x3FA5] =	sst s10  }
0x32: {  	s10 =	sld [smem:$0x3FA3];
	_ =	sdelay $0x3  }
0x33: {  	p0 =	seq.s32 s10, $0x1;
	s10 =	sld [smem:$0x3FA5];
	_ =	sdelay $0x3  }
0x34: {  	[smem:$0x3FA5] =	sst s10  }
0x35: {  	s10 =	sld [smem:$0x3FA4];
	_ =	sdelay $0x3  }
0x36: {  	p1 =	seq.s32 s10, $0x1;
	s10 =	sld [smem:$0x3FA5];
	_ =	sdelay $0x3  }
0x37: {  	[smem:$0x3FA5] =	sst s10  }
0x38: {  	s10 =	sld [smem:$0x3FA6]  }
0x39: {  	_ = 	snop;
	(pc) =	sbr.ind lr, $3  }
0x3a: {  	_ = 	snop  }
0x3b: {  	_ = 	snop  }
0x3c: {  	p2 =	seq.s32 s10, $0x1;
	s10 =	sld [smem:$0x3FA5]  }
0x3d: {  	_ =	shalt  }
0x3e: {  	_ =	shalt  }
0x3f: {  	_ =	shalt  }
0x40: {  	_ =	shalt  }
0x41: {  	_ =	shalt  }
0x42: {  	_ =	shalt  }
0x43: {  	_ =	shalt  }
0x44: {  	_ =	shalt  }
0x45: {  	_ =	shalt  }
0x46: {  	_ =	shalt  }
0x47: {  	_ =	shalt  }
0x48: {  	_ =	shalt  }
0x49: {  	_ =	shalt  }
0x4a: {  	_ =	shalt  }
0x4b: {  	_ =	shalt  }
0x4c: {  	_ =	shalt  }
0x4d: {  	_ =	shalt  }
0x4e: {  	_ =	shalt  }
0x4f: {  	_ =	shalt  }
0x50: {  	_ =	shalt  }
0x51: {  	_ =	shalt  }
0x52: {  	_ =	shalt  }
0x53: {  	_ =	shalt  }
0x54: {  	_ =	shalt  }
0x55: {  	_ =	shalt  }
0x56: {  	_ =	shalt  }
0x57: {  	_ =	shalt  }
0x58: {  	_ =	shalt  }
0x59: {  	_ =	shalt  }
0x5a: {  	_ =	shalt  }
0x5b: {  	_ =	shalt  }
0x5c: {  	_ =	shalt  }
0x5d: {  	_ =	shalt  }
0x5e: {  	_ =	shalt  }
0x5f: {  	_ =	shalt  }
0x60: {  	_ =	shalt  }
0x61: {  	_ =	shalt  }
0x62: {  	_ =	shalt  }
0x63: {  	_ =	shalt  }
0x64: {  	_ =	shalt  }
0x65: {  	_ =	shalt  }
0x66: {  	_ =	shalt  }
0x67: {  	_ =	shalt  }
0x68: {  	_ =	shalt  }
0x69: {  	_ =	shalt  }
0x6a: {  	_ =	shalt  }
0x6b: {  	_ =	shalt  }
0x6c: {  	_ =	shalt  }
0x6d: {  	_ =	shalt  }
0x6e: {  	_ =	shalt  }
0x6f: {  	_ =	shalt  }
0x70: {  	_ =	shalt  }
0x71: {  	_ =	shalt  }
0x72: {  	_ =	shalt  }
0x73: {  	_ =	shalt  }
0x74: {  	_ =	shalt  }
0x75: {  	_ =	shalt  }
0x76: {  	_ =	shalt  }
0x77: {  	_ =	shalt  }
0x78: {  	_ =	shalt  }
0x79: {  	_ =	shalt  }
0x7a: {  	_ =	shalt  }
0x7b: {  	_ =	shalt  }
0x7c: {  	_ =	shalt  }
0x7d: {  	_ =	shalt  }
0x7e: {  	_ =	shalt  }
0x7f: {  	_ =	shalt  }
0x80: {  	_ =	shalt  }
0x81: {  	_ =	shalt  }
0x82: {  	_ =	shalt  }
0x83: {  	_ =	shalt  }
0x84: {  	_ =	shalt  }
0x85: {  	_ =	shalt  }
0x86: {  	_ =	shalt  }
0x87: {  	_ =	shalt  }
.Lfunc_end0:
.L_simem_size_0:
called_computation.4_lowered:
.L_overlay_start_0:
0x88: {  	s2 =	sld [smem:$0x3FD9]  }
0x89: {  	s3 =	sld [smem:$0x3FFE];
	_ =	sdelay $0x1  }
0x8a: {  	s1 =	srdreg.scid  }
0x8b: {  	s0 =	sand.u32 $0x1, s1  }
0x8c: {  	s16 =	sshll.u32 s0, $0xA;
	s2 =	sadd.s32 s3, s2  }
0x8d: {  	s2 =	sadd.s32 s2, s16  }
0x8e: {  	[smem:$0x3FB1] =	sst s2  }
0x8f: {  	_ = 	snop  }
0x90: {  	(tm) =	ssettm $0x1  }
0x91: {  	s17 =	sld [smem:$0x3FFB];
	_ =	sdelay $0x3  }
0x92: {  	_ =	strace s17  }
0x93: {  	s2 =	sld [smem:$0x3FFC];
	_ =	sdelay $0x3  }
0x94: {  	_ =	strace s2  }
0x95: {  	s2 =	sld [smem:$0x3FFD];
	_ =	sdelay $0x3  }
0x96: {  	_ =	strace s2  }
0x97: {  	_ =	strace $0x8FFFFFFF  }
0x98: {  	s18 =	sld [smem:$0x3FDB];
	_ =	sdelay $0x1  }
0x99: {  	s19 =	simm.s32 $_scs_section_size  }
0x9a: {  	s4 =	simm.s32 $_size__tile_overlayer_lowered;
	s5 =	simm.s32 $_tile_overlayer_lowered  }
0x9b: {  	s22 =	simm.s32 $0x1BFF;
	s21 =	sshll.u32 s5, $0x1;
	s2 =	sadd.s32 s19, s18  }
0x9c: {  	s6 =	simm.s32 $0x0;
	s20 =	sshll.u32 s4, $0x1;
	s4 =	sadd.s32 s21, s2  }
0x9d: {  	[timem:s6], [sflag:s22] =	dma.local [hbm:s4], s20  }
0x9e: {  	_ =	swait.ge [sflag:s22], s20  }
0x9f: {  	s3 =	ssub.s32 $0x0, s20;
	[sflag:s22] =	ssyncset.done $0x0  }
0xa0: {  	[sflag:s22] =	ssyncadd.s32 s3;
	_ =	sdelay $0x1  }
0xa1: {  	s23 =	simm.s32 $0x1B8B  }
0xa2: {  	_ =	swait.ge [sflag:s23], $0x1  }
0xa3: {  	[sflag:s23] =	ssyncset.done $0x0  }
0xa4: {  	s25 =	simm.s32 $0x1B8E;
	s24 =	sld [smem:$0x3FFE];
	[sflag:s23] =	ssyncadd.s32 $0xFFFFFFFF  }
0xa5: {  	s26 =	simm.s32 $execute0_lowered;
	[smem:$0x3FD2] =	sst s25  }
0xa6: {  	s4 =	sshll.u32 s26, $0x1;
	_ =	strace $0x80000052;
	[dreg:$0x1] =	wrdreg $0xFFFFFFFF  }
0xa7: {  	s28 =	simm.s32 $_size_execute0_lowered;
	s2 =	sadd.s32 s2, s4;
	[dreg:$0x0] =	wrdreg $0x0  }
0xa8: {  	s4 =	sshll.u32 s28, $0x1;
	[dreg:$0x2] =	wrdreg s2  }
0xa9: {  	[dreg:$0x3] =	wrdreg s4  }
0xaa: {  	[dreg:$0x4] =	wrdreg $0xC0  }
0xab: {  	_ =	task [dreg:s6], $0x5FFFF  }
0xac: {  	[dreg:$0x1] =	wrdreg $0xFFFFFFFF  }
0xad: {  	[dreg:$0x0] =	wrdreg $0x60  }
0xae: {  	[dreg:$0x2] =	wrdreg s24  }
0xaf: {  	[dreg:$0x3] =	wrdreg $0x69780  }
0xb0: {  	[dreg:$0x4] =	wrdreg $0x9  }
0xb1: {  	_ =	task.clear_ibuf [dreg:s6], $0x5FFFF;
	_ =	strace $0x90000052  }
0xb2: {  	s29 =	simm.s32 $0x9;
	_ =	strace $0x80000054  }
0xb3: {  	_ =	swait.ge [sflag:s29], $0x1  }
0xb4: {  	[sflag:s29] =	ssyncadd.s32 $0xFFFFFFFF  }
0xb5: {  	_ =	strace $0x90000054  }
0xb6: {  	_ =	sfence  }
0xb7: {  	s30 =	sld [smem:$0x0];
	_ =	sdelay $0x2  }
0xb8: {  	s31 =	sshll.u32 s1, $0xD;
	s1 =	sshrl.u32 s1, $0x2  }
0xb9: {  	s3 =	sand.u32 $0x4000, s31;
	s1 =	sadd.s32 s1, s30  }
0xba: {  	s0 =	sor.u32 s3, s0;
	s1 =	sshll.u32 s1, $0x11  }
0xbb: {  	s0 =	sor.u32 s1, s0  }
0xbc: {  	s0 =	sadd.s32 $0x8F2B, s0  }
0xbd: {  	[sflag:s0] =	ssyncadd.remote.s32 $0x1  }
0xbe: {  	_ =	sfence.sel $0xFFFF  }
0xbf: {  	[dreg:$0x0] =	wrdreg $0xFFFFFFFF;
	(pc) =	sbr.abs _section_cstart, $3  }
0xc0: {  	[dreg:$0x1] =	wrdreg $0xFFFFFFFF  }
0xc1: {  	_ =	task.clear_ibuf [dreg:s6], $0x2FFFF;
	_ =	strace $0x9FFFFFFF  }
0xc2: {  	(tm) =	ssettm $0x7FFFFFFF  }
0xc3: {  	_ =	shalt  }
tec
execute0_lowered:
.L_overlay_start_1:
0x0: {  	(tag) =	ssettag $0x1  }
0x1: {  	s4 =	rddreg [dreg:$0x0]  }
0x2: {  	s2 =	rddreg [dreg:$0x1]  }
0x3: {  	s0 =	rddreg [dreg:$0x2]  }
0x4: {  	s3 =	simm.s32 $0x0;
	s5 =	srdreg.scid;
	s1 =	stileid.u32  }
0x5: {  	s19 =	simm.s32 $0x3E80;
	s20 =	simm.s32 $0x3E8;
	s21 =	simm.s32 $0x0  }
0x6: {  	[smem:$0x7FF] =	sst s3;
	s5 =	sand.u32 $0x1, s5;
	s6 =	smul.u32 $0x2710, s1  }
0x7: {  	s13 =	sadd.s32 $0x14200, s4;
	s7 =	smul.u32 $0x27100, s5;
	s8 =	sshll.u32 s5, $0x4  }
0x8: {  	s14 =	sadd.s32 $0xF200, s4;
	s5 =	ssub.s32 $0x2, s5;
	s8 =	sor.u32 s1, s8  }
0x9: {  	s9 =	sshrl.u32 s5, $0x1;
	s7 =	sadd.s32 s6, s7;
	s12 =	smul.u32 $0x1388, s8  }
0xa: {  	s8 =	smul.u32 $0x2710, s8;
	s16 =	ssub.s32 s5, s9;
	s7 =	sshrl.u32 s7, $0x3  }
0xb: {  	_ =	strace $0x80000053;
	s16 =	smax.u32 s16, $0x1;
	s15 =	sadd.s32 s7, s4  }
0xc: {  	s4 =	sadd.s32 s6, s2;
	s5 =	sadd.s32 s13, s8;
	s24 =	sshrl.u32 s12, $0x3  }
0xd: {  	s25 =	sadd.s32 $0x3E8, s12;
	s29 =	sadd.s32 $0x7D0, s12;
	s17 =	sadd.s32 $0xBB8, s12  }
0xe: {  	s18 =	sadd.s32 $0xFA0, s12;
	s6 =	sadd.s32 s14, s24;
	s26 =	sshll.u32 s25, $0x1  }
0xf: {  	s28 =	sshrl.u32 s25, $0x3;
	s10 =	sshll.u32 s29, $0x1;
	s11 =	sshrl.u32 s29, $0x3  }
0x10: {  	s30 =	sshll.u32 s17, $0x1;
	s17 =	sshrl.u32 s17, $0x3;
	s31 =	sshll.u32 s18, $0x1  }
0x11: {  	s18 =	sshrl.u32 s18, $0x3;
	s15 =	sadd.s32 $0x5200, s15;
	s7 =	sadd.s32 s13, s26  }
0x12: {  	s8 =	sadd.s32 s14, s28;
	s9 =	sadd.s32 s13, s10;
	s10 =	sadd.s32 s14, s11  }
0x13: {  	s11 =	sadd.s32 s13, s30;
	s12 =	sadd.s32 s14, s17;
	s13 =	sadd.s32 s13, s31  }
0x14: {  	v0 =	vimm.f32 $0.0e+00;
	s14 =	sadd.s32 s14, s18;
	s17 =	simm.s32 $0x4268;
	s18 =	simm.s32 $0x1  }
.LBB2_1:
0x15: {  	s22 =	simm.s32 $0x40;
	s23 =	simm.s32 $0x0  }
.LBB2_2:
0x16: {  	p0 =	sne.s32 s22, $0x9C00;
	[tilespmem:s23+$0x4268] =	vst v0;
	s23 =	smov.u32 s22;
	s22 =	sadd.s32 $0x40, s22  }
.Ltmp0:
0x17: {  	(pc) =	sbr.rel @p0 .LBB2_2-.Ltmp0, $2  }
0x18: {  	_ =	sdelay $0x2  }
0x19: {  	s23 =	sshra.s32 s23, $0x2  }
0x1a: {  	[tilespmem:s23+$0x4268] =	vst v0  }
0x1b: {  	[spmem:s4] =	stream.linear.scatter [tilespmem:s17], [sflag:$0x1], $0x2710, $0x38;
	[tilespmem:$0x9088] =	vst v63  }
0x1c: {  	_ =	swait.ge [sflag:s18], $0x2710  }
0x1d: {  	[sflag:s18] =	ssyncset.done $0x0  }
0x1e: {  	[sflag:s18] =	ssyncadd.s32 $0xFFFFD8F0  }
0x1f: {  	[bflag:$0x0] =	sbarrier.arrive $0xFFFF  }
0x20: {  	[tilespmem:s3], [sflag:$0x1] =	stream.linear.gather [hbm4b:s5+s3], $0x3E80, $0x38;
	[tilespmem:$0x9088] =	vst v63  }
0x21: {  	_ =	swait.ge [sflag:s18], $0x3E80  }
0x22: {  	[sflag:s18] =	ssyncset.done $0x0  }
0x23: {  	[sflag:s18] =	ssyncadd.s32 $0xFFFFC180  }
0x24: {  	[tilespmem:s19], [sflag:$0x1] =	stream.linear.gather [hbm4b:s6+s3], $0x3E8, $0x38;
	[tilespmem:$0x9088] =	vst v63  }
0x25: {  	_ =	swait.ge [sflag:s18], $0x3E8  }
0x26: {  	[sflag:s18] =	ssyncset.done $0x0  }
0x27: {  	[sflag:s18] =	ssyncadd.s32 $0xFFFFFC18  }
0x28: {  	[spmem:s2] =	stream.indirect.scatter.add.f32 [tilespmem:s3], [sflag:$0x1], $0x10, s19, s20, $0xb8;
	[tilespmem:$0x9088] =	vst v63  }
0x29: {  	_ =	swait.ge [sflag:s18], $0x3E80  }
0x2a: {  	[sflag:s18] =	ssyncset.done $0x0  }
0x2b: {  	[sflag:s18] =	ssyncadd.s32 $0xFFFFC180  }
0x2c: {  	[tilespmem:s3], [sflag:$0x1] =	stream.linear.gather [hbm4b:s7+s3], $0x3E80, $0x38;
	[tilespmem:$0x9088] =	vst v63  }
0x2d: {  	_ =	swait.ge [sflag:s18], $0x3E80  }
0x2e: {  	[sflag:s18] =	ssyncset.done $0x0  }
0x2f: {  	[sflag:s18] =	ssyncadd.s32 $0xFFFFC180  }
0x30: {  	[tilespmem:s19], [sflag:$0x1] =	stream.linear.gather [hbm4b:s8+s3], $0x3E8, $0x38;
	[tilespmem:$0x9088] =	vst v63  }
0x31: {  	_ =	swait.ge [sflag:s18], $0x3E8  }
0x32: {  	[sflag:s18] =	ssyncset.done $0x0  }
0x33: {  	[sflag:s18] =	ssyncadd.s32 $0xFFFFFC18  }
0x34: {  	[spmem:s2] =	stream.indirect.scatter.add.f32 [tilespmem:s3], [sflag:$0x1], $0x10, s19, s20, $0xb8;
	[tilespmem:$0x9088] =	vst v63  }
0x35: {  	_ =	swait.ge [sflag:s18], $0x3E80  }
0x36: {  	[sflag:s18] =	ssyncset.done $0x0  }
0x37: {  	[sflag:s18] =	ssyncadd.s32 $0xFFFFC180  }
0x38: {  	[tilespmem:s3], [sflag:$0x1] =	stream.linear.gather [hbm4b:s9+s3], $0x3E80, $0x38;
	[tilespmem:$0x9088] =	vst v63  }
0x39: {  	_ =	swait.ge [sflag:s18], $0x3E80  }
0x3a: {  	[sflag:s18] =	ssyncset.done $0x0  }
0x3b: {  	[sflag:s18] =	ssyncadd.s32 $0xFFFFC180  }
0x3c: {  	[tilespmem:s19], [sflag:$0x1] =	stream.linear.gather [hbm4b:s10+s3], $0x3E8, $0x38;
	[tilespmem:$0x9088] =	vst v63  }
0x3d: {  	_ =	swait.ge [sflag:s18], $0x3E8  }
0x3e: {  	[sflag:s18] =	ssyncset.done $0x0  }
0x3f: {  	[sflag:s18] =	ssyncadd.s32 $0xFFFFFC18  }
0x40: {  	[spmem:s2] =	stream.indirect.scatter.add.f32 [tilespmem:s3], [sflag:$0x1], $0x10, s19, s20, $0xb8;
	[tilespmem:$0x9088] =	vst v63  }
0x41: {  	_ =	swait.ge [sflag:s18], $0x3E80  }
0x42: {  	[sflag:s18] =	ssyncset.done $0x0  }
0x43: {  	[sflag:s18] =	ssyncadd.s32 $0xFFFFC180  }
0x44: {  	[tilespmem:s3], [sflag:$0x1] =	stream.linear.gather [hbm4b:s11+s3], $0x3E80, $0x38;
	[tilespmem:$0x9088] =	vst v63  }
0x45: {  	_ =	swait.ge [sflag:s18], $0x3E80  }
0x46: {  	[sflag:s18] =	ssyncset.done $0x0  }
0x47: {  	[sflag:s18] =	ssyncadd.s32 $0xFFFFC180  }
0x48: {  	[tilespmem:s19], [sflag:$0x1] =	stream.linear.gather [hbm4b:s12+s3], $0x3E8, $0x38;
	[tilespmem:$0x9088] =	vst v63  }
0x49: {  	_ =	swait.ge [sflag:s18], $0x3E8  }
0x4a: {  	[sflag:s18] =	ssyncset.done $0x0  }
0x4b: {  	[sflag:s18] =	ssyncadd.s32 $0xFFFFFC18  }
0x4c: {  	[spmem:s2] =	stream.indirect.scatter.add.f32 [tilespmem:s3], [sflag:$0x1], $0x10, s19, s20, $0xb8;
	[tilespmem:$0x9088] =	vst v63  }
0x4d: {  	_ =	swait.ge [sflag:s18], $0x3E80  }
0x4e: {  	[sflag:s18] =	ssyncset.done $0x0  }
0x4f: {  	[sflag:s18] =	ssyncadd.s32 $0xFFFFC180  }
0x50: {  	[tilespmem:s3], [sflag:$0x1] =	stream.linear.gather [hbm4b:s13+s3], $0x3E80, $0x38;
	[tilespmem:$0x9088] =	vst v63  }
0x51: {  	_ =	swait.ge [sflag:s18], $0x3E80  }
0x52: {  	[sflag:s18] =	ssyncset.done $0x0  }
0x53: {  	[sflag:s18] =	ssyncadd.s32 $0xFFFFC180  }
0x54: {  	[tilespmem:s19], [sflag:$0x1] =	stream.linear.gather [hbm4b:s14+s3], $0x3E8, $0x38;
	[tilespmem:$0x9088] =	vst v63  }
0x55: {  	_ =	swait.ge [sflag:s18], $0x3E8  }
0x56: {  	[sflag:s18] =	ssyncset.done $0x0  }
0x57: {  	[sflag:s18] =	ssyncadd.s32 $0xFFFFFC18  }
0x58: {  	[spmem:s2] =	stream.indirect.scatter.add.f32 [tilespmem:s3], [sflag:$0x1], $0x10, s19, s20, $0xb8;
	[tilespmem:$0x9088] =	vst v63  }
0x59: {  	_ =	swait.ge [sflag:s18], $0x3E80  }
0x5a: {  	[sflag:s18] =	ssyncset.done $0x0  }
0x5b: {  	[sflag:s18] =	ssyncadd.s32 $0xFFFFC180  }
0x5c: {  	[bflag:$0x0] =	sbarrier.arrive $0xFFFF  }
0x5d: {  	[tilespmem:s17], [sflag:$0x1] =	stream.linear.gather [spmem:s4], $0x2710, $0x38;
	[tilespmem:$0x9088] =	vst v63  }
0x5e: {  	s21 =	sadd.s32 $0x1, s21;
	_ =	swait.ge [sflag:s18], $0x2710  }
0x5f: {  	p0 =	sne.s32 s21, s16;
	[sflag:s18] =	ssyncset.done $0x0  }
.Ltmp1:
0x60: {  	[sflag:s18] =	ssyncadd.s32 $0xFFFFD8F0;
	(pc) =	sbr.rel @p0 .LBB2_1-.Ltmp1, $4  }
0x61: {  	[hbm4b:s15+s3] =	stream.linear.scatter [tilespmem:s17], [sflag:$0x1], $0x2710, $0x38;
	[tilespmem:$0x9088] =	vst v63  }
0x62: {  	_ =	swait.ge [sflag:s18], $0x2710  }
0x63: {  	[sflag:s18] =	ssyncset.done $0x0  }
0x64: {  	[sflag:s18] =	ssyncadd.s32 $0xFFFFD8F0  }
0x65: {  	_ =	sfence.sel $0x180000  }
0x66: {  	[bflag:$0x0] =	sbarrier.arrive $0xFFFF  }
0x67: {  	p0 =	sne.s32 s1, $0x0;
	_ =	strace $0x90000053  }
0x68: {  	s0 =	sadd.s32 @!p0 $0x100000, s0;
	[bflag:$0x2] =	sbarrier.arrive $0xFFFF  }
0x69: {  	[sflag:s0] =	ssyncadd.tile.s32 @!p0 $0x1;
	_ =	shalt  }
.Lfunc_end2:
_tile_overlayer_lowered:
.L_overlay_start_2:
0x6a: {  	(tag) =	ssettag $0x2  }
0x6b: {  	s0 =	rddreg [dreg:$0x0];
	s2 =	stileid.u32  }
0x6c: {  	s1 =	rddreg [dreg:$0x1];
	p0 =	sne.s32 s2, $0x0  }
0x6d: {  	s3 =	rddreg [dreg:$0x2];
	[bflag:$0x3] =	sbarrier.arrive $0xFFFF;
	s2 =	simm.s32 @!p0 $0x1C01  }
0x6e: {  	[timem:s3], [sflag:s2] =	dma.local @!p0 [hbm:s0], s1  }
0x6f: {  	s0 =	simm.s32 @!p0 $0x1  }
0x70: {  	_ =	swait.ge @!p0 [sflag:s0], s1  }
0x71: {  	s1 =	ssub.s32 @!p0 $0x0, s1;
	[sflag:s0] =	ssyncset.done @!p0 $0x0  }
0x72: {  	[sflag:s0] =	ssyncadd.s32 @!p0 s1  }
0x73: {  	[bflag:$0x3] =	sbarrier.arrive $0xFFFF  }
0x74: {  	_ =	shalt  }

</sc_bundles>
